<compile_context>
chip_gen: v7x
topology: tpu7x:2x2x1
jax: 0.10.2.dev20260603
libtpu: 0.0.44.dev20260713+nightly
codegen_flags: <defaults>
</compile_context>

<pallas_src>
import functools

import jax
import jax.numpy as jnp
from jax import lax
from jax.experimental import pallas as pl
from jax.experimental.pallas import tpu as pltpu
from jax.experimental.pallas import tpu_sc as plsc

N = 1000
B = 16384
NC = 1
NS = 16
LANES = 16
NW = NC * NS
CHUNK = B // NW
NPAD = 1024


def _tc_lse_body(w_ref, wa_ref, t_ref):
    w = w_ref[...]
    m = jnp.max(w, axis=1, keepdims=True)
    s = jnp.sum(jnp.exp(w - m), axis=1, keepdims=True)
    lse_rows = m + jnp.log(s)
    wa = wa_ref[...]
    ma = jnp.max(wa)
    sa = jnp.sum(jnp.exp(wa - ma))
    lse_a = ma + jnp.log(sa)
    comb = wa - lse_a - lse_rows
    t = jnp.pad(w + comb, ((0, 0), (0, NPAD - N)))
    t_ref[...] = t.reshape(N, 8, 128)


def _sc_gather(ab_hbm, t_hbm, out_hbm, ab_v, flat_v, g_v, sem_i, sem_g,
               sem_o):
    wid = lax.axis_index("s") * NC + lax.axis_index("c")
    ins = [pltpu.async_copy(ab_hbm.at[wid, c], ab_v.at[c], sem_i.at[c])
           for c in range(CHUNK // 128)]

    copies = []
    for c in range(CHUNK // 128):
        ins[c].wait()
        for j in range(128 // LANES):
            a16 = ab_v[c, 0, pl.ds(j * LANES, LANES)]
            b16 = ab_v[c, 1, pl.ds(j * LANES, LANES)]
            flat_v[pl.ds(c * 128 + j * LANES, LANES)] = a16 * NPAD + b16
        copies.append(pltpu.async_copy(
            t_hbm.at[flat_v.at[pl.ds(c * 128, 128)]],
            g_v.at[pl.ds(c * 128, 128)], sem_g.at[c]))

    outs = []
    for c in range(CHUNK // 128):
        copies[c].wait()
        outs.append(pltpu.async_copy(
            g_v.at[pl.ds(c * 128, 128)],
            out_hbm.at[pl.ds(wid * CHUNK + c * 128, 128)], sem_o.at[c]))
    for cp in outs:
        cp.wait()


@functools.partial(
    pl.kernel,
    mesh=plsc.VectorSubcoreMesh(core_axis_name="c", subcore_axis_name="s",
                                num_cores=NC),
    out_type=jax.ShapeDtypeStruct((B,), jnp.float32),
    scratch_types=[
        pltpu.VMEM((CHUNK // 128, 2, 128), jnp.int32),
        pltpu.VMEM((CHUNK,), jnp.int32),
        pltpu.VMEM((CHUNK,), jnp.float32),
        pltpu.SemaphoreType.DMA((CHUNK // 128,)),
        pltpu.SemaphoreType.DMA((CHUNK // 128,)),
        pltpu.SemaphoreType.DMA((CHUNK // 128,)),
    ],
)
def _sc_kernel(ab_hbm, t_hbm, out_hbm, ab_v, flat_v, g_v, sem_i, sem_g,
               sem_o):
    _sc_gather(ab_hbm, t_hbm, out_hbm, ab_v, flat_v, g_v, sem_i, sem_g,
               sem_o)


def kernel(inputs, w_A, w_B_A):
    ab = jnp.stack(
        [inputs[:, 0].astype(jnp.int32).reshape(NW, CHUNK // 128, 128),
         inputs[:, 1].astype(jnp.int32).reshape(NW, CHUNK // 128, 128)],
        axis=2)

    t = pl.pallas_call(
        _tc_lse_body,
        out_shape=jax.ShapeDtypeStruct((N, 8, NPAD // 8), jnp.float32),
    )(w_B_A, w_A.reshape(N, 1))

    return _sc_kernel(ab, t.reshape(-1))

# --- scband reference (transcript-rebuilt; emitter-appended) ---
"""Pipeline reference for scband-model1-12687333392537 (READ-ONLY COPY).

The authoritative reference and input builder live on the scoring server;
editing this copy changes nothing except your own understanding.
"""

import jax, jax.numpy as jnp
import numpy as np

N = 1000
B = 16384

def setup_inputs(seed: int = 0) -> dict:
    key = jax.random.key(seed)
    k1, k2, k3 = jax.random.split(key, 3)
    inputs = jax.random.randint(k1, (B, 2), 0, N, dtype=jnp.int64)
    # learned parameters: marginal logits w_A [N], conditional logits w_B_A [N, N]
    w_A = jax.random.normal(k2, (N,), dtype=jnp.float32)
    w_B_A = jax.random.normal(k3, (N, N), dtype=jnp.float32)
    return {"inputs": inputs, "w_A": w_A, "w_B_A": w_B_A}

def reference(inputs, w_A, w_B_A):
    # split into A and B index columns (torch.split(inputs, 1, dim=1) + squeeze)
    inputs_A = inputs[:, 0]
    inputs_B = inputs[:, 1]
    # Marginal: log p_A(a) = log_softmax(w_A)[a]
    log_pi_A = jax.nn.log_softmax(w_A)
    logp_A = jnp.take(log_pi_A, inputs_A, axis=0)
    # Conditional: log p_B|A(b|a) = log_softmax(w_B_A, axis=1)[a, b]
    log_pi_B_A = jax.nn.log_softmax(w_B_A, axis=1)
    rows = jnp.take(log_pi_B_A, inputs_A, axis=0)  # [B, N]
    logp_B_A = jnp.take_along_axis(rows, inputs_B[:, None], axis=1)[:, 0]
    return logp_A + logp_B_A

if __name__ == "__main__":
    import jax
    _d = setup_inputs()
    print(jax.jit(kernel)(*tuple(_d.values())))

</pallas_src>

<mosaic_0001>
#map = affine_map<(d0, d1) -> (0, 0, 0, 0)>
#map1 = affine_map<(d0, d1) -> (0)>
module attributes {stable_mosaic.version = 14 : i64} {
  func.func @_sc_kernel(%arg0: i32, %arg1: i32, %arg2: memref<16x8x2x128xi32, #tpu.memory_space<hbm>>, %arg3: memref<1024000xf32, #tpu.memory_space<hbm>>, %arg4: memref<16384xf32, #tpu.memory_space<hbm>>, %arg5: memref<8x2x128xi32, #tpu.memory_space<vmem>>, %arg6: memref<1024xi32, #tpu.memory_space<vmem>>, %arg7: memref<1024xf32, #tpu.memory_space<vmem>>, %arg8: memref<8x!tpu.dma_semaphore, #tpu.memory_space<semaphore_mem>>, %arg9: memref<8x!tpu.dma_semaphore, #tpu.memory_space<semaphore_mem>>, %arg10: memref<8x!tpu.dma_semaphore, #tpu.memory_space<semaphore_mem>>) attributes {dimension_semantics = [#tpu.dimension_semantics<core_parallel>, #tpu.dimension_semantics<subcore_parallel>], iteration_bounds = array<i64: 1, 16>, scalar_prefetch = 0 : i64, scratch_operands = 6 : i64, tpu.core_type = #tpu.core_type<sc_vector_subcore>, window_params = [{transform_indices = #map}, {transform_indices = #map1}, {transform_indices = #map1}]} {
    %mul3A = arith.constant 1 : i32
    %mul3A_0 = arith.muli %arg1, %mul3A : i32
    %add3A = arith.addi %mul3A_0, %arg0 : i32
    %dma_start3A = arith.constant 0 : i32
    %dma_start3A_1 = arith.constant 0 : i32
    %dma_start3A_2 = arith.constant 0 : i32
    %dma_start3A_3 = arith.constant 0 : i32
    %dma_start3A_4 = arith.constant 0 : i32
    %dma_start3A_5 = tpu.memref_slice %arg5[%dma_start3A_1, %dma_start3A_3, %dma_start3A_4] : memref<8x2x128xi32, #tpu.memory_space<vmem>> -> memref<1x2x128xi32, #tpu.memory_space<vmem>>
    %dma_start3A_6 = tpu.memref_squeeze %dma_start3A_5 : memref<1x2x128xi32, #tpu.memory_space<vmem>> -> memref<2x128xi32, #tpu.memory_space<vmem>>
    %dma_start3A_7 = arith.constant 0 : i32
    %dma_start3A_8 = arith.constant 0 : i32
    %dma_start3A_9 = tpu.memref_slice %arg2[%add3A, %dma_start3A, %dma_start3A_7, %dma_start3A_8] : memref<16x8x2x128xi32, #tpu.memory_space<hbm>> -> memref<1x1x2x128xi32, #tpu.memory_space<hbm>>
    %dma_start3A_10 = tpu.memref_squeeze %dma_start3A_9 : memref<1x1x2x128xi32, #tpu.memory_space<hbm>> -> memref<2x128xi32, #tpu.memory_space<hbm>>
    %dma_start3A_11 = tpu.memref_slice %arg8[%dma_start3A_2] : memref<8x!tpu.dma_semaphore, #tpu.memory_space<semaphore_mem>> -> memref<1x!tpu.dma_semaphore, #tpu.memory_space<semaphore_mem>>
    %dma_start3A_12 = tpu.memref_squeeze %dma_start3A_11 : memref<1x!tpu.dma_semaphore, #tpu.memory_space<semaphore_mem>> -> memref<!tpu.dma_semaphore, #tpu.memory_space<semaphore_mem>>
    %dma_start3A_13 = arith.constant 0 : i32
    %dma_start3A_14 = arith.constant 0 : i32
    %dma_start3A_15 = tpu.memref_slice %arg5[%dma_start3A_1, %dma_start3A_13, %dma_start3A_14] : memref<8x2x128xi32, #tpu.memory_space<vmem>> -> memref<1x2x128xi32, #tpu.memory_space<vmem>>
    %dma_start3A_16 = tpu.memref_squeeze %dma_start3A_15 : memref<1x2x128xi32, #tpu.memory_space<vmem>> -> memref<2x128xi32, #tpu.memory_space<vmem>>
    %dma_start3A_17 = arith.constant 0 : i32
    %dma_start3A_18 = arith.constant 0 : i32
    %dma_start3A_19 = tpu.memref_slice %arg2[%add3A, %dma_start3A, %dma_start3A_17, %dma_start3A_18] : memref<16x8x2x128xi32, #tpu.memory_space<hbm>> -> memref<1x1x2x128xi32, #tpu.memory_space<hbm>>
    %dma_start3A_20 = tpu.memref_squeeze %dma_start3A_19 : memref<1x1x2x128xi32, #tpu.memory_space<hbm>> -> memref<2x128xi32, #tpu.memory_space<hbm>>
    tpu.enqueue_dma source(%dma_start3A_20 : memref<2x128xi32, #tpu.memory_space<hbm>>) target(%dma_start3A_16 : memref<2x128xi32, #tpu.memory_space<vmem>>) target_semaphore(%dma_start3A_12 : memref<!tpu.dma_semaphore, #tpu.memory_space<semaphore_mem>>)
    %dma_start3A_21 = arith.constant 1 : i32
    %dma_start3A_22 = arith.constant 1 : i32
    %dma_start3A_23 = arith.constant 1 : i32
    %dma_start3A_24 = arith.constant 0 : i32
    %dma_start3A_25 = arith.constant 0 : i32
    %dma_start3A_26 = tpu.memref_slice %arg5[%dma_start3A_22, %dma_start3A_24, %dma_start3A_25] : memref<8x2x128xi32, #tpu.memory_space<vmem>> -> memref<1x2x128xi32, #tpu.memory_space<vmem>>
    %dma_start3A_27 = tpu.memref_squeeze %dma_start3A_26 : memref<1x2x128xi32, #tpu.memory_space<vmem>> -> memref<2x128xi32, #tpu.memory_space<vmem>>
    %dma_start3A_28 = arith.constant 0 : i32
    %dma_start3A_29 = arith.constant 0 : i32
    %dma_start3A_30 = tpu.memref_slice %arg2[%add3A, %dma_start3A_21, %dma_start3A_28, %dma_start3A_29] : memref<16x8x2x128xi32, #tpu.memory_space<hbm>> -> memref<1x1x2x128xi32, #tpu.memory_space<hbm>>
    %dma_start3A_31 = tpu.memref_squeeze %dma_start3A_30 : memref<1x1x2x128xi32, #tpu.memory_space<hbm>> -> memref<2x128xi32, #tpu.memory_space<hbm>>
    %dma_start3A_32 = tpu.memref_slice %arg8[%dma_start3A_23] : memref<8x!tpu.dma_semaphore, #tpu.memory_space<semaphore_mem>> -> memref<1x!tpu.dma_semaphore, #tpu.memory_space<semaphore_mem>>
    %dma_start3A_33 = tpu.memref_squeeze %dma_start3A_32 : memref<1x!tpu.dma_semaphore, #tpu.memory_space<semaphore_mem>> -> memref<!tpu.dma_semaphore, #tpu.memory_space<semaphore_mem>>
    %dma_start3A_34 = arith.constant 0 : i32
    %dma_start3A_35 = arith.constant 0 : i32
    %dma_start3A_36 = tpu.memref_slice %arg5[%dma_start3A_22, %dma_start3A_34, %dma_start3A_35] : memref<8x2x128xi32, #tpu.memory_space<vmem>> -> memref<1x2x128xi32, #tpu.memory_space<vmem>>
    %dma_start3A_37 = tpu.memref_squeeze %dma_start3A_36 : memref<1x2x128xi32, #tpu.memory_space<vmem>> -> memref<2x128xi32, #tpu.memory_space<vmem>>
    %dma_start3A_38 = arith.constant 0 : i32
    %dma_start3A_39 = arith.constant 0 : i32
    %dma_start3A_40 = tpu.memref_slice %arg2[%add3A, %dma_start3A_21, %dma_start3A_38, %dma_start3A_39] : memref<16x8x2x128xi32, #tpu.memory_space<hbm>> -> memref<1x1x2x128xi32, #tpu.memory_space<hbm>>
    %dma_start3A_41 = tpu.memref_squeeze %dma_start3A_40 : memref<1x1x2x128xi32, #tpu.memory_space<hbm>> -> memref<2x128xi32, #tpu.memory_space<hbm>>
    tpu.enqueue_dma source(%dma_start3A_41 : memref<2x128xi32, #tpu.memory_space<hbm>>) target(%dma_start3A_37 : memref<2x128xi32, #tpu.memory_space<vmem>>) target_semaphore(%dma_start3A_33 : memref<!tpu.dma_semaphore, #tpu.memory_space<semaphore_mem>>)
    %dma_start3A_42 = arith.constant 2 : i32
    %dma_start3A_43 = arith.constant 2 : i32
    %dma_start3A_44 = arith.constant 2 : i32
    %dma_start3A_45 = arith.constant 0 : i32
    %dma_start3A_46 = arith.constant 0 : i32
    %dma_start3A_47 = tpu.memref_slice %arg5[%dma_start3A_43, %dma_start3A_45, %dma_start3A_46] : memref<8x2x128xi32, #tpu.memory_space<vmem>> -> memref<1x2x128xi32, #tpu.memory_space<vmem>>
    %dma_start3A_48 = tpu.memref_squeeze %dma_start3A_47 : memref<1x2x128xi32, #tpu.memory_space<vmem>> -> memref<2x128xi32, #tpu.memory_space<vmem>>
    %dma_start3A_49 = arith.constant 0 : i32
    %dma_start3A_50 = arith.constant 0 : i32
    %dma_start3A_51 = tpu.memref_slice %arg2[%add3A, %dma_start3A_42, %dma_start3A_49, %dma_start3A_50] : memref<16x8x2x128xi32, #tpu.memory_space<hbm>> -> memref<1x1x2x128xi32, #tpu.memory_space<hbm>>
    %dma_start3A_52 = tpu.memref_squeeze %dma_start3A_51 : memref<1x1x2x128xi32, #tpu.memory_space<hbm>> -> memref<2x128xi32, #tpu.memory_space<hbm>>
    %dma_start3A_53 = tpu.memref_slice %arg8[%dma_start3A_44] : memref<8x!tpu.dma_semaphore, #tpu.memory_space<semaphore_mem>> -> memref<1x!tpu.dma_semaphore, #tpu.memory_space<semaphore_mem>>
    %dma_start3A_54 = tpu.memref_squeeze %dma_start3A_53 : memref<1x!tpu.dma_semaphore, #tpu.memory_space<semaphore_mem>> -> memref<!tpu.dma_semaphore, #tpu.memory_space<semaphore_mem>>
    %dma_start3A_55 = arith.constant 0 : i32
    %dma_start3A_56 = arith.constant 0 : i32
    %dma_start3A_57 = tpu.memref_slice %arg5[%dma_start3A_43, %dma_start3A_55, %dma_start3A_56] : memref<8x2x128xi32, #tpu.memory_space<vmem>> -> memref<1x2x128xi32, #tpu.memory_space<vmem>>
    %dma_start3A_58 = tpu.memref_squeeze %dma_start3A_57 : memref<1x2x128xi32, #tpu.memory_space<vmem>> -> memref<2x128xi32, #tpu.memory_space<vmem>>
    %dma_start3A_59 = arith.constant 0 : i32
    %dma_start3A_60 = arith.constant 0 : i32
    %dma_start3A_61 = tpu.memref_slice %arg2[%add3A, %dma_start3A_42, %dma_start3A_59, %dma_start3A_60] : memref<16x8x2x128xi32, #tpu.memory_space<hbm>> -> memref<1x1x2x128xi32, #tpu.memory_space<hbm>>
    %dma_start3A_62 = tpu.memref_squeeze %dma_start3A_61 : memref<1x1x2x128xi32, #tpu.memory_space<hbm>> -> memref<2x128xi32, #tpu.memory_space<hbm>>
    tpu.enqueue_dma source(%dma_start3A_62 : memref<2x128xi32, #tpu.memory_space<hbm>>) target(%dma_start3A_58 : memref<2x128xi32, #tpu.memory_space<vmem>>) target_semaphore(%dma_start3A_54 : memref<!tpu.dma_semaphore, #tpu.memory_space<semaphore_mem>>)
    %dma_start3A_63 = arith.constant 3 : i32
    %dma_start3A_64 = arith.constant 3 : i32
    %dma_start3A_65 = arith.constant 3 : i32
    %dma_start3A_66 = arith.constant 0 : i32
    %dma_start3A_67 = arith.constant 0 : i32
    %dma_start3A_68 = tpu.memref_slice %arg5[%dma_start3A_64, %dma_start3A_66, %dma_start3A_67] : memref<8x2x128xi32, #tpu.memory_space<vmem>> -> memref<1x2x128xi32, #tpu.memory_space<vmem>>
    %dma_start3A_69 = tpu.memref_squeeze %dma_start3A_68 : memref<1x2x128xi32, #tpu.memory_space<vmem>> -> memref<2x128xi32, #tpu.memory_space<vmem>>
    %dma_start3A_70 = arith.constant 0 : i32
    %dma_start3A_71 = arith.constant 0 : i32
    %dma_start3A_72 = tpu.memref_slice %arg2[%add3A, %dma_start3A_63, %dma_start3A_70, %dma_start3A_71] : memref<16x8x2x128xi32, #tpu.memory_space<hbm>> -> memref<1x1x2x128xi32, #tpu.memory_space<hbm>>
    %dma_start3A_73 = tpu.memref_squeeze %dma_start3A_72 : memref<1x1x2x128xi32, #tpu.memory_space<hbm>> -> memref<2x128xi32, #tpu.memory_space<hbm>>
    %dma_start3A_74 = tpu.memref_slice %arg8[%dma_start3A_65] : memref<8x!tpu.dma_semaphore, #tpu.memory_space<semaphore_mem>> -> memref<1x!tpu.dma_semaphore, #tpu.memory_space<semaphore_mem>>
    %dma_start3A_75 = tpu.memref_squeeze %dma_start3A_74 : memref<1x!tpu.dma_semaphore, #tpu.memory_space<semaphore_mem>> -> memref<!tpu.dma_semaphore, #tpu.memory_space<semaphore_mem>>
    %dma_start3A_76 = arith.constant 0 : i32
    %dma_start3A_77 = arith.constant 0 : i32
    %dma_start3A_78 = tpu.memref_slice %arg5[%dma_start3A_64, %dma_start3A_76, %dma_start3A_77] : memref<8x2x128xi32, #tpu.memory_space<vmem>> -> memref<1x2x128xi32, #tpu.memory_space<vmem>>
    %dma_start3A_79 = tpu.memref_squeeze %dma_start3A_78 : memref<1x2x128xi32, #tpu.memory_space<vmem>> -> memref<2x128xi32, #tpu.memory_space<vmem>>
    %dma_start3A_80 = arith.constant 0 : i32
    %dma_start3A_81 = arith.constant 0 : i32
    %dma_start3A_82 = tpu.memref_slice %arg2[%add3A, %dma_start3A_63, %dma_start3A_80, %dma_start3A_81] : memref<16x8x2x128xi32, #tpu.memory_space<hbm>> -> memref<1x1x2x128xi32, #tpu.memory_space<hbm>>
    %dma_start3A_83 = tpu.memref_squeeze %dma_start3A_82 : memref<1x1x2x128xi32, #tpu.memory_space<hbm>> -> memref<2x128xi32, #tpu.memory_space<hbm>>
    tpu.enqueue_dma source(%dma_start3A_83 : memref<2x128xi32, #tpu.memory_space<hbm>>) target(%dma_start3A_79 : memref<2x128xi32, #tpu.memory_space<vmem>>) target_semaphore(%dma_start3A_75 : memref<!tpu.dma_semaphore, #tpu.memory_space<semaphore_mem>>)
    %dma_start3A_84 = arith.constant 4 : i32
    %dma_start3A_85 = arith.constant 4 : i32
    %dma_start3A_86 = arith.constant 4 : i32
    %dma_start3A_87 = arith.constant 0 : i32
    %dma_start3A_88 = arith.constant 0 : i32
    %dma_start3A_89 = tpu.memref_slice %arg5[%dma_start3A_85, %dma_start3A_87, %dma_start3A_88] : memref<8x2x128xi32, #tpu.memory_space<vmem>> -> memref<1x2x128xi32, #tpu.memory_space<vmem>>
    %dma_start3A_90 = tpu.memref_squeeze %dma_start3A_89 : memref<1x2x128xi32, #tpu.memory_space<vmem>> -> memref<2x128xi32, #tpu.memory_space<vmem>>
    %dma_start3A_91 = arith.constant 0 : i32
    %dma_start3A_92 = arith.constant 0 : i32
    %dma_start3A_93 = tpu.memref_slice %arg2[%add3A, %dma_start3A_84, %dma_start3A_91, %dma_start3A_92] : memref<16x8x2x128xi32, #tpu.memory_space<hbm>> -> memref<1x1x2x128xi32, #tpu.memory_space<hbm>>
    %dma_start3A_94 = tpu.memref_squeeze %dma_start3A_93 : memref<1x1x2x128xi32, #tpu.memory_space<hbm>> -> memref<2x128xi32, #tpu.memory_space<hbm>>
    %dma_start3A_95 = tpu.memref_slice %arg8[%dma_start3A_86] : memref<8x!tpu.dma_semaphore, #tpu.memory_space<semaphore_mem>> -> memref<1x!tpu.dma_semaphore, #tpu.memory_space<semaphore_mem>>
    %dma_start3A_96 = tpu.memref_squeeze %dma_start3A_95 : memref<1x!tpu.dma_semaphore, #tpu.memory_space<semaphore_mem>> -> memref<!tpu.dma_semaphore, #tpu.memory_space<semaphore_mem>>
    %dma_start3A_97 = arith.constant 0 : i32
    %dma_start3A_98 = arith.constant 0 : i32
    %dma_start3A_99 = tpu.memref_slice %arg5[%dma_start3A_85, %dma_start3A_97, %dma_start3A_98] : memref<8x2x128xi32, #tpu.memory_space<vmem>> -> memref<1x2x128xi32, #tpu.memory_space<vmem>>
    %dma_start3A_100 = tpu.memref_squeeze %dma_start3A_99 : memref<1x2x128xi32, #tpu.memory_space<vmem>> -> memref<2x128xi32, #tpu.memory_space<vmem>>
    %dma_start3A_101 = arith.constant 0 : i32
    %dma_start3A_102 = arith.constant 0 : i32
    %dma_start3A_103 = tpu.memref_slice %arg2[%add3A, %dma_start3A_84, %dma_start3A_101, %dma_start3A_102] : memref<16x8x2x128xi32, #tpu.memory_space<hbm>> -> memref<1x1x2x128xi32, #tpu.memory_space<hbm>>
    %dma_start3A_104 = tpu.memref_squeeze %dma_start3A_103 : memref<1x1x2x128xi32, #tpu.memory_space<hbm>> -> memref<2x128xi32, #tpu.memory_space<hbm>>
    tpu.enqueue_dma source(%dma_start3A_104 : memref<2x128xi32, #tpu.memory_space<hbm>>) target(%dma_start3A_100 : memref<2x128xi32, #tpu.memory_space<vmem>>) target_semaphore(%dma_start3A_96 : memref<!tpu.dma_semaphore, #tpu.memory_space<semaphore_mem>>)
    %dma_start3A_105 = arith.constant 5 : i32
    %dma_start3A_106 = arith.constant 5 : i32
    %dma_start3A_107 = arith.constant 5 : i32
    %dma_start3A_108 = arith.constant 0 : i32
    %dma_start3A_109 = arith.constant 0 : i32
    %dma_start3A_110 = tpu.memref_slice %arg5[%dma_start3A_106, %dma_start3A_108, %dma_start3A_109] : memref<8x2x128xi32, #tpu.memory_space<vmem>> -> memref<1x2x128xi32, #tpu.memory_space<vmem>>
    %dma_start3A_111 = tpu.memref_squeeze %dma_start3A_110 : memref<1x2x128xi32, #tpu.memory_space<vmem>> -> memref<2x128xi32, #tpu.memory_space<vmem>>
    %dma_start3A_112 = arith.constant 0 : i32
    %dma_start3A_113 = arith.constant 0 : i32
    %dma_start3A_114 = tpu.memref_slice %arg2[%add3A, %dma_start3A_105, %dma_start3A_112, %dma_start3A_113] : memref<16x8x2x128xi32, #tpu.memory_space<hbm>> -> memref<1x1x2x128xi32, #tpu.memory_space<hbm>>
    %dma_start3A_115 = tpu.memref_squeeze %dma_start3A_114 : memref<1x1x2x128xi32, #tpu.memory_space<hbm>> -> memref<2x128xi32, #tpu.memory_space<hbm>>
    %dma_start3A_116 = tpu.memref_slice %arg8[%dma_start3A_107] : memref<8x!tpu.dma_semaphore, #tpu.memory_space<semaphore_mem>> -> memref<1x!tpu.dma_semaphore, #tpu.memory_space<semaphore_mem>>
    %dma_start3A_117 = tpu.memref_squeeze %dma_start3A_116 : memref<1x!tpu.dma_semaphore, #tpu.memory_space<semaphore_mem>> -> memref<!tpu.dma_semaphore, #tpu.memory_space<semaphore_mem>>
    %dma_start3A_118 = arith.constant 0 : i32
    %dma_start3A_119 = arith.constant 0 : i32
    %dma_start3A_120 = tpu.memref_slice %arg5[%dma_start3A_106, %dma_start3A_118, %dma_start3A_119] : memref<8x2x128xi32, #tpu.memory_space<vmem>> -> memref<1x2x128xi32, #tpu.memory_space<vmem>>
    %dma_start3A_121 = tpu.memref_squeeze %dma_start3A_120 : memref<1x2x128xi32, #tpu.memory_space<vmem>> -> memref<2x128xi32, #tpu.memory_space<vmem>>
    %dma_start3A_122 = arith.constant 0 : i32
    %dma_start3A_123 = arith.constant 0 : i32
    %dma_start3A_124 = tpu.memref_slice %arg2[%add3A, %dma_start3A_105, %dma_start3A_122, %dma_start3A_123] : memref<16x8x2x128xi32, #tpu.memory_space<hbm>> -> memref<1x1x2x128xi32, #tpu.memory_space<hbm>>
    %dma_start3A_125 = tpu.memref_squeeze %dma_start3A_124 : memref<1x1x2x128xi32, #tpu.memory_space<hbm>> -> memref<2x128xi32, #tpu.memory_space<hbm>>
    tpu.enqueue_dma source(%dma_start3A_125 : memref<2x128xi32, #tpu.memory_space<hbm>>) target(%dma_start3A_121 : memref<2x128xi32, #tpu.memory_space<vmem>>) target_semaphore(%dma_start3A_117 : memref<!tpu.dma_semaphore, #tpu.memory_space<semaphore_mem>>)
    %dma_start3A_126 = arith.constant 6 : i32
    %dma_start3A_127 = arith.constant 6 : i32
    %dma_start3A_128 = arith.constant 6 : i32
    %dma_start3A_129 = arith.constant 0 : i32
    %dma_start3A_130 = arith.constant 0 : i32
    %dma_start3A_131 = tpu.memref_slice %arg5[%dma_start3A_127, %dma_start3A_129, %dma_start3A_130] : memref<8x2x128xi32, #tpu.memory_space<vmem>> -> memref<1x2x128xi32, #tpu.memory_space<vmem>>
    %dma_start3A_132 = tpu.memref_squeeze %dma_start3A_131 : memref<1x2x128xi32, #tpu.memory_space<vmem>> -> memref<2x128xi32, #tpu.memory_space<vmem>>
    %dma_start3A_133 = arith.constant 0 : i32
    %dma_start3A_134 = arith.constant 0 : i32
    %dma_start3A_135 = tpu.memref_slice %arg2[%add3A, %dma_start3A_126, %dma_start3A_133, %dma_start3A_134] : memref<16x8x2x128xi32, #tpu.memory_space<hbm>> -> memref<1x1x2x128xi32, #tpu.memory_space<hbm>>
    %dma_start3A_136 = tpu.memref_squeeze %dma_start3A_135 : memref<1x1x2x128xi32, #tpu.memory_space<hbm>> -> memref<2x128xi32, #tpu.memory_space<hbm>>
    %dma_start3A_137 = tpu.memref_slice %arg8[%dma_start3A_128] : memref<8x!tpu.dma_semaphore, #tpu.memory_space<semaphore_mem>> -> memref<1x!tpu.dma_semaphore, #tpu.memory_space<semaphore_mem>>
    %dma_start3A_138 = tpu.memref_squeeze %dma_start3A_137 : memref<1x!tpu.dma_semaphore, #tpu.memory_space<semaphore_mem>> -> memref<!tpu.dma_semaphore, #tpu.memory_space<semaphore_mem>>
    %dma_start3A_139 = arith.constant 0 : i32
    %dma_start3A_140 = arith.constant 0 : i32
    %dma_start3A_141 = tpu.memref_slice %arg5[%dma_start3A_127, %dma_start3A_139, %dma_start3A_140] : memref<8x2x128xi32, #tpu.memory_space<vmem>> -> memref<1x2x128xi32, #tpu.memory_space<vmem>>
    %dma_start3A_142 = tpu.memref_squeeze %dma_start3A_141 : memref<1x2x128xi32, #tpu.memory_space<vmem>> -> memref<2x128xi32, #tpu.memory_space<vmem>>
    %dma_start3A_143 = arith.constant 0 : i32
    %dma_start3A_144 = arith.constant 0 : i32
    %dma_start3A_145 = tpu.memref_slice %arg2[%add3A, %dma_start3A_126, %dma_start3A_143, %dma_start3A_144] : memref<16x8x2x128xi32, #tpu.memory_space<hbm>> -> memref<1x1x2x128xi32, #tpu.memory_space<hbm>>
    %dma_start3A_146 = tpu.memref_squeeze %dma_start3A_145 : memref<1x1x2x128xi32, #tpu.memory_space<hbm>> -> memref<2x128xi32, #tpu.memory_space<hbm>>
    tpu.enqueue_dma source(%dma_start3A_146 : memref<2x128xi32, #tpu.memory_space<hbm>>) target(%dma_start3A_142 : memref<2x128xi32, #tpu.memory_space<vmem>>) target_semaphore(%dma_start3A_138 : memref<!tpu.dma_semaphore, #tpu.memory_space<semaphore_mem>>)
    %dma_start3A_147 = arith.constant 7 : i32
    %dma_start3A_148 = arith.constant 7 : i32
    %dma_start3A_149 = arith.constant 7 : i32
    %dma_start3A_150 = arith.constant 0 : i32
    %dma_start3A_151 = arith.constant 0 : i32
    %dma_start3A_152 = tpu.memref_slice %arg5[%dma_start3A_148, %dma_start3A_150, %dma_start3A_151] : memref<8x2x128xi32, #tpu.memory_space<vmem>> -> memref<1x2x128xi32, #tpu.memory_space<vmem>>
    %dma_start3A_153 = tpu.memref_squeeze %dma_start3A_152 : memref<1x2x128xi32, #tpu.memory_space<vmem>> -> memref<2x128xi32, #tpu.memory_space<vmem>>
    %dma_start3A_154 = arith.constant 0 : i32
    %dma_start3A_155 = arith.constant 0 : i32
    %dma_start3A_156 = tpu.memref_slice %arg2[%add3A, %dma_start3A_147, %dma_start3A_154, %dma_start3A_155] : memref<16x8x2x128xi32, #tpu.memory_space<hbm>> -> memref<1x1x2x128xi32, #tpu.memory_space<hbm>>
    %dma_start3A_157 = tpu.memref_squeeze %dma_start3A_156 : memref<1x1x2x128xi32, #tpu.memory_space<hbm>> -> memref<2x128xi32, #tpu.memory_space<hbm>>
    %dma_start3A_158 = tpu.memref_slice %arg8[%dma_start3A_149] : memref<8x!tpu.dma_semaphore, #tpu.memory_space<semaphore_mem>> -> memref<1x!tpu.dma_semaphore, #tpu.memory_space<semaphore_mem>>
    %dma_start3A_159 = tpu.memref_squeeze %dma_start3A_158 : memref<1x!tpu.dma_semaphore, #tpu.memory_space<semaphore_mem>> -> memref<!tpu.dma_semaphore, #tpu.memory_space<semaphore_mem>>
    %dma_start3A_160 = arith.constant 0 : i32
    %dma_start3A_161 = arith.constant 0 : i32
    %dma_start3A_162 = tpu.memref_slice %arg5[%dma_start3A_148, %dma_start3A_160, %dma_start3A_161] : memref<8x2x128xi32, #tpu.memory_space<vmem>> -> memref<1x2x128xi32, #tpu.memory_space<vmem>>
    %dma_start3A_163 = tpu.memref_squeeze %dma_start3A_162 : memref<1x2x128xi32, #tpu.memory_space<vmem>> -> memref<2x128xi32, #tpu.memory_space<vmem>>
    %dma_start3A_164 = arith.constant 0 : i32
    %dma_start3A_165 = arith.constant 0 : i32
    %dma_start3A_166 = tpu.memref_slice %arg2[%add3A, %dma_start3A_147, %dma_start3A_164, %dma_start3A_165] : memref<16x8x2x128xi32, #tpu.memory_space<hbm>> -> memref<1x1x2x128xi32, #tpu.memory_space<hbm>>
    %dma_start3A_167 = tpu.memref_squeeze %dma_start3A_166 : memref<1x1x2x128xi32, #tpu.memory_space<hbm>> -> memref<2x128xi32, #tpu.memory_space<hbm>>
    tpu.enqueue_dma source(%dma_start3A_167 : memref<2x128xi32, #tpu.memory_space<hbm>>) target(%dma_start3A_163 : memref<2x128xi32, #tpu.memory_space<vmem>>) target_semaphore(%dma_start3A_159 : memref<!tpu.dma_semaphore, #tpu.memory_space<semaphore_mem>>)
    %dma_wait3A = arith.constant 0 : i32
    %dma_wait3A_168 = arith.constant 0 : i32
    %dma_wait3A_169 = arith.constant 0 : i32
    %dma_wait3A_170 = arith.constant 0 : i32
    %dma_wait3A_171 = arith.constant 0 : i32
    %dma_wait3A_172 = tpu.memref_slice %arg5[%dma_wait3A_168, %dma_wait3A_170, %dma_wait3A_171] : memref<8x2x128xi32, #tpu.memory_space<vmem>> -> memref<1x2x128xi32, #tpu.memory_space<vmem>>
    %dma_wait3A_173 = tpu.memref_squeeze %dma_wait3A_172 : memref<1x2x128xi32, #tpu.memory_space<vmem>> -> memref<2x128xi32, #tpu.memory_space<vmem>>
    %dma_wait3A_174 = arith.constant 0 : i32
    %dma_wait3A_175 = arith.constant 0 : i32
    %dma_wait3A_176 = tpu.memref_slice %arg2[%add3A, %dma_wait3A, %dma_wait3A_174, %dma_wait3A_175] : memref<16x8x2x128xi32, #tpu.memory_space<hbm>> -> memref<1x1x2x128xi32, #tpu.memory_space<hbm>>
    %dma_wait3A_177 = tpu.memref_squeeze %dma_wait3A_176 : memref<1x1x2x128xi32, #tpu.memory_space<hbm>> -> memref<2x128xi32, #tpu.memory_space<hbm>>
    %dma_wait3A_178 = tpu.memref_slice %arg8[%dma_wait3A_169] : memref<8x!tpu.dma_semaphore, #tpu.memory_space<semaphore_mem>> -> memref<1x!tpu.dma_semaphore, #tpu.memory_space<semaphore_mem>>
    %dma_wait3A_179 = tpu.memref_squeeze %dma_wait3A_178 : memref<1x!tpu.dma_semaphore, #tpu.memory_space<semaphore_mem>> -> memref<!tpu.dma_semaphore, #tpu.memory_space<semaphore_mem>>
    %dma_wait3A_180 = arith.constant 0 : i32
    %dma_wait3A_181 = arith.constant 0 : i32
    %dma_wait3A_182 = tpu.memref_slice %arg5[%dma_wait3A_168, %dma_wait3A_180, %dma_wait3A_181] : memref<8x2x128xi32, #tpu.memory_space<vmem>> -> memref<1x2x128xi32, #tpu.memory_space<vmem>>
    %dma_wait3A_183 = tpu.memref_squeeze %dma_wait3A_182 : memref<1x2x128xi32, #tpu.memory_space<vmem>> -> memref<2x128xi32, #tpu.memory_space<vmem>>
    %dma_wait3A_184 = arith.constant 0 : i32
    %dma_wait3A_185 = arith.constant 0 : i32
    %dma_wait3A_186 = tpu.memref_slice %arg2[%add3A, %dma_wait3A, %dma_wait3A_184, %dma_wait3A_185] : memref<16x8x2x128xi32, #tpu.memory_space<hbm>> -> memref<1x1x2x128xi32, #tpu.memory_space<hbm>>
    %dma_wait3A_187 = tpu.memref_squeeze %dma_wait3A_186 : memref<1x1x2x128xi32, #tpu.memory_space<hbm>> -> memref<2x128xi32, #tpu.memory_space<hbm>>
    tpu.wait_dma2 semaphore(%dma_wait3A_179 : memref<!tpu.dma_semaphore, #tpu.memory_space<semaphore_mem>>) src(%dma_wait3A_187 : memref<2x128xi32, #tpu.memory_space<hbm>>) dst(%dma_wait3A_183 : memref<2x128xi32, #tpu.memory_space<vmem>>)
    %get3A = arith.constant 0 : i32
    %get3A_188 = arith.constant 0 : i32
    %get3A_189 = arith.index_cast %get3A : i32 to index
    %get3A_190 = arith.index_cast %get3A_188 : i32 to index
    %get3A_191 = arith.constant 0 : index
    %get3A_192 = tpu.vector_load %arg5[%get3A_189, %get3A_190, %get3A_191] {strides = array<i32>} : memref<8x2x128xi32, #tpu.memory_space<vmem>>, vector<1x1x16xi32>,
    %get3A_193 = vector.shape_cast %get3A_192 : vector<1x1x16xi32> to vector<16xi32>
    %get3A_194 = arith.constant 0 : i32
    %get3A_195 = arith.constant 1 : i32
    %get3A_196 = arith.index_cast %get3A_194 : i32 to index
    %get3A_197 = arith.index_cast %get3A_195 : i32 to index
    %get3A_198 = arith.constant 0 : index
    %get3A_199 = tpu.vector_load %arg5[%get3A_196, %get3A_197, %get3A_198] {strides = array<i32>} : memref<8x2x128xi32, #tpu.memory_space<vmem>>, vector<1x1x16xi32>,
    %get3A_200 = vector.shape_cast %get3A_199 : vector<1x1x16xi32> to vector<16xi32>
    %mul3A_201 = arith.constant 1024 : i32
    %mul3A_202 = vector.broadcast %mul3A_201 : i32 to vector<16xi32>
    %mul3A_203 = arith.muli %get3A_193, %mul3A_202 : vector<16xi32>
    %add3A_204 = arith.addi %mul3A_203, %get3A_200 : vector<16xi32>
    %swap3A = arith.constant 0 : index
    %swap3A_205 = tpu.vector_load %arg6[%swap3A] {strides = array<i32>} : memref<1024xi32, #tpu.memory_space<vmem>>, vector<16xi32>,
    %swap3A_206 = vector.shape_cast %swap3A_205 : vector<16xi32> to vector<16xi32>
    %swap3A_207 = vector.shape_cast %add3A_204 : vector<16xi32> to vector<16xi32>
    tpu.vector_store %arg6[%swap3A], %swap3A_207 {strides = array<i32>} : memref<1024xi32, #tpu.memory_space<vmem>>, vector<16xi32>,
    %get3A_208 = arith.constant 0 : i32
    %get3A_209 = arith.constant 0 : i32
    %get3A_210 = arith.index_cast %get3A_208 : i32 to index
    %get3A_211 = arith.index_cast %get3A_209 : i32 to index
    %get3A_212 = arith.constant 16 : index
    %get3A_213 = tpu.vector_load %arg5[%get3A_210, %get3A_211, %get3A_212] {strides = array<i32>} : memref<8x2x128xi32, #tpu.memory_space<vmem>>, vector<1x1x16xi32>,
    %get3A_214 = vector.shape_cast %get3A_213 : vector<1x1x16xi32> to vector<16xi32>
    %get3A_215 = arith.constant 0 : i32
    %get3A_216 = arith.constant 1 : i32
    %get3A_217 = arith.index_cast %get3A_215 : i32 to index
    %get3A_218 = arith.index_cast %get3A_216 : i32 to index
    %get3A_219 = arith.constant 16 : index
    %get3A_220 = tpu.vector_load %arg5[%get3A_217, %get3A_218, %get3A_219] {strides = array<i32>} : memref<8x2x128xi32, #tpu.memory_space<vmem>>, vector<1x1x16xi32>,
    %get3A_221 = vector.shape_cast %get3A_220 : vector<1x1x16xi32> to vector<16xi32>
    %mul3A_222 = arith.constant 1024 : i32
    %mul3A_223 = vector.broadcast %mul3A_222 : i32 to vector<16xi32>
    %mul3A_224 = arith.muli %get3A_214, %mul3A_223 : vector<16xi32>
    %add3A_225 = arith.addi %mul3A_224, %get3A_221 : vector<16xi32>
    %swap3A_226 = arith.constant 16 : index
    %swap3A_227 = tpu.vector_load %arg6[%swap3A_226] {strides = array<i32>} : memref<1024xi32, #tpu.memory_space<vmem>>, vector<16xi32>,
    %swap3A_228 = vector.shape_cast %swap3A_227 : vector<16xi32> to vector<16xi32>
    %swap3A_229 = vector.shape_cast %add3A_225 : vector<16xi32> to vector<16xi32>
    tpu.vector_store %arg6[%swap3A_226], %swap3A_229 {strides = array<i32>} : memref<1024xi32, #tpu.memory_space<vmem>>, vector<16xi32>,
    %get3A_230 = arith.constant 0 : i32
    %get3A_231 = arith.constant 0 : i32
    %get3A_232 = arith.index_cast %get3A_230 : i32 to index
    %get3A_233 = arith.index_cast %get3A_231 : i32 to index
    %get3A_234 = arith.constant 32 : index
    %get3A_235 = tpu.vector_load %arg5[%get3A_232, %get3A_233, %get3A_234] {strides = array<i32>} : memref<8x2x128xi32, #tpu.memory_space<vmem>>, vector<1x1x16xi32>,
    %get3A_236 = vector.shape_cast %get3A_235 : vector<1x1x16xi32> to vector<16xi32>
    %get3A_237 = arith.constant 0 : i32
    %get3A_238 = arith.constant 1 : i32
    %get3A_239 = arith.index_cast %get3A_237 : i32 to index
    %get3A_240 = arith.index_cast %get3A_238 : i32 to index
    %get3A_241 = arith.constant 32 : index
    %get3A_242 = tpu.vector_load %arg5[%get3A_239, %get3A_240, %get3A_241] {strides = array<i32>} : memref<8x2x128xi32, #tpu.memory_space<vmem>>, vector<1x1x16xi32>,
    %get3A_243 = vector.shape_cast %get3A_242 : vector<1x1x16xi32> to vector<16xi32>
    %mul3A_244 = arith.constant 1024 : i32
    %mul3A_245 = vector.broadcast %mul3A_244 : i32 to vector<16xi32>
    %mul3A_246 = arith.muli %get3A_236, %mul3A_245 : vector<16xi32>
    %add3A_247 = arith.addi %mul3A_246, %get3A_243 : vector<16xi32>
    %swap3A_248 = arith.constant 32 : index
    %swap3A_249 = tpu.vector_load %arg6[%swap3A_248] {strides = array<i32>} : memref<1024xi32, #tpu.memory_space<vmem>>, vector<16xi32>,
    %swap3A_250 = vector.shape_cast %swap3A_249 : vector<16xi32> to vector<16xi32>
    %swap3A_251 = vector.shape_cast %add3A_247 : vector<16xi32> to vector<16xi32>
    tpu.vector_store %arg6[%swap3A_248], %swap3A_251 {strides = array<i32>} : memref<1024xi32, #tpu.memory_space<vmem>>, vector<16xi32>,
    %get3A_252 = arith.constant 0 : i32
    %get3A_253 = arith.constant 0 : i32
    %get3A_254 = arith.index_cast %get3A_252 : i32 to index
    %get3A_255 = arith.index_cast %get3A_253 : i32 to index
    %get3A_256 = arith.constant 48 : index
    %get3A_257 = tpu.vector_load %arg5[%get3A_254, %get3A_255, %get3A_256] {strides = array<i32>} : memref<8x2x128xi32, #tpu.memory_space<vmem>>, vector<1x1x16xi32>,
    %get3A_258 = vector.shape_cast %get3A_257 : vector<1x1x16xi32> to vector<16xi32>
    %get3A_259 = arith.constant 0 : i32
    %get3A_260 = arith.constant 1 : i32
    %get3A_261 = arith.index_cast %get3A_259 : i32 to index
    %get3A_262 = arith.index_cast %get3A_260 : i32 to index
    %get3A_263 = arith.constant 48 : index
    %get3A_264 = tpu.vector_load %arg5[%get3A_261, %get3A_262, %get3A_263] {strides = array<i32>} : memref<8x2x128xi32, #tpu.memory_space<vmem>>, vector<1x1x16xi32>,
    %get3A_265 = vector.shape_cast %get3A_264 : vector<1x1x16xi32> to vector<16xi32>
    %mul3A_266 = arith.constant 1024 : i32
    %mul3A_267 = vector.broadcast %mul3A_266 : i32 to vector<16xi32>
    %mul3A_268 = arith.muli %get3A_258, %mul3A_267 : vector<16xi32>
    %add3A_269 = arith.addi %mul3A_268, %get3A_265 : vector<16xi32>
    %swap3A_270 = arith.constant 48 : index
    %swap3A_271 = tpu.vector_load %arg6[%swap3A_270] {strides = array<i32>} : memref<1024xi32, #tpu.memory_space<vmem>>, vector<16xi32>,
    %swap3A_272 = vector.shape_cast %swap3A_271 : vector<16xi32> to vector<16xi32>
    %swap3A_273 = vector.shape_cast %add3A_269 : vector<16xi32> to vector<16xi32>
    tpu.vector_store %arg6[%swap3A_270], %swap3A_273 {strides = array<i32>} : memref<1024xi32, #tpu.memory_space<vmem>>, vector<16xi32>,
    %get3A_274 = arith.constant 0 : i32
    %get3A_275 = arith.constant 0 : i32
    %get3A_276 = arith.index_cast %get3A_274 : i32 to index
    %get3A_277 = arith.index_cast %get3A_275 : i32 to index
    %get3A_278 = arith.constant 64 : index
    %get3A_279 = tpu.vector_load %arg5[%get3A_276, %get3A_277, %get3A_278] {strides = array<i32>} : memref<8x2x128xi32, #tpu.memory_space<vmem>>, vector<1x1x16xi32>,
    %get3A_280 = vector.shape_cast %get3A_279 : vector<1x1x16xi32> to vector<16xi32>
    %get3A_281 = arith.constant 0 : i32
    %get3A_282 = arith.constant 1 : i32
    %get3A_283 = arith.index_cast %get3A_281 : i32 to index
    %get3A_284 = arith.index_cast %get3A_282 : i32 to index
    %get3A_285 = arith.constant 64 : index
    %get3A_286 = tpu.vector_load %arg5[%get3A_283, %get3A_284, %get3A_285] {strides = array<i32>} : memref<8x2x128xi32, #tpu.memory_space<vmem>>, vector<1x1x16xi32>,
    %get3A_287 = vector.shape_cast %get3A_286 : vector<1x1x16xi32> to vector<16xi32>
    %mul3A_288 = arith.constant 1024 : i32
    %mul3A_289 = vector.broadcast %mul3A_288 : i32 to vector<16xi32>
    %mul3A_290 = arith.muli %get3A_280, %mul3A_289 : vector<16xi32>
    %add3A_291 = arith.addi %mul3A_290, %get3A_287 : vector<16xi32>
    %swap3A_292 = arith.constant 64 : index
    %swap3A_293 = tpu.vector_load %arg6[%swap3A_292] {strides = array<i32>} : memref<1024xi32, #tpu.memory_space<vmem>>, vector<16xi32>,
    %swap3A_294 = vector.shape_cast %swap3A_293 : vector<16xi32> to vector<16xi32>
    %swap3A_295 = vector.shape_cast %add3A_291 : vector<16xi32> to vector<16xi32>
    tpu.vector_store %arg6[%swap3A_292], %swap3A_295 {strides = array<i32>} : memref<1024xi32, #tpu.memory_space<vmem>>, vector<16xi32>,
    %get3A_296 = arith.constant 0 : i32
    %get3A_297 = arith.constant 0 : i32
    %get3A_298 = arith.index_cast %get3A_296 : i32 to index
    %get3A_299 = arith.index_cast %get3A_297 : i32 to index
    %get3A_300 = arith.constant 80 : index
    %get3A_301 = tpu.vector_load %arg5[%get3A_298, %get3A_299, %get3A_300] {strides = array<i32>} : memref<8x2x128xi32, #tpu.memory_space<vmem>>, vector<1x1x16xi32>,
    %get3A_302 = vector.shape_cast %get3A_301 : vector<1x1x16xi32> to vector<16xi32>
    %get3A_303 = arith.constant 0 : i32
    %get3A_304 = arith.constant 1 : i32
    %get3A_305 = arith.index_cast %get3A_303 : i32 to index
    %get3A_306 = arith.index_cast %get3A_304 : i32 to index
    %get3A_307 = arith.constant 80 : index
    %get3A_308 = tpu.vector_load %arg5[%get3A_305, %get3A_306, %get3A_307] {strides = array<i32>} : memref<8x2x128xi32, #tpu.memory_space<vmem>>, vector<1x1x16xi32>,
    %get3A_309 = vector.shape_cast %get3A_308 : vector<1x1x16xi32> to vector<16xi32>
    %mul3A_310 = arith.constant 1024 : i32
    %mul3A_311 = vector.broadcast %mul3A_310 : i32 to vector<16xi32>
    %mul3A_312 = arith.muli %get3A_302, %mul3A_311 : vector<16xi32>
    %add3A_313 = arith.addi %mul3A_312, %get3A_309 : vector<16xi32>
    %swap3A_314 = arith.constant 80 : index
    %swap3A_315 = tpu.vector_load %arg6[%swap3A_314] {strides = array<i32>} : memref<1024xi32, #tpu.memory_space<vmem>>, vector<16xi32>,
    %swap3A_316 = vector.shape_cast %swap3A_315 : vector<16xi32> to vector<16xi32>
    %swap3A_317 = vector.shape_cast %add3A_313 : vector<16xi32> to vector<16xi32>
    tpu.vector_store %arg6[%swap3A_314], %swap3A_317 {strides = array<i32>} : memref<1024xi32, #tpu.memory_space<vmem>>, vector<16xi32>,
    %get3A_318 = arith.constant 0 : i32
    %get3A_319 = arith.constant 0 : i32
    %get3A_320 = arith.index_cast %get3A_318 : i32 to index
    %get3A_321 = arith.index_cast %get3A_319 : i32 to index
    %get3A_322 = arith.constant 96 : index
    %get3A_323 = tpu.vector_load %arg5[%get3A_320, %get3A_321, %get3A_322] {strides = array<i32>} : memref<8x2x128xi32, #tpu.memory_space<vmem>>, vector<1x1x16xi32>,
    %get3A_324 = vector.shape_cast %get3A_323 : vector<1x1x16xi32> to vector<16xi32>
    %get3A_325 = arith.constant 0 : i32
    %get3A_326 = arith.constant 1 : i32
    %get3A_327 = arith.index_cast %get3A_325 : i32 to index
    %get3A_328 = arith.index_cast %get3A_326 : i32 to index
    %get3A_329 = arith.constant 96 : index
    %get3A_330 = tpu.vector_load %arg5[%get3A_327, %get3A_328, %get3A_329] {strides = array<i32>} : memref<8x2x128xi32, #tpu.memory_space<vmem>>, vector<1x1x16xi32>,
    %get3A_331 = vector.shape_cast %get3A_330 : vector<1x1x16xi32> to vector<16xi32>
    %mul3A_332 = arith.constant 1024 : i32
    %mul3A_333 = vector.broadcast %mul3A_332 : i32 to vector<16xi32>
    %mul3A_334 = arith.muli %get3A_324, %mul3A_333 : vector<16xi32>
    %add3A_335 = arith.addi %mul3A_334, %get3A_331 : vector<16xi32>
    %swap3A_336 = arith.constant 96 : index
    %swap3A_337 = tpu.vector_load %arg6[%swap3A_336] {strides = array<i32>} : memref<1024xi32, #tpu.memory_space<vmem>>, vector<16xi32>,
    %swap3A_338 = vector.shape_cast %swap3A_337 : vector<16xi32> to vector<16xi32>
    %swap3A_339 = vector.shape_cast %add3A_335 : vector<16xi32> to vector<16xi32>
    tpu.vector_store %arg6[%swap3A_336], %swap3A_339 {strides = array<i32>} : memref<1024xi32, #tpu.memory_space<vmem>>, vector<16xi32>,
    %get3A_340 = arith.constant 0 : i32
    %get3A_341 = arith.constant 0 : i32
    %get3A_342 = arith.index_cast %get3A_340 : i32 to index
    %get3A_343 = arith.index_cast %get3A_341 : i32 to index
    %get3A_344 = arith.constant 112 : index
    %get3A_345 = tpu.vector_load %arg5[%get3A_342, %get3A_343, %get3A_344] {strides = array<i32>} : memref<8x2x128xi32, #tpu.memory_space<vmem>>, vector<1x1x16xi32>,
    %get3A_346 = vector.shape_cast %get3A_345 : vector<1x1x16xi32> to vector<16xi32>
    %get3A_347 = arith.constant 0 : i32
    %get3A_348 = arith.constant 1 : i32
    %get3A_349 = arith.index_cast %get3A_347 : i32 to index
    %get3A_350 = arith.index_cast %get3A_348 : i32 to index
    %get3A_351 = arith.constant 112 : index
    %get3A_352 = tpu.vector_load %arg5[%get3A_349, %get3A_350, %get3A_351] {strides = array<i32>} : memref<8x2x128xi32, #tpu.memory_space<vmem>>, vector<1x1x16xi32>,
    %get3A_353 = vector.shape_cast %get3A_352 : vector<1x1x16xi32> to vector<16xi32>
    %mul3A_354 = arith.constant 1024 : i32
    %mul3A_355 = vector.broadcast %mul3A_354 : i32 to vector<16xi32>
    %mul3A_356 = arith.muli %get3A_346, %mul3A_355 : vector<16xi32>
    %add3A_357 = arith.addi %mul3A_356, %get3A_353 : vector<16xi32>
    %swap3A_358 = arith.constant 112 : index
    %swap3A_359 = tpu.vector_load %arg6[%swap3A_358] {strides = array<i32>} : memref<1024xi32, #tpu.memory_space<vmem>>, vector<16xi32>,
    %swap3A_360 = vector.shape_cast %swap3A_359 : vector<16xi32> to vector<16xi32>
    %swap3A_361 = vector.shape_cast %add3A_357 : vector<16xi32> to vector<16xi32>
    tpu.vector_store %arg6[%swap3A_358], %swap3A_361 {strides = array<i32>} : memref<1024xi32, #tpu.memory_space<vmem>>, vector<16xi32>,
    %dma_start3A_362 = arith.constant 0 : i32
    %dma_start3A_363 = arith.constant 0 : i32
    %dma_start3A_364 = tpu.memref_slice %arg7[%dma_start3A_363] : memref<1024xf32, #tpu.memory_space<vmem>> -> memref<128xf32, #tpu.memory_space<vmem>>
    %dma_start3A_365 = arith.constant 0 : i32
    %dma_start3A_366 = tpu.memref_slice %arg6[%dma_start3A_365] : memref<1024xi32, #tpu.memory_space<vmem>> -> memref<128xi32, #tpu.memory_space<vmem>>
    %dma_start3A_367 = arith.constant 0 : i32
    %dma_start3A_368 = tpu.memref_slice %arg3[%dma_start3A_367] : memref<1024000xf32, #tpu.memory_space<hbm>> -> memref<1024000xf32, #tpu.memory_space<hbm>>
    %dma_start3A_369 = tpu.memref_slice %arg9[%dma_start3A_362] : memref<8x!tpu.dma_semaphore, #tpu.memory_space<semaphore_mem>> -> memref<1x!tpu.dma_semaphore, #tpu.memory_space<semaphore_mem>>
    %dma_start3A_370 = tpu.memref_squeeze %dma_start3A_369 : memref<1x!tpu.dma_semaphore, #tpu.memory_space<semaphore_mem>> -> memref<!tpu.dma_semaphore, #tpu.memory_space<semaphore_mem>>
    tpu.enqueue_indirect_dma source(%dma_start3A_368 : memref<1024000xf32, #tpu.memory_space<hbm>>) target(%dma_start3A_364 : memref<128xf32, #tpu.memory_space<vmem>>) offsets(%dma_start3A_366 : memref<128xi32, #tpu.memory_space<vmem>>) semaphore(%dma_start3A_370 : memref<!tpu.dma_semaphore, #tpu.memory_space<semaphore_mem>>)
    %dma_wait3A_371 = arith.constant 1 : i32
    %dma_wait3A_372 = arith.constant 1 : i32
    %dma_wait3A_373 = arith.constant 1 : i32
    %dma_wait3A_374 = arith.constant 0 : i32
    %dma_wait3A_375 = arith.constant 0 : i32
    %dma_wait3A_376 = tpu.memref_slice %arg5[%dma_wait3A_372, %dma_wait3A_374, %dma_wait3A_375] : memref<8x2x128xi32, #tpu.memory_space<vmem>> -> memref<1x2x128xi32, #tpu.memory_space<vmem>>
    %dma_wait3A_377 = tpu.memref_squeeze %dma_wait3A_376 : memref<1x2x128xi32, #tpu.memory_space<vmem>> -> memref<2x128xi32, #tpu.memory_space<vmem>>
    %dma_wait3A_378 = arith.constant 0 : i32
    %dma_wait3A_379 = arith.constant 0 : i32
    %dma_wait3A_380 = tpu.memref_slice %arg2[%add3A, %dma_wait3A_371, %dma_wait3A_378, %dma_wait3A_379] : memref<16x8x2x128xi32, #tpu.memory_space<hbm>> -> memref<1x1x2x128xi32, #tpu.memory_space<hbm>>
    %dma_wait3A_381 = tpu.memref_squeeze %dma_wait3A_380 : memref<1x1x2x128xi32, #tpu.memory_space<hbm>> -> memref<2x128xi32, #tpu.memory_space<hbm>>
    %dma_wait3A_382 = tpu.memref_slice %arg8[%dma_wait3A_373] : memref<8x!tpu.dma_semaphore, #tpu.memory_space<semaphore_mem>> -> memref<1x!tpu.dma_semaphore, #tpu.memory_space<semaphore_mem>>
    %dma_wait3A_383 = tpu.memref_squeeze %dma_wait3A_382 : memref<1x!tpu.dma_semaphore, #tpu.memory_space<semaphore_mem>> -> memref<!tpu.dma_semaphore, #tpu.memory_space<semaphore_mem>>
    %dma_wait3A_384 = arith.constant 0 : i32
    %dma_wait3A_385 = arith.constant 0 : i32
    %dma_wait3A_386 = tpu.memref_slice %arg5[%dma_wait3A_372, %dma_wait3A_384, %dma_wait3A_385] : memref<8x2x128xi32, #tpu.memory_space<vmem>> -> memref<1x2x128xi32, #tpu.memory_space<vmem>>
    %dma_wait3A_387 = tpu.memref_squeeze %dma_wait3A_386 : memref<1x2x128xi32, #tpu.memory_space<vmem>> -> memref<2x128xi32, #tpu.memory_space<vmem>>
    %dma_wait3A_388 = arith.constant 0 : i32
    %dma_wait3A_389 = arith.constant 0 : i32
    %dma_wait3A_390 = tpu.memref_slice %arg2[%add3A, %dma_wait3A_371, %dma_wait3A_388, %dma_wait3A_389] : memref<16x8x2x128xi32, #tpu.memory_space<hbm>> -> memref<1x1x2x128xi32, #tpu.memory_space<hbm>>
    %dma_wait3A_391 = tpu.memref_squeeze %dma_wait3A_390 : memref<1x1x2x128xi32, #tpu.memory_space<hbm>> -> memref<2x128xi32, #tpu.memory_space<hbm>>
    tpu.wait_dma2 semaphore(%dma_wait3A_383 : memref<!tpu.dma_semaphore, #tpu.memory_space<semaphore_mem>>) src(%dma_wait3A_391 : memref<2x128xi32, #tpu.memory_space<hbm>>) dst(%dma_wait3A_387 : memref<2x128xi32, #tpu.memory_space<vmem>>)
    %get3A_392 = arith.constant 1 : i32
    %get3A_393 = arith.constant 0 : i32
    %get3A_394 = arith.index_cast %get3A_392 : i32 to index
    %get3A_395 = arith.index_cast %get3A_393 : i32 to index
    %get3A_396 = arith.constant 0 : index
    %get3A_397 = tpu.vector_load %arg5[%get3A_394, %get3A_395, %get3A_396] {strides = array<i32>} : memref<8x2x128xi32, #tpu.memory_space<vmem>>, vector<1x1x16xi32>,
    %get3A_398 = vector.shape_cast %get3A_397 : vector<1x1x16xi32> to vector<16xi32>
    %get3A_399 = arith.constant 1 : i32
    %get3A_400 = arith.constant 1 : i32
    %get3A_401 = arith.index_cast %get3A_399 : i32 to index
    %get3A_402 = arith.index_cast %get3A_400 : i32 to index
    %get3A_403 = arith.constant 0 : index
    %get3A_404 = tpu.vector_load %arg5[%get3A_401, %get3A_402, %get3A_403] {strides = array<i32>} : memref<8x2x128xi32, #tpu.memory_space<vmem>>, vector<1x1x16xi32>,
    %get3A_405 = vector.shape_cast %get3A_404 : vector<1x1x16xi32> to vector<16xi32>
    %mul3A_406 = arith.constant 1024 : i32
    %mul3A_407 = vector.broadcast %mul3A_406 : i32 to vector<16xi32>
    %mul3A_408 = arith.muli %get3A_398, %mul3A_407 : vector<16xi32>
    %add3A_409 = arith.addi %mul3A_408, %get3A_405 : vector<16xi32>
    %swap3A_410 = arith.constant 128 : index
    %swap3A_411 = tpu.vector_load %arg6[%swap3A_410] {strides = array<i32>} : memref<1024xi32, #tpu.memory_space<vmem>>, vector<16xi32>,
    %swap3A_412 = vector.shape_cast %swap3A_411 : vector<16xi32> to vector<16xi32>
    %swap3A_413 = vector.shape_cast %add3A_409 : vector<16xi32> to vector<16xi32>
    tpu.vector_store %arg6[%swap3A_410], %swap3A_413 {strides = array<i32>} : memref<1024xi32, #tpu.memory_space<vmem>>, vector<16xi32>,
    %get3A_414 = arith.constant 1 : i32
    %get3A_415 = arith.constant 0 : i32
    %get3A_416 = arith.index_cast %get3A_414 : i32 to index
    %get3A_417 = arith.index_cast %get3A_415 : i32 to index
    %get3A_418 = arith.constant 16 : index
    %get3A_419 = tpu.vector_load %arg5[%get3A_416, %get3A_417, %get3A_418] {strides = array<i32>} : memref<8x2x128xi32, #tpu.memory_space<vmem>>, vector<1x1x16xi32>,
    %get3A_420 = vector.shape_cast %get3A_419 : vector<1x1x16xi32> to vector<16xi32>
    %get3A_421 = arith.constant 1 : i32
    %get3A_422 = arith.constant 1 : i32
    %get3A_423 = arith.index_cast %get3A_421 : i32 to index
    %get3A_424 = arith.index_cast %get3A_422 : i32 to index
    %get3A_425 = arith.constant 16 : index
    %get3A_426 = tpu.vector_load %arg5[%get3A_423, %get3A_424, %get3A_425] {strides = array<i32>} : memref<8x2x128xi32, #tpu.memory_space<vmem>>, vector<1x1x16xi32>,
    %get3A_427 = vector.shape_cast %get3A_426 : vector<1x1x16xi32> to vector<16xi32>
    %mul3A_428 = arith.constant 1024 : i32
    %mul3A_429 = vector.broadcast %mul3A_428 : i32 to vector<16xi32>
    %mul3A_430 = arith.muli %get3A_420, %mul3A_429 : vector<16xi32>
    %add3A_431 = arith.addi %mul3A_430, %get3A_427 : vector<16xi32>
    %swap3A_432 = arith.constant 144 : index
    %swap3A_433 = tpu.vector_load %arg6[%swap3A_432] {strides = array<i32>} : memref<1024xi32, #tpu.memory_space<vmem>>, vector<16xi32>,
    %swap3A_434 = vector.shape_cast %swap3A_433 : vector<16xi32> to vector<16xi32>
    %swap3A_435 = vector.shape_cast %add3A_431 : vector<16xi32> to vector<16xi32>
    tpu.vector_store %arg6[%swap3A_432], %swap3A_435 {strides = array<i32>} : memref<1024xi32, #tpu.memory_space<vmem>>, vector<16xi32>,
    %get3A_436 = arith.constant 1 : i32
    %get3A_437 = arith.constant 0 : i32
    %get3A_438 = arith.index_cast %get3A_436 : i32 to index
    %get3A_439 = arith.index_cast %get3A_437 : i32 to index
    %get3A_440 = arith.constant 32 : index
    %get3A_441 = tpu.vector_load %arg5[%get3A_438, %get3A_439, %get3A_440] {strides = array<i32>} : memref<8x2x128xi32, #tpu.memory_space<vmem>>, vector<1x1x16xi32>,
    %get3A_442 = vector.shape_cast %get3A_441 : vector<1x1x16xi32> to vector<16xi32>
    %get3A_443 = arith.constant 1 : i32
    %get3A_444 = arith.constant 1 : i32
    %get3A_445 = arith.index_cast %get3A_443 : i32 to index
    %get3A_446 = arith.index_cast %get3A_444 : i32 to index
    %get3A_447 = arith.constant 32 : index
    %get3A_448 = tpu.vector_load %arg5[%get3A_445, %get3A_446, %get3A_447] {strides = array<i32>} : memref<8x2x128xi32, #tpu.memory_space<vmem>>, vector<1x1x16xi32>,
    %get3A_449 = vector.shape_cast %get3A_448 : vector<1x1x16xi32> to vector<16xi32>
    %mul3A_450 = arith.constant 1024 : i32
    %mul3A_451 = vector.broadcast %mul3A_450 : i32 to vector<16xi32>
    %mul3A_452 = arith.muli %get3A_442, %mul3A_451 : vector<16xi32>
    %add3A_453 = arith.addi %mul3A_452, %get3A_449 : vector<16xi32>
    %swap3A_454 = arith.constant 160 : index
    %swap3A_455 = tpu.vector_load %arg6[%swap3A_454] {strides = array<i32>} : memref<1024xi32, #tpu.memory_space<vmem>>, vector<16xi32>,
    %swap3A_456 = vector.shape_cast %swap3A_455 : vector<16xi32> to vector<16xi32>
    %swap3A_457 = vector.shape_cast %add3A_453 : vector<16xi32> to vector<16xi32>
    tpu.vector_store %arg6[%swap3A_454], %swap3A_457 {strides = array<i32>} : memref<1024xi32, #tpu.memory_space<vmem>>, vector<16xi32>,
    %get3A_458 = arith.constant 1 : i32
    %get3A_459 = arith.constant 0 : i32
    %get3A_460 = arith.index_cast %get3A_458 : i32 to index
    %get3A_461 = arith.index_cast %get3A_459 : i32 to index
    %get3A_462 = arith.constant 48 : index
    %get3A_463 = tpu.vector_load %arg5[%get3A_460, %get3A_461, %get3A_462] {strides = array<i32>} : memref<8x2x128xi32, #tpu.memory_space<vmem>>, vector<1x1x16xi32>,
    %get3A_464 = vector.shape_cast %get3A_463 : vector<1x1x16xi32> to vector<16xi32>
    %get3A_465 = arith.constant 1 : i32
    %get3A_466 = arith.constant 1 : i32
    %get3A_467 = arith.index_cast %get3A_465 : i32 to index
    %get3A_468 = arith.index_cast %get3A_466 : i32 to index
    %get3A_469 = arith.constant 48 : index
    %get3A_470 = tpu.vector_load %arg5[%get3A_467, %get3A_468, %get3A_469] {strides = array<i32>} : memref<8x2x128xi32, #tpu.memory_space<vmem>>, vector<1x1x16xi32>,
    %get3A_471 = vector.shape_cast %get3A_470 : vector<1x1x16xi32> to vector<16xi32>
    %mul3A_472 = arith.constant 1024 : i32
    %mul3A_473 = vector.broadcast %mul3A_472 : i32 to vector<16xi32>
    %mul3A_474 = arith.muli %get3A_464, %mul3A_473 : vector<16xi32>
    %add3A_475 = arith.addi %mul3A_474, %get3A_471 : vector<16xi32>
    %swap3A_476 = arith.constant 176 : index
    %swap3A_477 = tpu.vector_load %arg6[%swap3A_476] {strides = array<i32>} : memref<1024xi32, #tpu.memory_space<vmem>>, vector<16xi32>,
    %swap3A_478 = vector.shape_cast %swap3A_477 : vector<16xi32> to vector<16xi32>
    %swap3A_479 = vector.shape_cast %add3A_475 : vector<16xi32> to vector<16xi32>
    tpu.vector_store %arg6[%swap3A_476], %swap3A_479 {strides = array<i32>} : memref<1024xi32, #tpu.memory_space<vmem>>, vector<16xi32>,
    %get3A_480 = arith.constant 1 : i32
    %get3A_481 = arith.constant 0 : i32
    %get3A_482 = arith.index_cast %get3A_480 : i32 to index
    %get3A_483 = arith.index_cast %get3A_481 : i32 to index
    %get3A_484 = arith.constant 64 : index
    %get3A_485 = tpu.vector_load %arg5[%get3A_482, %get3A_483, %get3A_484] {strides = array<i32>} : memref<8x2x128xi32, #tpu.memory_space<vmem>>, vector<1x1x16xi32>,
    %get3A_486 = vector.shape_cast %get3A_485 : vector<1x1x16xi32> to vector<16xi32>
    %get3A_487 = arith.constant 1 : i32
    %get3A_488 = arith.constant 1 : i32
    %get3A_489 = arith.index_cast %get3A_487 : i32 to index
    %get3A_490 = arith.index_cast %get3A_488 : i32 to index
    %get3A_491 = arith.constant 64 : index
    %get3A_492 = tpu.vector_load %arg5[%get3A_489, %get3A_490, %get3A_491] {strides = array<i32>} : memref<8x2x128xi32, #tpu.memory_space<vmem>>, vector<1x1x16xi32>,
    %get3A_493 = vector.shape_cast %get3A_492 : vector<1x1x16xi32> to vector<16xi32>
    %mul3A_494 = arith.constant 1024 : i32
    %mul3A_495 = vector.broadcast %mul3A_494 : i32 to vector<16xi32>
    %mul3A_496 = arith.muli %get3A_486, %mul3A_495 : vector<16xi32>
    %add3A_497 = arith.addi %mul3A_496, %get3A_493 : vector<16xi32>
    %swap3A_498 = arith.constant 192 : index
    %swap3A_499 = tpu.vector_load %arg6[%swap3A_498] {strides = array<i32>} : memref<1024xi32, #tpu.memory_space<vmem>>, vector<16xi32>,
    %swap3A_500 = vector.shape_cast %swap3A_499 : vector<16xi32> to vector<16xi32>
    %swap3A_501 = vector.shape_cast %add3A_497 : vector<16xi32> to vector<16xi32>
    tpu.vector_store %arg6[%swap3A_498], %swap3A_501 {strides = array<i32>} : memref<1024xi32, #tpu.memory_space<vmem>>, vector<16xi32>,
    %get3A_502 = arith.constant 1 : i32
    %get3A_503 = arith.constant 0 : i32
    %get3A_504 = arith.index_cast %get3A_502 : i32 to index
    %get3A_505 = arith.index_cast %get3A_503 : i32 to index
    %get3A_506 = arith.constant 80 : index
    %get3A_507 = tpu.vector_load %arg5[%get3A_504, %get3A_505, %get3A_506] {strides = array<i32>} : memref<8x2x128xi32, #tpu.memory_space<vmem>>, vector<1x1x16xi32>,
    %get3A_508 = vector.shape_cast %get3A_507 : vector<1x1x16xi32> to vector<16xi32>
    %get3A_509 = arith.constant 1 : i32
    %get3A_510 = arith.constant 1 : i32
    %get3A_511 = arith.index_cast %get3A_509 : i32 to index
    %get3A_512 = arith.index_cast %get3A_510 : i32 to index
    %get3A_513 = arith.constant 80 : index
    %get3A_514 = tpu.vector_load %arg5[%get3A_511, %get3A_512, %get3A_513] {strides = array<i32>} : memref<8x2x128xi32, #tpu.memory_space<vmem>>, vector<1x1x16xi32>,
    %get3A_515 = vector.shape_cast %get3A_514 : vector<1x1x16xi32> to vector<16xi32>
    %mul3A_516 = arith.constant 1024 : i32
    %mul3A_517 = vector.broadcast %mul3A_516 : i32 to vector<16xi32>
    %mul3A_518 = arith.muli %get3A_508, %mul3A_517 : vector<16xi32>
    %add3A_519 = arith.addi %mul3A_518, %get3A_515 : vector<16xi32>
    %swap3A_520 = arith.constant 208 : index
    %swap3A_521 = tpu.vector_load %arg6[%swap3A_520] {strides = array<i32>} : memref<1024xi32, #tpu.memory_space<vmem>>, vector<16xi32>,
    %swap3A_522 = vector.shape_cast %swap3A_521 : vector<16xi32> to vector<16xi32>
    %swap3A_523 = vector.shape_cast %add3A_519 : vector<16xi32> to vector<16xi32>
    tpu.vector_store %arg6[%swap3A_520], %swap3A_523 {strides = array<i32>} : memref<1024xi32, #tpu.memory_space<vmem>>, vector<16xi32>,
    %get3A_524 = arith.constant 1 : i32
    %get3A_525 = arith.constant 0 : i32
    %get3A_526 = arith.index_cast %get3A_524 : i32 to index
    %get3A_527 = arith.index_cast %get3A_525 : i32 to index
    %get3A_528 = arith.constant 96 : index
    %get3A_529 = tpu.vector_load %arg5[%get3A_526, %get3A_527, %get3A_528] {strides = array<i32>} : memref<8x2x128xi32, #tpu.memory_space<vmem>>, vector<1x1x16xi32>,
    %get3A_530 = vector.shape_cast %get3A_529 : vector<1x1x16xi32> to vector<16xi32>
    %get3A_531 = arith.constant 1 : i32
    %get3A_532 = arith.constant 1 : i32
    %get3A_533 = arith.index_cast %get3A_531 : i32 to index
    %get3A_534 = arith.index_cast %get3A_532 : i32 to index
    %get3A_535 = arith.constant 96 : index
    %get3A_536 = tpu.vector_load %arg5[%get3A_533, %get3A_534, %get3A_535] {strides = array<i32>} : memref<8x2x128xi32, #tpu.memory_space<vmem>>, vector<1x1x16xi32>,
    %get3A_537 = vector.shape_cast %get3A_536 : vector<1x1x16xi32> to vector<16xi32>
    %mul3A_538 = arith.constant 1024 : i32
    %mul3A_539 = vector.broadcast %mul3A_538 : i32 to vector<16xi32>
    %mul3A_540 = arith.muli %get3A_530, %mul3A_539 : vector<16xi32>
    %add3A_541 = arith.addi %mul3A_540, %get3A_537 : vector<16xi32>
    %swap3A_542 = arith.constant 224 : index
    %swap3A_543 = tpu.vector_load %arg6[%swap3A_542] {strides = array<i32>} : memref<1024xi32, #tpu.memory_space<vmem>>, vector<16xi32>,
    %swap3A_544 = vector.shape_cast %swap3A_543 : vector<16xi32> to vector<16xi32>
    %swap3A_545 = vector.shape_cast %add3A_541 : vector<16xi32> to vector<16xi32>
    tpu.vector_store %arg6[%swap3A_542], %swap3A_545 {strides = array<i32>} : memref<1024xi32, #tpu.memory_space<vmem>>, vector<16xi32>,
    %get3A_546 = arith.constant 1 : i32
    %get3A_547 = arith.constant 0 : i32
    %get3A_548 = arith.index_cast %get3A_546 : i32 to index
    %get3A_549 = arith.index_cast %get3A_547 : i32 to index
    %get3A_550 = arith.constant 112 : index
    %get3A_551 = tpu.vector_load %arg5[%get3A_548, %get3A_549, %get3A_550] {strides = array<i32>} : memref<8x2x128xi32, #tpu.memory_space<vmem>>, vector<1x1x16xi32>,
    %get3A_552 = vector.shape_cast %get3A_551 : vector<1x1x16xi32> to vector<16xi32>
    %get3A_553 = arith.constant 1 : i32
    %get3A_554 = arith.constant 1 : i32
    %get3A_555 = arith.index_cast %get3A_553 : i32 to index
    %get3A_556 = arith.index_cast %get3A_554 : i32 to index
    %get3A_557 = arith.constant 112 : index
    %get3A_558 = tpu.vector_load %arg5[%get3A_555, %get3A_556, %get3A_557] {strides = array<i32>} : memref<8x2x128xi32, #tpu.memory_space<vmem>>, vector<1x1x16xi32>,
    %get3A_559 = vector.shape_cast %get3A_558 : vector<1x1x16xi32> to vector<16xi32>
    %mul3A_560 = arith.constant 1024 : i32
    %mul3A_561 = vector.broadcast %mul3A_560 : i32 to vector<16xi32>
    %mul3A_562 = arith.muli %get3A_552, %mul3A_561 : vector<16xi32>
    %add3A_563 = arith.addi %mul3A_562, %get3A_559 : vector<16xi32>
    %swap3A_564 = arith.constant 240 : index
    %swap3A_565 = tpu.vector_load %arg6[%swap3A_564] {strides = array<i32>} : memref<1024xi32, #tpu.memory_space<vmem>>, vector<16xi32>,
    %swap3A_566 = vector.shape_cast %swap3A_565 : vector<16xi32> to vector<16xi32>
    %swap3A_567 = vector.shape_cast %add3A_563 : vector<16xi32> to vector<16xi32>
    tpu.vector_store %arg6[%swap3A_564], %swap3A_567 {strides = array<i32>} : memref<1024xi32, #tpu.memory_space<vmem>>, vector<16xi32>,
    %dma_start3A_568 = arith.constant 1 : i32
    %dma_start3A_569 = arith.constant 128 : i32
    %dma_start3A_570 = tpu.memref_slice %arg7[%dma_start3A_569] : memref<1024xf32, #tpu.memory_space<vmem>> -> memref<128xf32, #tpu.memory_space<vmem>>
    %dma_start3A_571 = arith.constant 128 : i32
    %dma_start3A_572 = tpu.memref_slice %arg6[%dma_start3A_571] : memref<1024xi32, #tpu.memory_space<vmem>> -> memref<128xi32, #tpu.memory_space<vmem>>
    %dma_start3A_573 = arith.constant 0 : i32
    %dma_start3A_574 = tpu.memref_slice %arg3[%dma_start3A_573] : memref<1024000xf32, #tpu.memory_space<hbm>> -> memref<1024000xf32, #tpu.memory_space<hbm>>
    %dma_start3A_575 = tpu.memref_slice %arg9[%dma_start3A_568] : memref<8x!tpu.dma_semaphore, #tpu.memory_space<semaphore_mem>> -> memref<1x!tpu.dma_semaphore, #tpu.memory_space<semaphore_mem>>
    %dma_start3A_576 = tpu.memref_squeeze %dma_start3A_575 : memref<1x!tpu.dma_semaphore, #tpu.memory_space<semaphore_mem>> -> memref<!tpu.dma_semaphore, #tpu.memory_space<semaphore_mem>>
    tpu.enqueue_indirect_dma source(%dma_start3A_574 : memref<1024000xf32, #tpu.memory_space<hbm>>) target(%dma_start3A_570 : memref<128xf32, #tpu.memory_space<vmem>>) offsets(%dma_start3A_572 : memref<128xi32, #tpu.memory_space<vmem>>) semaphore(%dma_start3A_576 : memref<!tpu.dma_semaphore, #tpu.memory_space<semaphore_mem>>)
    %dma_wait3A_577 = arith.constant 2 : i32
    %dma_wait3A_578 = arith.constant 2 : i32
    %dma_wait3A_579 = arith.constant 2 : i32
    %dma_wait3A_580 = arith.constant 0 : i32
    %dma_wait3A_581 = arith.constant 0 : i32
    %dma_wait3A_582 = tpu.memref_slice %arg5[%dma_wait3A_578, %dma_wait3A_580, %dma_wait3A_581] : memref<8x2x128xi32, #tpu.memory_space<vmem>> -> memref<1x2x128xi32, #tpu.memory_space<vmem>>
    %dma_wait3A_583 = tpu.memref_squeeze %dma_wait3A_582 : memref<1x2x128xi32, #tpu.memory_space<vmem>> -> memref<2x128xi32, #tpu.memory_space<vmem>>
    %dma_wait3A_584 = arith.constant 0 : i32
    %dma_wait3A_585 = arith.constant 0 : i32
    %dma_wait3A_586 = tpu.memref_slice %arg2[%add3A, %dma_wait3A_577, %dma_wait3A_584, %dma_wait3A_585] : memref<16x8x2x128xi32, #tpu.memory_space<hbm>> -> memref<1x1x2x128xi32, #tpu.memory_space<hbm>>
    %dma_wait3A_587 = tpu.memref_squeeze %dma_wait3A_586 : memref<1x1x2x128xi32, #tpu.memory_space<hbm>> -> memref<2x128xi32, #tpu.memory_space<hbm>>
    %dma_wait3A_588 = tpu.memref_slice %arg8[%dma_wait3A_579] : memref<8x!tpu.dma_semaphore, #tpu.memory_space<semaphore_mem>> -> memref<1x!tpu.dma_semaphore, #tpu.memory_space<semaphore_mem>>
    %dma_wait3A_589 = tpu.memref_squeeze %dma_wait3A_588 : memref<1x!tpu.dma_semaphore, #tpu.memory_space<semaphore_mem>> -> memref<!tpu.dma_semaphore, #tpu.memory_space<semaphore_mem>>
    %dma_wait3A_590 = arith.constant 0 : i32
    %dma_wait3A_591 = arith.constant 0 : i32
    %dma_wait3A_592 = tpu.memref_slice %arg5[%dma_wait3A_578, %dma_wait3A_590, %dma_wait3A_591] : memref<8x2x128xi32, #tpu.memory_space<vmem>> -> memref<1x2x128xi32, #tpu.memory_space<vmem>>
    %dma_wait3A_593 = tpu.memref_squeeze %dma_wait3A_592 : memref<1x2x128xi32, #tpu.memory_space<vmem>> -> memref<2x128xi32, #tpu.memory_space<vmem>>
    %dma_wait3A_594 = arith.constant 0 : i32
    %dma_wait3A_595 = arith.constant 0 : i32
    %dma_wait3A_596 = tpu.memref_slice %arg2[%add3A, %dma_wait3A_577, %dma_wait3A_594, %dma_wait3A_595] : memref<16x8x2x128xi32, #tpu.memory_space<hbm>> -> memref<1x1x2x128xi32, #tpu.memory_space<hbm>>
    %dma_wait3A_597 = tpu.memref_squeeze %dma_wait3A_596 : memref<1x1x2x128xi32, #tpu.memory_space<hbm>> -> memref<2x128xi32, #tpu.memory_space<hbm>>
    tpu.wait_dma2 semaphore(%dma_wait3A_589 : memref<!tpu.dma_semaphore, #tpu.memory_space<semaphore_mem>>) src(%dma_wait3A_597 : memref<2x128xi32, #tpu.memory_space<hbm>>) dst(%dma_wait3A_593 : memref<2x128xi32, #tpu.memory_space<vmem>>)
    %get3A_598 = arith.constant 2 : i32
    %get3A_599 = arith.constant 0 : i32
    %get3A_600 = arith.index_cast %get3A_598 : i32 to index
    %get3A_601 = arith.index_cast %get3A_599 : i32 to index
    %get3A_602 = arith.constant 0 : index
    %get3A_603 = tpu.vector_load %arg5[%get3A_600, %get3A_601, %get3A_602] {strides = array<i32>} : memref<8x2x128xi32, #tpu.memory_space<vmem>>, vector<1x1x16xi32>,
    %get3A_604 = vector.shape_cast %get3A_603 : vector<1x1x16xi32> to vector<16xi32>
    %get3A_605 = arith.constant 2 : i32
    %get3A_606 = arith.constant 1 : i32
    %get3A_607 = arith.index_cast %get3A_605 : i32 to index
    %get3A_608 = arith.index_cast %get3A_606 : i32 to index
    %get3A_609 = arith.constant 0 : index
    %get3A_610 = tpu.vector_load %arg5[%get3A_607, %get3A_608, %get3A_609] {strides = array<i32>} : memref<8x2x128xi32, #tpu.memory_space<vmem>>, vector<1x1x16xi32>,
    %get3A_611 = vector.shape_cast %get3A_610 : vector<1x1x16xi32> to vector<16xi32>
    %mul3A_612 = arith.constant 1024 : i32
    %mul3A_613 = vector.broadcast %mul3A_612 : i32 to vector<16xi32>
    %mul3A_614 = arith.muli %get3A_604, %mul3A_613 : vector<16xi32>
    %add3A_615 = arith.addi %mul3A_614, %get3A_611 : vector<16xi32>
    %swap3A_616 = arith.constant 256 : index
    %swap3A_617 = tpu.vector_load %arg6[%swap3A_616] {strides = array<i32>} : memref<1024xi32, #tpu.memory_space<vmem>>, vector<16xi32>,
    %swap3A_618 = vector.shape_cast %swap3A_617 : vector<16xi32> to vector<16xi32>
    %swap3A_619 = vector.shape_cast %add3A_615 : vector<16xi32> to vector<16xi32>
    tpu.vector_store %arg6[%swap3A_616], %swap3A_619 {strides = array<i32>} : memref<1024xi32, #tpu.memory_space<vmem>>, vector<16xi32>,
    %get3A_620 = arith.constant 2 : i32
    %get3A_621 = arith.constant 0 : i32
    %get3A_622 = arith.index_cast %get3A_620 : i32 to index
    %get3A_623 = arith.index_cast %get3A_621 : i32 to index
    %get3A_624 = arith.constant 16 : index
    %get3A_625 = tpu.vector_load %arg5[%get3A_622, %get3A_623, %get3A_624] {strides = array<i32>} : memref<8x2x128xi32, #tpu.memory_space<vmem>>, vector<1x1x16xi32>,
    %get3A_626 = vector.shape_cast %get3A_625 : vector<1x1x16xi32> to vector<16xi32>
    %get3A_627 = arith.constant 2 : i32
    %get3A_628 = arith.constant 1 : i32
    %get3A_629 = arith.index_cast %get3A_627 : i32 to index
    %get3A_630 = arith.index_cast %get3A_628 : i32 to index
    %get3A_631 = arith.constant 16 : index
    %get3A_632 = tpu.vector_load %arg5[%get3A_629, %get3A_630, %get3A_631] {strides = array<i32>} : memref<8x2x128xi32, #tpu.memory_space<vmem>>, vector<1x1x16xi32>,
    %get3A_633 = vector.shape_cast %get3A_632 : vector<1x1x16xi32> to vector<16xi32>
    %mul3A_634 = arith.constant 1024 : i32
    %mul3A_635 = vector.broadcast %mul3A_634 : i32 to vector<16xi32>
    %mul3A_636 = arith.muli %get3A_626, %mul3A_635 : vector<16xi32>
    %add3A_637 = arith.addi %mul3A_636, %get3A_633 : vector<16xi32>
    %swap3A_638 = arith.constant 272 : index
    %swap3A_639 = tpu.vector_load %arg6[%swap3A_638] {strides = array<i32>} : memref<1024xi32, #tpu.memory_space<vmem>>, vector<16xi32>,
    %swap3A_640 = vector.shape_cast %swap3A_639 : vector<16xi32> to vector<16xi32>
    %swap3A_641 = vector.shape_cast %add3A_637 : vector<16xi32> to vector<16xi32>
    tpu.vector_store %arg6[%swap3A_638], %swap3A_641 {strides = array<i32>} : memref<1024xi32, #tpu.memory_space<vmem>>, vector<16xi32>,
    %get3A_642 = arith.constant 2 : i32
    %get3A_643 = arith.constant 0 : i32
    %get3A_644 = arith.index_cast %get3A_642 : i32 to index
    %get3A_645 = arith.index_cast %get3A_643 : i32 to index
    %get3A_646 = arith.constant 32 : index
    %get3A_647 = tpu.vector_load %arg5[%get3A_644, %get3A_645, %get3A_646] {strides = array<i32>} : memref<8x2x128xi32, #tpu.memory_space<vmem>>, vector<1x1x16xi32>,
    %get3A_648 = vector.shape_cast %get3A_647 : vector<1x1x16xi32> to vector<16xi32>
    %get3A_649 = arith.constant 2 : i32
    %get3A_650 = arith.constant 1 : i32
    %get3A_651 = arith.index_cast %get3A_649 : i32 to index
    %get3A_652 = arith.index_cast %get3A_650 : i32 to index
    %get3A_653 = arith.constant 32 : index
    %get3A_654 = tpu.vector_load %arg5[%get3A_651, %get3A_652, %get3A_653] {strides = array<i32>} : memref<8x2x128xi32, #tpu.memory_space<vmem>>, vector<1x1x16xi32>,
    %get3A_655 = vector.shape_cast %get3A_654 : vector<1x1x16xi32> to vector<16xi32>
    %mul3A_656 = arith.constant 1024 : i32
    %mul3A_657 = vector.broadcast %mul3A_656 : i32 to vector<16xi32>
    %mul3A_658 = arith.muli %get3A_648, %mul3A_657 : vector<16xi32>
    %add3A_659 = arith.addi %mul3A_658, %get3A_655 : vector<16xi32>
    %swap3A_660 = arith.constant 288 : index
    %swap3A_661 = tpu.vector_load %arg6[%swap3A_660] {strides = array<i32>} : memref<1024xi32, #tpu.memory_space<vmem>>, vector<16xi32>,
    %swap3A_662 = vector.shape_cast %swap3A_661 : vector<16xi32> to vector<16xi32>
    %swap3A_663 = vector.shape_cast %add3A_659 : vector<16xi32> to vector<16xi32>
    tpu.vector_store %arg6[%swap3A_660], %swap3A_663 {strides = array<i32>} : memref<1024xi32, #tpu.memory_space<vmem>>, vector<16xi32>,
    %get3A_664 = arith.constant 2 : i32
    %get3A_665 = arith.constant 0 : i32
    %get3A_666 = arith.index_cast %get3A_664 : i32 to index
    %get3A_667 = arith.index_cast %get3A_665 : i32 to index
    %get3A_668 = arith.constant 48 : index
    %get3A_669 = tpu.vector_load %arg5[%get3A_666, %get3A_667, %get3A_668] {strides = array<i32>} : memref<8x2x128xi32, #tpu.memory_space<vmem>>, vector<1x1x16xi32>,
    %get3A_670 = vector.shape_cast %get3A_669 : vector<1x1x16xi32> to vector<16xi32>
    %get3A_671 = arith.constant 2 : i32
    %get3A_672 = arith.constant 1 : i32
    %get3A_673 = arith.index_cast %get3A_671 : i32 to index
    %get3A_674 = arith.index_cast %get3A_672 : i32 to index
    %get3A_675 = arith.constant 48 : index
    %get3A_676 = tpu.vector_load %arg5[%get3A_673, %get3A_674, %get3A_675] {strides = array<i32>} : memref<8x2x128xi32, #tpu.memory_space<vmem>>, vector<1x1x16xi32>,
    %get3A_677 = vector.shape_cast %get3A_676 : vector<1x1x16xi32> to vector<16xi32>
    %mul3A_678 = arith.constant 1024 : i32
    %mul3A_679 = vector.broadcast %mul3A_678 : i32 to vector<16xi32>
    %mul3A_680 = arith.muli %get3A_670, %mul3A_679 : vector<16xi32>
    %add3A_681 = arith.addi %mul3A_680, %get3A_677 : vector<16xi32>
    %swap3A_682 = arith.constant 304 : index
    %swap3A_683 = tpu.vector_load %arg6[%swap3A_682] {strides = array<i32>} : memref<1024xi32, #tpu.memory_space<vmem>>, vector<16xi32>,
    %swap3A_684 = vector.shape_cast %swap3A_683 : vector<16xi32> to vector<16xi32>
    %swap3A_685 = vector.shape_cast %add3A_681 : vector<16xi32> to vector<16xi32>
    tpu.vector_store %arg6[%swap3A_682], %swap3A_685 {strides = array<i32>} : memref<1024xi32, #tpu.memory_space<vmem>>, vector<16xi32>,
    %get3A_686 = arith.constant 2 : i32
    %get3A_687 = arith.constant 0 : i32
    %get3A_688 = arith.index_cast %get3A_686 : i32 to index
    %get3A_689 = arith.index_cast %get3A_687 : i32 to index
    %get3A_690 = arith.constant 64 : index
    %get3A_691 = tpu.vector_load %arg5[%get3A_688, %get3A_689, %get3A_690] {strides = array<i32>} : memref<8x2x128xi32, #tpu.memory_space<vmem>>, vector<1x1x16xi32>,
    %get3A_692 = vector.shape_cast %get3A_691 : vector<1x1x16xi32> to vector<16xi32>
    %get3A_693 = arith.constant 2 : i32
    %get3A_694 = arith.constant 1 : i32
    %get3A_695 = arith.index_cast %get3A_693 : i32 to index
    %get3A_696 = arith.index_cast %get3A_694 : i32 to index
    %get3A_697 = arith.constant 64 : index
    %get3A_698 = tpu.vector_load %arg5[%get3A_695, %get3A_696, %get3A_697] {strides = array<i32>} : memref<8x2x128xi32, #tpu.memory_space<vmem>>, vector<1x1x16xi32>,
    %get3A_699 = vector.shape_cast %get3A_698 : vector<1x1x16xi32> to vector<16xi32>
    %mul3A_700 = arith.constant 1024 : i32
    %mul3A_701 = vector.broadcast %mul3A_700 : i32 to vector<16xi32>
    %mul3A_702 = arith.muli %get3A_692, %mul3A_701 : vector<16xi32>
    %add3A_703 = arith.addi %mul3A_702, %get3A_699 : vector<16xi32>
    %swap3A_704 = arith.constant 320 : index
    %swap3A_705 = tpu.vector_load %arg6[%swap3A_704] {strides = array<i32>} : memref<1024xi32, #tpu.memory_space<vmem>>, vector<16xi32>,
    %swap3A_706 = vector.shape_cast %swap3A_705 : vector<16xi32> to vector<16xi32>
    %swap3A_707 = vector.shape_cast %add3A_703 : vector<16xi32> to vector<16xi32>
    tpu.vector_store %arg6[%swap3A_704], %swap3A_707 {strides = array<i32>} : memref<1024xi32, #tpu.memory_space<vmem>>, vector<16xi32>,
    %get3A_708 = arith.constant 2 : i32
    %get3A_709 = arith.constant 0 : i32
    %get3A_710 = arith.index_cast %get3A_708 : i32 to index
    %get3A_711 = arith.index_cast %get3A_709 : i32 to index
    %get3A_712 = arith.constant 80 : index
    %get3A_713 = tpu.vector_load %arg5[%get3A_710, %get3A_711, %get3A_712] {strides = array<i32>} : memref<8x2x128xi32, #tpu.memory_space<vmem>>, vector<1x1x16xi32>,
    %get3A_714 = vector.shape_cast %get3A_713 : vector<1x1x16xi32> to vector<16xi32>
    %get3A_715 = arith.constant 2 : i32
    %get3A_716 = arith.constant 1 : i32
    %get3A_717 = arith.index_cast %get3A_715 : i32 to index
    %get3A_718 = arith.index_cast %get3A_716 : i32 to index
    %get3A_719 = arith.constant 80 : index
    %get3A_720 = tpu.vector_load %arg5[%get3A_717, %get3A_718, %get3A_719] {strides = array<i32>} : memref<8x2x128xi32, #tpu.memory_space<vmem>>, vector<1x1x16xi32>,
    %get3A_721 = vector.shape_cast %get3A_720 : vector<1x1x16xi32> to vector<16xi32>
    %mul3A_722 = arith.constant 1024 : i32
    %mul3A_723 = vector.broadcast %mul3A_722 : i32 to vector<16xi32>
    %mul3A_724 = arith.muli %get3A_714, %mul3A_723 : vector<16xi32>
    %add3A_725 = arith.addi %mul3A_724, %get3A_721 : vector<16xi32>
    %swap3A_726 = arith.constant 336 : index
    %swap3A_727 = tpu.vector_load %arg6[%swap3A_726] {strides = array<i32>} : memref<1024xi32, #tpu.memory_space<vmem>>, vector<16xi32>,
    %swap3A_728 = vector.shape_cast %swap3A_727 : vector<16xi32> to vector<16xi32>
    %swap3A_729 = vector.shape_cast %add3A_725 : vector<16xi32> to vector<16xi32>
    tpu.vector_store %arg6[%swap3A_726], %swap3A_729 {strides = array<i32>} : memref<1024xi32, #tpu.memory_space<vmem>>, vector<16xi32>,
    %get3A_730 = arith.constant 2 : i32
    %get3A_731 = arith.constant 0 : i32
    %get3A_732 = arith.index_cast %get3A_730 : i32 to index
    %get3A_733 = arith.index_cast %get3A_731 : i32 to index
    %get3A_734 = arith.constant 96 : index
    %get3A_735 = tpu.vector_load %arg5[%get3A_732, %get3A_733, %get3A_734] {strides = array<i32>} : memref<8x2x128xi32, #tpu.memory_space<vmem>>, vector<1x1x16xi32>,
    %get3A_736 = vector.shape_cast %get3A_735 : vector<1x1x16xi32> to vector<16xi32>
    %get3A_737 = arith.constant 2 : i32
    %get3A_738 = arith.constant 1 : i32
    %get3A_739 = arith.index_cast %get3A_737 : i32 to index
    %get3A_740 = arith.index_cast %get3A_738 : i32 to index
    %get3A_741 = arith.constant 96 : index
    %get3A_742 = tpu.vector_load %arg5[%get3A_739, %get3A_740, %get3A_741] {strides = array<i32>} : memref<8x2x128xi32, #tpu.memory_space<vmem>>, vector<1x1x16xi32>,
    %get3A_743 = vector.shape_cast %get3A_742 : vector<1x1x16xi32> to vector<16xi32>
    %mul3A_744 = arith.constant 1024 : i32
    %mul3A_745 = vector.broadcast %mul3A_744 : i32 to vector<16xi32>
    %mul3A_746 = arith.muli %get3A_736, %mul3A_745 : vector<16xi32>
    %add3A_747 = arith.addi %mul3A_746, %get3A_743 : vector<16xi32>
    %swap3A_748 = arith.constant 352 : index
    %swap3A_749 = tpu.vector_load %arg6[%swap3A_748] {strides = array<i32>} : memref<1024xi32, #tpu.memory_space<vmem>>, vector<16xi32>,
    %swap3A_750 = vector.shape_cast %swap3A_749 : vector<16xi32> to vector<16xi32>
    %swap3A_751 = vector.shape_cast %add3A_747 : vector<16xi32> to vector<16xi32>
    tpu.vector_store %arg6[%swap3A_748], %swap3A_751 {strides = array<i32>} : memref<1024xi32, #tpu.memory_space<vmem>>, vector<16xi32>,
    %get3A_752 = arith.constant 2 : i32
    %get3A_753 = arith.constant 0 : i32
    %get3A_754 = arith.index_cast %get3A_752 : i32 to index
    %get3A_755 = arith.index_cast %get3A_753 : i32 to index
    %get3A_756 = arith.constant 112 : index
    %get3A_757 = tpu.vector_load %arg5[%get3A_754, %get3A_755, %get3A_756] {strides = array<i32>} : memref<8x2x128xi32, #tpu.memory_space<vmem>>, vector<1x1x16xi32>,
    %get3A_758 = vector.shape_cast %get3A_757 : vector<1x1x16xi32> to vector<16xi32>
    %get3A_759 = arith.constant 2 : i32
    %get3A_760 = arith.constant 1 : i32
    %get3A_761 = arith.index_cast %get3A_759 : i32 to index
    %get3A_762 = arith.index_cast %get3A_760 : i32 to index
    %get3A_763 = arith.constant 112 : index
    %get3A_764 = tpu.vector_load %arg5[%get3A_761, %get3A_762, %get3A_763] {strides = array<i32>} : memref<8x2x128xi32, #tpu.memory_space<vmem>>, vector<1x1x16xi32>,
    %get3A_765 = vector.shape_cast %get3A_764 : vector<1x1x16xi32> to vector<16xi32>
    %mul3A_766 = arith.constant 1024 : i32
    %mul3A_767 = vector.broadcast %mul3A_766 : i32 to vector<16xi32>
    %mul3A_768 = arith.muli %get3A_758, %mul3A_767 : vector<16xi32>
    %add3A_769 = arith.addi %mul3A_768, %get3A_765 : vector<16xi32>
    %swap3A_770 = arith.constant 368 : index
    %swap3A_771 = tpu.vector_load %arg6[%swap3A_770] {strides = array<i32>} : memref<1024xi32, #tpu.memory_space<vmem>>, vector<16xi32>,
    %swap3A_772 = vector.shape_cast %swap3A_771 : vector<16xi32> to vector<16xi32>
    %swap3A_773 = vector.shape_cast %add3A_769 : vector<16xi32> to vector<16xi32>
    tpu.vector_store %arg6[%swap3A_770], %swap3A_773 {strides = array<i32>} : memref<1024xi32, #tpu.memory_space<vmem>>, vector<16xi32>,
    %dma_start3A_774 = arith.constant 2 : i32
    %dma_start3A_775 = arith.constant 256 : i32
    %dma_start3A_776 = tpu.memref_slice %arg7[%dma_start3A_775] : memref<1024xf32, #tpu.memory_space<vmem>> -> memref<128xf32, #tpu.memory_space<vmem>>
    %dma_start3A_777 = arith.constant 256 : i32
    %dma_start3A_778 = tpu.memref_slice %arg6[%dma_start3A_777] : memref<1024xi32, #tpu.memory_space<vmem>> -> memref<128xi32, #tpu.memory_space<vmem>>
    %dma_start3A_779 = arith.constant 0 : i32
    %dma_start3A_780 = tpu.memref_slice %arg3[%dma_start3A_779] : memref<1024000xf32, #tpu.memory_space<hbm>> -> memref<1024000xf32, #tpu.memory_space<hbm>>
    %dma_start3A_781 = tpu.memref_slice %arg9[%dma_start3A_774] : memref<8x!tpu.dma_semaphore, #tpu.memory_space<semaphore_mem>> -> memref<1x!tpu.dma_semaphore, #tpu.memory_space<semaphore_mem>>
    %dma_start3A_782 = tpu.memref_squeeze %dma_start3A_781 : memref<1x!tpu.dma_semaphore, #tpu.memory_space<semaphore_mem>> -> memref<!tpu.dma_semaphore, #tpu.memory_space<semaphore_mem>>
    tpu.enqueue_indirect_dma source(%dma_start3A_780 : memref<1024000xf32, #tpu.memory_space<hbm>>) target(%dma_start3A_776 : memref<128xf32, #tpu.memory_space<vmem>>) offsets(%dma_start3A_778 : memref<128xi32, #tpu.memory_space<vmem>>) semaphore(%dma_start3A_782 : memref<!tpu.dma_semaphore, #tpu.memory_space<semaphore_mem>>)
    %dma_wait3A_783 = arith.constant 3 : i32
    %dma_wait3A_784 = arith.constant 3 : i32
    %dma_wait3A_785 = arith.constant 3 : i32
    %dma_wait3A_786 = arith.constant 0 : i32
    %dma_wait3A_787 = arith.constant 0 : i32
    %dma_wait3A_788 = tpu.memref_slice %arg5[%dma_wait3A_784, %dma_wait3A_786, %dma_wait3A_787] : memref<8x2x128xi32, #tpu.memory_space<vmem>> -> memref<1x2x128xi32, #tpu.memory_space<vmem>>
    %dma_wait3A_789 = tpu.memref_squeeze %dma_wait3A_788 : memref<1x2x128xi32, #tpu.memory_space<vmem>> -> memref<2x128xi32, #tpu.memory_space<vmem>>
    %dma_wait3A_790 = arith.constant 0 : i32
    %dma_wait3A_791 = arith.constant 0 : i32
    %dma_wait3A_792 = tpu.memref_slice %arg2[%add3A, %dma_wait3A_783, %dma_wait3A_790, %dma_wait3A_791] : memref<16x8x2x128xi32, #tpu.memory_space<hbm>> -> memref<1x1x2x128xi32, #tpu.memory_space<hbm>>
    %dma_wait3A_793 = tpu.memref_squeeze %dma_wait3A_792 : memref<1x1x2x128xi32, #tpu.memory_space<hbm>> -> memref<2x128xi32, #tpu.memory_space<hbm>>
    %dma_wait3A_794 = tpu.memref_slice %arg8[%dma_wait3A_785] : memref<8x!tpu.dma_semaphore, #tpu.memory_space<semaphore_mem>> -> memref<1x!tpu.dma_semaphore, #tpu.memory_space<semaphore_mem>>
    %dma_wait3A_795 = tpu.memref_squeeze %dma_wait3A_794 : memref<1x!tpu.dma_semaphore, #tpu.memory_space<semaphore_mem>> -> memref<!tpu.dma_semaphore, #tpu.memory_space<semaphore_mem>>
    %dma_wait3A_796 = arith.constant 0 : i32
    %dma_wait3A_797 = arith.constant 0 : i32
    %dma_wait3A_798 = tpu.memref_slice %arg5[%dma_wait3A_784, %dma_wait3A_796, %dma_wait3A_797] : memref<8x2x128xi32, #tpu.memory_space<vmem>> -> memref<1x2x128xi32, #tpu.memory_space<vmem>>
    %dma_wait3A_799 = tpu.memref_squeeze %dma_wait3A_798 : memref<1x2x128xi32, #tpu.memory_space<vmem>> -> memref<2x128xi32, #tpu.memory_space<vmem>>
    %dma_wait3A_800 = arith.constant 0 : i32
    %dma_wait3A_801 = arith.constant 0 : i32
    %dma_wait3A_802 = tpu.memref_slice %arg2[%add3A, %dma_wait3A_783, %dma_wait3A_800, %dma_wait3A_801] : memref<16x8x2x128xi32, #tpu.memory_space<hbm>> -> memref<1x1x2x128xi32, #tpu.memory_space<hbm>>
    %dma_wait3A_803 = tpu.memref_squeeze %dma_wait3A_802 : memref<1x1x2x128xi32, #tpu.memory_space<hbm>> -> memref<2x128xi32, #tpu.memory_space<hbm>>
    tpu.wait_dma2 semaphore(%dma_wait3A_795 : memref<!tpu.dma_semaphore, #tpu.memory_space<semaphore_mem>>) src(%dma_wait3A_803 : memref<2x128xi32, #tpu.memory_space<hbm>>) dst(%dma_wait3A_799 : memref<2x128xi32, #tpu.memory_space<vmem>>)
    %get3A_804 = arith.constant 3 : i32
    %get3A_805 = arith.constant 0 : i32
    %get3A_806 = arith.index_cast %get3A_804 : i32 to index
    %get3A_807 = arith.index_cast %get3A_805 : i32 to index
    %get3A_808 = arith.constant 0 : index
    %get3A_809 = tpu.vector_load %arg5[%get3A_806, %get3A_807, %get3A_808] {strides = array<i32>} : memref<8x2x128xi32, #tpu.memory_space<vmem>>, vector<1x1x16xi32>,
    %get3A_810 = vector.shape_cast %get3A_809 : vector<1x1x16xi32> to vector<16xi32>
    %get3A_811 = arith.constant 3 : i32
    %get3A_812 = arith.constant 1 : i32
    %get3A_813 = arith.index_cast %get3A_811 : i32 to index
    %get3A_814 = arith.index_cast %get3A_812 : i32 to index
    %get3A_815 = arith.constant 0 : index
    %get3A_816 = tpu.vector_load %arg5[%get3A_813, %get3A_814, %get3A_815] {strides = array<i32>} : memref<8x2x128xi32, #tpu.memory_space<vmem>>, vector<1x1x16xi32>,
    %get3A_817 = vector.shape_cast %get3A_816 : vector<1x1x16xi32> to vector<16xi32>
    %mul3A_818 = arith.constant 1024 : i32
    %mul3A_819 = vector.broadcast %mul3A_818 : i32 to vector<16xi32>
    %mul3A_820 = arith.muli %get3A_810, %mul3A_819 : vector<16xi32>
    %add3A_821 = arith.addi %mul3A_820, %get3A_817 : vector<16xi32>
    %swap3A_822 = arith.constant 384 : index
    %swap3A_823 = tpu.vector_load %arg6[%swap3A_822] {strides = array<i32>} : memref<1024xi32, #tpu.memory_space<vmem>>, vector<16xi32>,
    %swap3A_824 = vector.shape_cast %swap3A_823 : vector<16xi32> to vector<16xi32>
    %swap3A_825 = vector.shape_cast %add3A_821 : vector<16xi32> to vector<16xi32>
    tpu.vector_store %arg6[%swap3A_822], %swap3A_825 {strides = array<i32>} : memref<1024xi32, #tpu.memory_space<vmem>>, vector<16xi32>,
    %get3A_826 = arith.constant 3 : i32
    %get3A_827 = arith.constant 0 : i32
    %get3A_828 = arith.index_cast %get3A_826 : i32 to index
    %get3A_829 = arith.index_cast %get3A_827 : i32 to index
    %get3A_830 = arith.constant 16 : index
    %get3A_831 = tpu.vector_load %arg5[%get3A_828, %get3A_829, %get3A_830] {strides = array<i32>} : memref<8x2x128xi32, #tpu.memory_space<vmem>>, vector<1x1x16xi32>,
    %get3A_832 = vector.shape_cast %get3A_831 : vector<1x1x16xi32> to vector<16xi32>
    %get3A_833 = arith.constant 3 : i32
    %get3A_834 = arith.constant 1 : i32
    %get3A_835 = arith.index_cast %get3A_833 : i32 to index
    %get3A_836 = arith.index_cast %get3A_834 : i32 to index
    %get3A_837 = arith.constant 16 : index
    %get3A_838 = tpu.vector_load %arg5[%get3A_835, %get3A_836, %get3A_837] {strides = array<i32>} : memref<8x2x128xi32, #tpu.memory_space<vmem>>, vector<1x1x16xi32>,
    %get3A_839 = vector.shape_cast %get3A_838 : vector<1x1x16xi32> to vector<16xi32>
    %mul3A_840 = arith.constant 1024 : i32
    %mul3A_841 = vector.broadcast %mul3A_840 : i32 to vector<16xi32>
    %mul3A_842 = arith.muli %get3A_832, %mul3A_841 : vector<16xi32>
    %add3A_843 = arith.addi %mul3A_842, %get3A_839 : vector<16xi32>
    %swap3A_844 = arith.constant 400 : index
    %swap3A_845 = tpu.vector_load %arg6[%swap3A_844] {strides = array<i32>} : memref<1024xi32, #tpu.memory_space<vmem>>, vector<16xi32>,
    %swap3A_846 = vector.shape_cast %swap3A_845 : vector<16xi32> to vector<16xi32>
    %swap3A_847 = vector.shape_cast %add3A_843 : vector<16xi32> to vector<16xi32>
    tpu.vector_store %arg6[%swap3A_844], %swap3A_847 {strides = array<i32>} : memref<1024xi32, #tpu.memory_space<vmem>>, vector<16xi32>,
    %get3A_848 = arith.constant 3 : i32
    %get3A_849 = arith.constant 0 : i32
    %get3A_850 = arith.index_cast %get3A_848 : i32 to index
    %get3A_851 = arith.index_cast %get3A_849 : i32 to index
    %get3A_852 = arith.constant 32 : index
    %get3A_853 = tpu.vector_load %arg5[%get3A_850, %get3A_851, %get3A_852] {strides = array<i32>} : memref<8x2x128xi32, #tpu.memory_space<vmem>>, vector<1x1x16xi32>,
    %get3A_854 = vector.shape_cast %get3A_853 : vector<1x1x16xi32> to vector<16xi32>
    %get3A_855 = arith.constant 3 : i32
    %get3A_856 = arith.constant 1 : i32
    %get3A_857 = arith.index_cast %get3A_855 : i32 to index
    %get3A_858 = arith.index_cast %get3A_856 : i32 to index
    %get3A_859 = arith.constant 32 : index
    %get3A_860 = tpu.vector_load %arg5[%get3A_857, %get3A_858, %get3A_859] {strides = array<i32>} : memref<8x2x128xi32, #tpu.memory_space<vmem>>, vector<1x1x16xi32>,
    %get3A_861 = vector.shape_cast %get3A_860 : vector<1x1x16xi32> to vector<16xi32>
    %mul3A_862 = arith.constant 1024 : i32
    %mul3A_863 = vector.broadcast %mul3A_862 : i32 to vector<16xi32>
    %mul3A_864 = arith.muli %get3A_854, %mul3A_863 : vector<16xi32>
    %add3A_865 = arith.addi %mul3A_864, %get3A_861 : vector<16xi32>
    %swap3A_866 = arith.constant 416 : index
    %swap3A_867 = tpu.vector_load %arg6[%swap3A_866] {strides = array<i32>} : memref<1024xi32, #tpu.memory_space<vmem>>, vector<16xi32>,
    %swap3A_868 = vector.shape_cast %swap3A_867 : vector<16xi32> to vector<16xi32>
    %swap3A_869 = vector.shape_cast %add3A_865 : vector<16xi32> to vector<16xi32>
    tpu.vector_store %arg6[%swap3A_866], %swap3A_869 {strides = array<i32>} : memref<1024xi32, #tpu.memory_space<vmem>>, vector<16xi32>,
    %get3A_870 = arith.constant 3 : i32
    %get3A_871 = arith.constant 0 : i32
    %get3A_872 = arith.index_cast %get3A_870 : i32 to index
    %get3A_873 = arith.index_cast %get3A_871 : i32 to index
    %get3A_874 = arith.constant 48 : index
    %get3A_875 = tpu.vector_load %arg5[%get3A_872, %get3A_873, %get3A_874] {strides = array<i32>} : memref<8x2x128xi32, #tpu.memory_space<vmem>>, vector<1x1x16xi32>,
    %get3A_876 = vector.shape_cast %get3A_875 : vector<1x1x16xi32> to vector<16xi32>
    %get3A_877 = arith.constant 3 : i32
    %get3A_878 = arith.constant 1 : i32
    %get3A_879 = arith.index_cast %get3A_877 : i32 to index
    %get3A_880 = arith.index_cast %get3A_878 : i32 to index
    %get3A_881 = arith.constant 48 : index
    %get3A_882 = tpu.vector_load %arg5[%get3A_879, %get3A_880, %get3A_881] {strides = array<i32>} : memref<8x2x128xi32, #tpu.memory_space<vmem>>, vector<1x1x16xi32>,
    %get3A_883 = vector.shape_cast %get3A_882 : vector<1x1x16xi32> to vector<16xi32>
    %mul3A_884 = arith.constant 1024 : i32
    %mul3A_885 = vector.broadcast %mul3A_884 : i32 to vector<16xi32>
    %mul3A_886 = arith.muli %get3A_876, %mul3A_885 : vector<16xi32>
    %add3A_887 = arith.addi %mul3A_886, %get3A_883 : vector<16xi32>
    %swap3A_888 = arith.constant 432 : index
    %swap3A_889 = tpu.vector_load %arg6[%swap3A_888] {strides = array<i32>} : memref<1024xi32, #tpu.memory_space<vmem>>, vector<16xi32>,
    %swap3A_890 = vector.shape_cast %swap3A_889 : vector<16xi32> to vector<16xi32>
    %swap3A_891 = vector.shape_cast %add3A_887 : vector<16xi32> to vector<16xi32>
    tpu.vector_store %arg6[%swap3A_888], %swap3A_891 {strides = array<i32>} : memref<1024xi32, #tpu.memory_space<vmem>>, vector<16xi32>,
    %get3A_892 = arith.constant 3 : i32
    %get3A_893 = arith.constant 0 : i32
    %get3A_894 = arith.index_cast %get3A_892 : i32 to index
    %get3A_895 = arith.index_cast %get3A_893 : i32 to index
    %get3A_896 = arith.constant 64 : index
    %get3A_897 = tpu.vector_load %arg5[%get3A_894, %get3A_895, %get3A_896] {strides = array<i32>} : memref<8x2x128xi32, #tpu.memory_space<vmem>>, vector<1x1x16xi32>,
    %get3A_898 = vector.shape_cast %get3A_897 : vector<1x1x16xi32> to vector<16xi32>
    %get3A_899 = arith.constant 3 : i32
    %get3A_900 = arith.constant 1 : i32
    %get3A_901 = arith.index_cast %get3A_899 : i32 to index
    %get3A_902 = arith.index_cast %get3A_900 : i32 to index
    %get3A_903 = arith.constant 64 : index
    %get3A_904 = tpu.vector_load %arg5[%get3A_901, %get3A_902, %get3A_903] {strides = array<i32>} : memref<8x2x128xi32, #tpu.memory_space<vmem>>, vector<1x1x16xi32>,
    %get3A_905 = vector.shape_cast %get3A_904 : vector<1x1x16xi32> to vector<16xi32>
    %mul3A_906 = arith.constant 1024 : i32
    %mul3A_907 = vector.broadcast %mul3A_906 : i32 to vector<16xi32>
    %mul3A_908 = arith.muli %get3A_898, %mul3A_907 : vector<16xi32>
    %add3A_909 = arith.addi %mul3A_908, %get3A_905 : vector<16xi32>
    %swap3A_910 = arith.constant 448 : index
    %swap3A_911 = tpu.vector_load %arg6[%swap3A_910] {strides = array<i32>} : memref<1024xi32, #tpu.memory_space<vmem>>, vector<16xi32>,
    %swap3A_912 = vector.shape_cast %swap3A_911 : vector<16xi32> to vector<16xi32>
    %swap3A_913 = vector.shape_cast %add3A_909 : vector<16xi32> to vector<16xi32>
    tpu.vector_store %arg6[%swap3A_910], %swap3A_913 {strides = array<i32>} : memref<1024xi32, #tpu.memory_space<vmem>>, vector<16xi32>,
    %get3A_914 = arith.constant 3 : i32
    %get3A_915 = arith.constant 0 : i32
    %get3A_916 = arith.index_cast %get3A_914 : i32 to index
    %get3A_917 = arith.index_cast %get3A_915 : i32 to index
    %get3A_918 = arith.constant 80 : index
    %get3A_919 = tpu.vector_load %arg5[%get3A_916, %get3A_917, %get3A_918] {strides = array<i32>} : memref<8x2x128xi32, #tpu.memory_space<vmem>>, vector<1x1x16xi32>,
    %get3A_920 = vector.shape_cast %get3A_919 : vector<1x1x16xi32> to vector<16xi32>
    %get3A_921 = arith.constant 3 : i32
    %get3A_922 = arith.constant 1 : i32
    %get3A_923 = arith.index_cast %get3A_921 : i32 to index
    %get3A_924 = arith.index_cast %get3A_922 : i32 to index
    %get3A_925 = arith.constant 80 : index
    %get3A_926 = tpu.vector_load %arg5[%get3A_923, %get3A_924, %get3A_925] {strides = array<i32>} : memref<8x2x128xi32, #tpu.memory_space<vmem>>, vector<1x1x16xi32>,
    %get3A_927 = vector.shape_cast %get3A_926 : vector<1x1x16xi32> to vector<16xi32>
    %mul3A_928 = arith.constant 1024 : i32
    %mul3A_929 = vector.broadcast %mul3A_928 : i32 to vector<16xi32>
    %mul3A_930 = arith.muli %get3A_920, %mul3A_929 : vector<16xi32>
    %add3A_931 = arith.addi %mul3A_930, %get3A_927 : vector<16xi32>
    %swap3A_932 = arith.constant 464 : index
    %swap3A_933 = tpu.vector_load %arg6[%swap3A_932] {strides = array<i32>} : memref<1024xi32, #tpu.memory_space<vmem>>, vector<16xi32>,
    %swap3A_934 = vector.shape_cast %swap3A_933 : vector<16xi32> to vector<16xi32>
    %swap3A_935 = vector.shape_cast %add3A_931 : vector<16xi32> to vector<16xi32>
    tpu.vector_store %arg6[%swap3A_932], %swap3A_935 {strides = array<i32>} : memref<1024xi32, #tpu.memory_space<vmem>>, vector<16xi32>,
    %get3A_936 = arith.constant 3 : i32
    %get3A_937 = arith.constant 0 : i32
    %get3A_938 = arith.index_cast %get3A_936 : i32 to index
    %get3A_939 = arith.index_cast %get3A_937 : i32 to index
    %get3A_940 = arith.constant 96 : index
    %get3A_941 = tpu.vector_load %arg5[%get3A_938, %get3A_939, %get3A_940] {strides = array<i32>} : memref<8x2x128xi32, #tpu.memory_space<vmem>>, vector<1x1x16xi32>,
    %get3A_942 = vector.shape_cast %get3A_941 : vector<1x1x16xi32> to vector<16xi32>
    %get3A_943 = arith.constant 3 : i32
    %get3A_944 = arith.constant 1 : i32
    %get3A_945 = arith.index_cast %get3A_943 : i32 to index
    %get3A_946 = arith.index_cast %get3A_944 : i32 to index
    %get3A_947 = arith.constant 96 : index
    %get3A_948 = tpu.vector_load %arg5[%get3A_945, %get3A_946, %get3A_947] {strides = array<i32>} : memref<8x2x128xi32, #tpu.memory_space<vmem>>, vector<1x1x16xi32>,
    %get3A_949 = vector.shape_cast %get3A_948 : vector<1x1x16xi32> to vector<16xi32>
    %mul3A_950 = arith.constant 1024 : i32
    %mul3A_951 = vector.broadcast %mul3A_950 : i32 to vector<16xi32>
    %mul3A_952 = arith.muli %get3A_942, %mul3A_951 : vector<16xi32>
    %add3A_953 = arith.addi %mul3A_952, %get3A_949 : vector<16xi32>
    %swap3A_954 = arith.constant 480 : index
    %swap3A_955 = tpu.vector_load %arg6[%swap3A_954] {strides = array<i32>} : memref<1024xi32, #tpu.memory_space<vmem>>, vector<16xi32>,
    %swap3A_956 = vector.shape_cast %swap3A_955 : vector<16xi32> to vector<16xi32>
    %swap3A_957 = vector.shape_cast %add3A_953 : vector<16xi32> to vector<16xi32>
    tpu.vector_store %arg6[%swap3A_954], %swap3A_957 {strides = array<i32>} : memref<1024xi32, #tpu.memory_space<vmem>>, vector<16xi32>,
    %get3A_958 = arith.constant 3 : i32
    %get3A_959 = arith.constant 0 : i32
    %get3A_960 = arith.index_cast %get3A_958 : i32 to index
    %get3A_961 = arith.index_cast %get3A_959 : i32 to index
    %get3A_962 = arith.constant 112 : index
    %get3A_963 = tpu.vector_load %arg5[%get3A_960, %get3A_961, %get3A_962] {strides = array<i32>} : memref<8x2x128xi32, #tpu.memory_space<vmem>>, vector<1x1x16xi32>,
    %get3A_964 = vector.shape_cast %get3A_963 : vector<1x1x16xi32> to vector<16xi32>
    %get3A_965 = arith.constant 3 : i32
    %get3A_966 = arith.constant 1 : i32
    %get3A_967 = arith.index_cast %get3A_965 : i32 to index
    %get3A_968 = arith.index_cast %get3A_966 : i32 to index
    %get3A_969 = arith.constant 112 : index
    %get3A_970 = tpu.vector_load %arg5[%get3A_967, %get3A_968, %get3A_969] {strides = array<i32>} : memref<8x2x128xi32, #tpu.memory_space<vmem>>, vector<1x1x16xi32>,
    %get3A_971 = vector.shape_cast %get3A_970 : vector<1x1x16xi32> to vector<16xi32>
    %mul3A_972 = arith.constant 1024 : i32
    %mul3A_973 = vector.broadcast %mul3A_972 : i32 to vector<16xi32>
    %mul3A_974 = arith.muli %get3A_964, %mul3A_973 : vector<16xi32>
    %add3A_975 = arith.addi %mul3A_974, %get3A_971 : vector<16xi32>
    %swap3A_976 = arith.constant 496 : index
    %swap3A_977 = tpu.vector_load %arg6[%swap3A_976] {strides = array<i32>} : memref<1024xi32, #tpu.memory_space<vmem>>, vector<16xi32>,
    %swap3A_978 = vector.shape_cast %swap3A_977 : vector<16xi32> to vector<16xi32>
    %swap3A_979 = vector.shape_cast %add3A_975 : vector<16xi32> to vector<16xi32>
    tpu.vector_store %arg6[%swap3A_976], %swap3A_979 {strides = array<i32>} : memref<1024xi32, #tpu.memory_space<vmem>>, vector<16xi32>,
    %dma_start3A_980 = arith.constant 3 : i32
    %dma_start3A_981 = arith.constant 384 : i32
    %dma_start3A_982 = tpu.memref_slice %arg7[%dma_start3A_981] : memref<1024xf32, #tpu.memory_space<vmem>> -> memref<128xf32, #tpu.memory_space<vmem>>
    %dma_start3A_983 = arith.constant 384 : i32
    %dma_start3A_984 = tpu.memref_slice %arg6[%dma_start3A_983] : memref<1024xi32, #tpu.memory_space<vmem>> -> memref<128xi32, #tpu.memory_space<vmem>>
    %dma_start3A_985 = arith.constant 0 : i32
    %dma_start3A_986 = tpu.memref_slice %arg3[%dma_start3A_985] : memref<1024000xf32, #tpu.memory_space<hbm>> -> memref<1024000xf32, #tpu.memory_space<hbm>>
    %dma_start3A_987 = tpu.memref_slice %arg9[%dma_start3A_980] : memref<8x!tpu.dma_semaphore, #tpu.memory_space<semaphore_mem>> -> memref<1x!tpu.dma_semaphore, #tpu.memory_space<semaphore_mem>>
    %dma_start3A_988 = tpu.memref_squeeze %dma_start3A_987 : memref<1x!tpu.dma_semaphore, #tpu.memory_space<semaphore_mem>> -> memref<!tpu.dma_semaphore, #tpu.memory_space<semaphore_mem>>
    tpu.enqueue_indirect_dma source(%dma_start3A_986 : memref<1024000xf32, #tpu.memory_space<hbm>>) target(%dma_start3A_982 : memref<128xf32, #tpu.memory_space<vmem>>) offsets(%dma_start3A_984 : memref<128xi32, #tpu.memory_space<vmem>>) semaphore(%dma_start3A_988 : memref<!tpu.dma_semaphore, #tpu.memory_space<semaphore_mem>>)
    %dma_wait3A_989 = arith.constant 4 : i32
    %dma_wait3A_990 = arith.constant 4 : i32
    %dma_wait3A_991 = arith.constant 4 : i32
    %dma_wait3A_992 = arith.constant 0 : i32
    %dma_wait3A_993 = arith.constant 0 : i32
    %dma_wait3A_994 = tpu.memref_slice %arg5[%dma_wait3A_990, %dma_wait3A_992, %dma_wait3A_993] : memref<8x2x128xi32, #tpu.memory_space<vmem>> -> memref<1x2x128xi32, #tpu.memory_space<vmem>>
    %dma_wait3A_995 = tpu.memref_squeeze %dma_wait3A_994 : memref<1x2x128xi32, #tpu.memory_space<vmem>> -> memref<2x128xi32, #tpu.memory_space<vmem>>
    %dma_wait3A_996 = arith.constant 0 : i32
    %dma_wait3A_997 = arith.constant 0 : i32
    %dma_wait3A_998 = tpu.memref_slice %arg2[%add3A, %dma_wait3A_989, %dma_wait3A_996, %dma_wait3A_997] : memref<16x8x2x128xi32, #tpu.memory_space<hbm>> -> memref<1x1x2x128xi32, #tpu.memory_space<hbm>>
    %dma_wait3A_999 = tpu.memref_squeeze %dma_wait3A_998 : memref<1x1x2x128xi32, #tpu.memory_space<hbm>> -> memref<2x128xi32, #tpu.memory_space<hbm>>
    %dma_wait3A_1000 = tpu.memref_slice %arg8[%dma_wait3A_991] : memref<8x!tpu.dma_semaphore, #tpu.memory_space<semaphore_mem>> -> memref<1x!tpu.dma_semaphore, #tpu.memory_space<semaphore_mem>>
    %dma_wait3A_1001 = tpu.memref_squeeze %dma_wait3A_1000 : memref<1x!tpu.dma_semaphore, #tpu.memory_space<semaphore_mem>> -> memref<!tpu.dma_semaphore, #tpu.memory_space<semaphore_mem>>
    %dma_wait3A_1002 = arith.constant 0 : i32
    %dma_wait3A_1003 = arith.constant 0 : i32
    %dma_wait3A_1004 = tpu.memref_slice %arg5[%dma_wait3A_990, %dma_wait3A_1002, %dma_wait3A_1003] : memref<8x2x128xi32, #tpu.memory_space<vmem>> -> memref<1x2x128xi32, #tpu.memory_space<vmem>>
    %dma_wait3A_1005 = tpu.memref_squeeze %dma_wait3A_1004 : memref<1x2x128xi32, #tpu.memory_space<vmem>> -> memref<2x128xi32, #tpu.memory_space<vmem>>
    %dma_wait3A_1006 = arith.constant 0 : i32
    %dma_wait3A_1007 = arith.constant 0 : i32
    %dma_wait3A_1008 = tpu.memref_slice %arg2[%add3A, %dma_wait3A_989, %dma_wait3A_1006, %dma_wait3A_1007] : memref<16x8x2x128xi32, #tpu.memory_space<hbm>> -> memref<1x1x2x128xi32, #tpu.memory_space<hbm>>
    %dma_wait3A_1009 = tpu.memref_squeeze %dma_wait3A_1008 : memref<1x1x2x128xi32, #tpu.memory_space<hbm>> -> memref<2x128xi32, #tpu.memory_space<hbm>>
    tpu.wait_dma2 semaphore(%dma_wait3A_1001 : memref<!tpu.dma_semaphore, #tpu.memory_space<semaphore_mem>>) src(%dma_wait3A_1009 : memref<2x128xi32, #tpu.memory_space<hbm>>) dst(%dma_wait3A_1005 : memref<2x128xi32, #tpu.memory_space<vmem>>)
    %get3A_1010 = arith.constant 4 : i32
    %get3A_1011 = arith.constant 0 : i32
    %get3A_1012 = arith.index_cast %get3A_1010 : i32 to index
    %get3A_1013 = arith.index_cast %get3A_1011 : i32 to index
    %get3A_1014 = arith.constant 0 : index
    %get3A_1015 = tpu.vector_load %arg5[%get3A_1012, %get3A_1013, %get3A_1014] {strides = array<i32>} : memref<8x2x128xi32, #tpu.memory_space<vmem>>, vector<1x1x16xi32>,
    %get3A_1016 = vector.shape_cast %get3A_1015 : vector<1x1x16xi32> to vector<16xi32>
    %get3A_1017 = arith.constant 4 : i32
    %get3A_1018 = arith.constant 1 : i32
    %get3A_1019 = arith.index_cast %get3A_1017 : i32 to index
    %get3A_1020 = arith.index_cast %get3A_1018 : i32 to index
    %get3A_1021 = arith.constant 0 : index
    %get3A_1022 = tpu.vector_load %arg5[%get3A_1019, %get3A_1020, %get3A_1021] {strides = array<i32>} : memref<8x2x128xi32, #tpu.memory_space<vmem>>, vector<1x1x16xi32>,
    %get3A_1023 = vector.shape_cast %get3A_1022 : vector<1x1x16xi32> to vector<16xi32>
    %mul3A_1024 = arith.constant 1024 : i32
    %mul3A_1025 = vector.broadcast %mul3A_1024 : i32 to vector<16xi32>
    %mul3A_1026 = arith.muli %get3A_1016, %mul3A_1025 : vector<16xi32>
    %add3A_1027 = arith.addi %mul3A_1026, %get3A_1023 : vector<16xi32>
    %swap3A_1028 = arith.constant 512 : index
    %swap3A_1029 = tpu.vector_load %arg6[%swap3A_1028] {strides = array<i32>} : memref<1024xi32, #tpu.memory_space<vmem>>, vector<16xi32>,
    %swap3A_1030 = vector.shape_cast %swap3A_1029 : vector<16xi32> to vector<16xi32>
    %swap3A_1031 = vector.shape_cast %add3A_1027 : vector<16xi32> to vector<16xi32>
    tpu.vector_store %arg6[%swap3A_1028], %swap3A_1031 {strides = array<i32>} : memref<1024xi32, #tpu.memory_space<vmem>>, vector<16xi32>,
    %get3A_1032 = arith.constant 4 : i32
    %get3A_1033 = arith.constant 0 : i32
    %get3A_1034 = arith.index_cast %get3A_1032 : i32 to index
    %get3A_1035 = arith.index_cast %get3A_1033 : i32 to index
    %get3A_1036 = arith.constant 16 : index
    %get3A_1037 = tpu.vector_load %arg5[%get3A_1034, %get3A_1035, %get3A_1036] {strides = array<i32>} : memref<8x2x128xi32, #tpu.memory_space<vmem>>, vector<1x1x16xi32>,
    %get3A_1038 = vector.shape_cast %get3A_1037 : vector<1x1x16xi32> to vector<16xi32>
    %get3A_1039 = arith.constant 4 : i32
    %get3A_1040 = arith.constant 1 : i32
    %get3A_1041 = arith.index_cast %get3A_1039 : i32 to index
    %get3A_1042 = arith.index_cast %get3A_1040 : i32 to index
    %get3A_1043 = arith.constant 16 : index
    %get3A_1044 = tpu.vector_load %arg5[%get3A_1041, %get3A_1042, %get3A_1043] {strides = array<i32>} : memref<8x2x128xi32, #tpu.memory_space<vmem>>, vector<1x1x16xi32>,
    %get3A_1045 = vector.shape_cast %get3A_1044 : vector<1x1x16xi32> to vector<16xi32>
    %mul3A_1046 = arith.constant 1024 : i32
    %mul3A_1047 = vector.broadcast %mul3A_1046 : i32 to vector<16xi32>
    %mul3A_1048 = arith.muli %get3A_1038, %mul3A_1047 : vector<16xi32>
    %add3A_1049 = arith.addi %mul3A_1048, %get3A_1045 : vector<16xi32>
    %swap3A_1050 = arith.constant 528 : index
    %swap3A_1051 = tpu.vector_load %arg6[%swap3A_1050] {strides = array<i32>} : memref<1024xi32, #tpu.memory_space<vmem>>, vector<16xi32>,
    %swap3A_1052 = vector.shape_cast %swap3A_1051 : vector<16xi32> to vector<16xi32>
    %swap3A_1053 = vector.shape_cast %add3A_1049 : vector<16xi32> to vector<16xi32>
    tpu.vector_store %arg6[%swap3A_1050], %swap3A_1053 {strides = array<i32>} : memref<1024xi32, #tpu.memory_space<vmem>>, vector<16xi32>,
    %get3A_1054 = arith.constant 4 : i32
    %get3A_1055 = arith.constant 0 : i32
    %get3A_1056 = arith.index_cast %get3A_1054 : i32 to index
    %get3A_1057 = arith.index_cast %get3A_1055 : i32 to index
    %get3A_1058 = arith.constant 32 : index
    %get3A_1059 = tpu.vector_load %arg5[%get3A_1056, %get3A_1057, %get3A_1058] {strides = array<i32>} : memref<8x2x128xi32, #tpu.memory_space<vmem>>, vector<1x1x16xi32>,
    %get3A_1060 = vector.shape_cast %get3A_1059 : vector<1x1x16xi32> to vector<16xi32>
    %get3A_1061 = arith.constant 4 : i32
    %get3A_1062 = arith.constant 1 : i32
    %get3A_1063 = arith.index_cast %get3A_1061 : i32 to index
    %get3A_1064 = arith.index_cast %get3A_1062 : i32 to index
    %get3A_1065 = arith.constant 32 : index
    %get3A_1066 = tpu.vector_load %arg5[%get3A_1063, %get3A_1064, %get3A_1065] {strides = array<i32>} : memref<8x2x128xi32, #tpu.memory_space<vmem>>, vector<1x1x16xi32>,
    %get3A_1067 = vector.shape_cast %get3A_1066 : vector<1x1x16xi32> to vector<16xi32>
    %mul3A_1068 = arith.constant 1024 : i32
    %mul3A_1069 = vector.broadcast %mul3A_1068 : i32 to vector<16xi32>
    %mul3A_1070 = arith.muli %get3A_1060, %mul3A_1069 : vector<16xi32>
    %add3A_1071 = arith.addi %mul3A_1070, %get3A_1067 : vector<16xi32>
    %swap3A_1072 = arith.constant 544 : index
    %swap3A_1073 = tpu.vector_load %arg6[%swap3A_1072] {strides = array<i32>} : memref<1024xi32, #tpu.memory_space<vmem>>, vector<16xi32>,
    %swap3A_1074 = vector.shape_cast %swap3A_1073 : vector<16xi32> to vector<16xi32>
    %swap3A_1075 = vector.shape_cast %add3A_1071 : vector<16xi32> to vector<16xi32>
    tpu.vector_store %arg6[%swap3A_1072], %swap3A_1075 {strides = array<i32>} : memref<1024xi32, #tpu.memory_space<vmem>>, vector<16xi32>,
    %get3A_1076 = arith.constant 4 : i32
    %get3A_1077 = arith.constant 0 : i32
    %get3A_1078 = arith.index_cast %get3A_1076 : i32 to index
    %get3A_1079 = arith.index_cast %get3A_1077 : i32 to index
    %get3A_1080 = arith.constant 48 : index
    %get3A_1081 = tpu.vector_load %arg5[%get3A_1078, %get3A_1079, %get3A_1080] {strides = array<i32>} : memref<8x2x128xi32, #tpu.memory_space<vmem>>, vector<1x1x16xi32>,
    %get3A_1082 = vector.shape_cast %get3A_1081 : vector<1x1x16xi32> to vector<16xi32>
    %get3A_1083 = arith.constant 4 : i32
    %get3A_1084 = arith.constant 1 : i32
    %get3A_1085 = arith.index_cast %get3A_1083 : i32 to index
    %get3A_1086 = arith.index_cast %get3A_1084 : i32 to index
    %get3A_1087 = arith.constant 48 : index
    %get3A_1088 = tpu.vector_load %arg5[%get3A_1085, %get3A_1086, %get3A_1087] {strides = array<i32>} : memref<8x2x128xi32, #tpu.memory_space<vmem>>, vector<1x1x16xi32>,
    %get3A_1089 = vector.shape_cast %get3A_1088 : vector<1x1x16xi32> to vector<16xi32>
    %mul3A_1090 = arith.constant 1024 : i32
    %mul3A_1091 = vector.broadcast %mul3A_1090 : i32 to vector<16xi32>
    %mul3A_1092 = arith.muli %get3A_1082, %mul3A_1091 : vector<16xi32>
    %add3A_1093 = arith.addi %mul3A_1092, %get3A_1089 : vector<16xi32>
    %swap3A_1094 = arith.constant 560 : index
    %swap3A_1095 = tpu.vector_load %arg6[%swap3A_1094] {strides = array<i32>} : memref<1024xi32, #tpu.memory_space<vmem>>, vector<16xi32>,
    %swap3A_1096 = vector.shape_cast %swap3A_1095 : vector<16xi32> to vector<16xi32>
    %swap3A_1097 = vector.shape_cast %add3A_1093 : vector<16xi32> to vector<16xi32>
    tpu.vector_store %arg6[%swap3A_1094], %swap3A_1097 {strides = array<i32>} : memref<1024xi32, #tpu.memory_space<vmem>>, vector<16xi32>,
    %get3A_1098 = arith.constant 4 : i32
    %get3A_1099 = arith.constant 0 : i32
    %get3A_1100 = arith.index_cast %get3A_1098 : i32 to index
    %get3A_1101 = arith.index_cast %get3A_1099 : i32 to index
    %get3A_1102 = arith.constant 64 : index
    %get3A_1103 = tpu.vector_load %arg5[%get3A_1100, %get3A_1101, %get3A_1102] {strides = array<i32>} : memref<8x2x128xi32, #tpu.memory_space<vmem>>, vector<1x1x16xi32>,
    %get3A_1104 = vector.shape_cast %get3A_1103 : vector<1x1x16xi32> to vector<16xi32>
    %get3A_1105 = arith.constant 4 : i32
    %get3A_1106 = arith.constant 1 : i32
    %get3A_1107 = arith.index_cast %get3A_1105 : i32 to index
    %get3A_1108 = arith.index_cast %get3A_1106 : i32 to index
    %get3A_1109 = arith.constant 64 : index
    %get3A_1110 = tpu.vector_load %arg5[%get3A_1107, %get3A_1108, %get3A_1109] {strides = array<i32>} : memref<8x2x128xi32, #tpu.memory_space<vmem>>, vector<1x1x16xi32>,
    %get3A_1111 = vector.shape_cast %get3A_1110 : vector<1x1x16xi32> to vector<16xi32>
    %mul3A_1112 = arith.constant 1024 : i32
    %mul3A_1113 = vector.broadcast %mul3A_1112 : i32 to vector<16xi32>
    %mul3A_1114 = arith.muli %get3A_1104, %mul3A_1113 : vector<16xi32>
    %add3A_1115 = arith.addi %mul3A_1114, %get3A_1111 : vector<16xi32>
    %swap3A_1116 = arith.constant 576 : index
    %swap3A_1117 = tpu.vector_load %arg6[%swap3A_1116] {strides = array<i32>} : memref<1024xi32, #tpu.memory_space<vmem>>, vector<16xi32>,
    %swap3A_1118 = vector.shape_cast %swap3A_1117 : vector<16xi32> to vector<16xi32>
    %swap3A_1119 = vector.shape_cast %add3A_1115 : vector<16xi32> to vector<16xi32>
    tpu.vector_store %arg6[%swap3A_1116], %swap3A_1119 {strides = array<i32>} : memref<1024xi32, #tpu.memory_space<vmem>>, vector<16xi32>,
    %get3A_1120 = arith.constant 4 : i32
    %get3A_1121 = arith.constant 0 : i32
    %get3A_1122 = arith.index_cast %get3A_1120 : i32 to index
    %get3A_1123 = arith.index_cast %get3A_1121 : i32 to index
    %get3A_1124 = arith.constant 80 : index
    %get3A_1125 = tpu.vector_load %arg5[%get3A_1122, %get3A_1123, %get3A_1124] {strides = array<i32>} : memref<8x2x128xi32, #tpu.memory_space<vmem>>, vector<1x1x16xi32>,
    %get3A_1126 = vector.shape_cast %get3A_1125 : vector<1x1x16xi32> to vector<16xi32>
    %get3A_1127 = arith.constant 4 : i32
    %get3A_1128 = arith.constant 1 : i32
    %get3A_1129 = arith.index_cast %get3A_1127 : i32 to index
    %get3A_1130 = arith.index_cast %get3A_1128 : i32 to index
    %get3A_1131 = arith.constant 80 : index
    %get3A_1132 = tpu.vector_load %arg5[%get3A_1129, %get3A_1130, %get3A_1131] {strides = array<i32>} : memref<8x2x128xi32, #tpu.memory_space<vmem>>, vector<1x1x16xi32>,
    %get3A_1133 = vector.shape_cast %get3A_1132 : vector<1x1x16xi32> to vector<16xi32>
    %mul3A_1134 = arith.constant 1024 : i32
    %mul3A_1135 = vector.broadcast %mul3A_1134 : i32 to vector<16xi32>
    %mul3A_1136 = arith.muli %get3A_1126, %mul3A_1135 : vector<16xi32>
    %add3A_1137 = arith.addi %mul3A_1136, %get3A_1133 : vector<16xi32>
    %swap3A_1138 = arith.constant 592 : index
    %swap3A_1139 = tpu.vector_load %arg6[%swap3A_1138] {strides = array<i32>} : memref<1024xi32, #tpu.memory_space<vmem>>, vector<16xi32>,
    %swap3A_1140 = vector.shape_cast %swap3A_1139 : vector<16xi32> to vector<16xi32>
    %swap3A_1141 = vector.shape_cast %add3A_1137 : vector<16xi32> to vector<16xi32>
    tpu.vector_store %arg6[%swap3A_1138], %swap3A_1141 {strides = array<i32>} : memref<1024xi32, #tpu.memory_space<vmem>>, vector<16xi32>,
    %get3A_1142 = arith.constant 4 : i32
    %get3A_1143 = arith.constant 0 : i32
    %get3A_1144 = arith.index_cast %get3A_1142 : i32 to index
    %get3A_1145 = arith.index_cast %get3A_1143 : i32 to index
    %get3A_1146 = arith.constant 96 : index
    %get3A_1147 = tpu.vector_load %arg5[%get3A_1144, %get3A_1145, %get3A_1146] {strides = array<i32>} : memref<8x2x128xi32, #tpu.memory_space<vmem>>, vector<1x1x16xi32>,
    %get3A_1148 = vector.shape_cast %get3A_1147 : vector<1x1x16xi32> to vector<16xi32>
    %get3A_1149 = arith.constant 4 : i32
    %get3A_1150 = arith.constant 1 : i32
    %get3A_1151 = arith.index_cast %get3A_1149 : i32 to index
    %get3A_1152 = arith.index_cast %get3A_1150 : i32 to index
    %get3A_1153 = arith.constant 96 : index
    %get3A_1154 = tpu.vector_load %arg5[%get3A_1151, %get3A_1152, %get3A_1153] {strides = array<i32>} : memref<8x2x128xi32, #tpu.memory_space<vmem>>, vector<1x1x16xi32>,
    %get3A_1155 = vector.shape_cast %get3A_1154 : vector<1x1x16xi32> to vector<16xi32>
    %mul3A_1156 = arith.constant 1024 : i32
    %mul3A_1157 = vector.broadcast %mul3A_1156 : i32 to vector<16xi32>
    %mul3A_1158 = arith.muli %get3A_1148, %mul3A_1157 : vector<16xi32>
    %add3A_1159 = arith.addi %mul3A_1158, %get3A_1155 : vector<16xi32>
    %swap3A_1160 = arith.constant 608 : index
    %swap3A_1161 = tpu.vector_load %arg6[%swap3A_1160] {strides = array<i32>} : memref<1024xi32, #tpu.memory_space<vmem>>, vector<16xi32>,
    %swap3A_1162 = vector.shape_cast %swap3A_1161 : vector<16xi32> to vector<16xi32>
    %swap3A_1163 = vector.shape_cast %add3A_1159 : vector<16xi32> to vector<16xi32>
    tpu.vector_store %arg6[%swap3A_1160], %swap3A_1163 {strides = array<i32>} : memref<1024xi32, #tpu.memory_space<vmem>>, vector<16xi32>,
    %get3A_1164 = arith.constant 4 : i32
    %get3A_1165 = arith.constant 0 : i32
    %get3A_1166 = arith.index_cast %get3A_1164 : i32 to index
    %get3A_1167 = arith.index_cast %get3A_1165 : i32 to index
    %get3A_1168 = arith.constant 112 : index
    %get3A_1169 = tpu.vector_load %arg5[%get3A_1166, %get3A_1167, %get3A_1168] {strides = array<i32>} : memref<8x2x128xi32, #tpu.memory_space<vmem>>, vector<1x1x16xi32>,
    %get3A_1170 = vector.shape_cast %get3A_1169 : vector<1x1x16xi32> to vector<16xi32>
    %get3A_1171 = arith.constant 4 : i32
    %get3A_1172 = arith.constant 1 : i32
    %get3A_1173 = arith.index_cast %get3A_1171 : i32 to index
    %get3A_1174 = arith.index_cast %get3A_1172 : i32 to index
    %get3A_1175 = arith.constant 112 : index
    %get3A_1176 = tpu.vector_load %arg5[%get3A_1173, %get3A_1174, %get3A_1175] {strides = array<i32>} : memref<8x2x128xi32, #tpu.memory_space<vmem>>, vector<1x1x16xi32>,
    %get3A_1177 = vector.shape_cast %get3A_1176 : vector<1x1x16xi32> to vector<16xi32>
    %mul3A_1178 = arith.constant 1024 : i32
    %mul3A_1179 = vector.broadcast %mul3A_1178 : i32 to vector<16xi32>
    %mul3A_1180 = arith.muli %get3A_1170, %mul3A_1179 : vector<16xi32>
    %add3A_1181 = arith.addi %mul3A_1180, %get3A_1177 : vector<16xi32>
    %swap3A_1182 = arith.constant 624 : index
    %swap3A_1183 = tpu.vector_load %arg6[%swap3A_1182] {strides = array<i32>} : memref<1024xi32, #tpu.memory_space<vmem>>, vector<16xi32>,
    %swap3A_1184 = vector.shape_cast %swap3A_1183 : vector<16xi32> to vector<16xi32>
    %swap3A_1185 = vector.shape_cast %add3A_1181 : vector<16xi32> to vector<16xi32>
    tpu.vector_store %arg6[%swap3A_1182], %swap3A_1185 {strides = array<i32>} : memref<1024xi32, #tpu.memory_space<vmem>>, vector<16xi32>,
    %dma_start3A_1186 = arith.constant 4 : i32
    %dma_start3A_1187 = arith.constant 512 : i32
    %dma_start3A_1188 = tpu.memref_slice %arg7[%dma_start3A_1187] : memref<1024xf32, #tpu.memory_space<vmem>> -> memref<128xf32, #tpu.memory_space<vmem>>
    %dma_start3A_1189 = arith.constant 512 : i32
    %dma_start3A_1190 = tpu.memref_slice %arg6[%dma_start3A_1189] : memref<1024xi32, #tpu.memory_space<vmem>> -> memref<128xi32, #tpu.memory_space<vmem>>
    %dma_start3A_1191 = arith.constant 0 : i32
    %dma_start3A_1192 = tpu.memref_slice %arg3[%dma_start3A_1191] : memref<1024000xf32, #tpu.memory_space<hbm>> -> memref<1024000xf32, #tpu.memory_space<hbm>>
    %dma_start3A_1193 = tpu.memref_slice %arg9[%dma_start3A_1186] : memref<8x!tpu.dma_semaphore, #tpu.memory_space<semaphore_mem>> -> memref<1x!tpu.dma_semaphore, #tpu.memory_space<semaphore_mem>>
    %dma_start3A_1194 = tpu.memref_squeeze %dma_start3A_1193 : memref<1x!tpu.dma_semaphore, #tpu.memory_space<semaphore_mem>> -> memref<!tpu.dma_semaphore, #tpu.memory_space<semaphore_mem>>
    tpu.enqueue_indirect_dma source(%dma_start3A_1192 : memref<1024000xf32, #tpu.memory_space<hbm>>) target(%dma_start3A_1188 : memref<128xf32, #tpu.memory_space<vmem>>) offsets(%dma_start3A_1190 : memref<128xi32, #tpu.memory_space<vmem>>) semaphore(%dma_start3A_1194 : memref<!tpu.dma_semaphore, #tpu.memory_space<semaphore_mem>>)
    %dma_wait3A_1195 = arith.constant 5 : i32
    %dma_wait3A_1196 = arith.constant 5 : i32
    %dma_wait3A_1197 = arith.constant 5 : i32
    %dma_wait3A_1198 = arith.constant 0 : i32
    %dma_wait3A_1199 = arith.constant 0 : i32
    %dma_wait3A_1200 = tpu.memref_slice %arg5[%dma_wait3A_1196, %dma_wait3A_1198, %dma_wait3A_1199] : memref<8x2x128xi32, #tpu.memory_space<vmem>> -> memref<1x2x128xi32, #tpu.memory_space<vmem>>
    %dma_wait3A_1201 = tpu.memref_squeeze %dma_wait3A_1200 : memref<1x2x128xi32, #tpu.memory_space<vmem>> -> memref<2x128xi32, #tpu.memory_space<vmem>>
    %dma_wait3A_1202 = arith.constant 0 : i32
    %dma_wait3A_1203 = arith.constant 0 : i32
    %dma_wait3A_1204 = tpu.memref_slice %arg2[%add3A, %dma_wait3A_1195, %dma_wait3A_1202, %dma_wait3A_1203] : memref<16x8x2x128xi32, #tpu.memory_space<hbm>> -> memref<1x1x2x128xi32, #tpu.memory_space<hbm>>
    %dma_wait3A_1205 = tpu.memref_squeeze %dma_wait3A_1204 : memref<1x1x2x128xi32, #tpu.memory_space<hbm>> -> memref<2x128xi32, #tpu.memory_space<hbm>>
    %dma_wait3A_1206 = tpu.memref_slice %arg8[%dma_wait3A_1197] : memref<8x!tpu.dma_semaphore, #tpu.memory_space<semaphore_mem>> -> memref<1x!tpu.dma_semaphore, #tpu.memory_space<semaphore_mem>>
    %dma_wait3A_1207 = tpu.memref_squeeze %dma_wait3A_1206 : memref<1x!tpu.dma_semaphore, #tpu.memory_space<semaphore_mem>> -> memref<!tpu.dma_semaphore, #tpu.memory_space<semaphore_mem>>
    %dma_wait3A_1208 = arith.constant 0 : i32
    %dma_wait3A_1209 = arith.constant 0 : i32
    %dma_wait3A_1210 = tpu.memref_slice %arg5[%dma_wait3A_1196, %dma_wait3A_1208, %dma_wait3A_1209] : memref<8x2x128xi32, #tpu.memory_space<vmem>> -> memref<1x2x128xi32, #tpu.memory_space<vmem>>
    %dma_wait3A_1211 = tpu.memref_squeeze %dma_wait3A_1210 : memref<1x2x128xi32, #tpu.memory_space<vmem>> -> memref<2x128xi32, #tpu.memory_space<vmem>>
    %dma_wait3A_1212 = arith.constant 0 : i32
    %dma_wait3A_1213 = arith.constant 0 : i32
    %dma_wait3A_1214 = tpu.memref_slice %arg2[%add3A, %dma_wait3A_1195, %dma_wait3A_1212, %dma_wait3A_1213] : memref<16x8x2x128xi32, #tpu.memory_space<hbm>> -> memref<1x1x2x128xi32, #tpu.memory_space<hbm>>
    %dma_wait3A_1215 = tpu.memref_squeeze %dma_wait3A_1214 : memref<1x1x2x128xi32, #tpu.memory_space<hbm>> -> memref<2x128xi32, #tpu.memory_space<hbm>>
    tpu.wait_dma2 semaphore(%dma_wait3A_1207 : memref<!tpu.dma_semaphore, #tpu.memory_space<semaphore_mem>>) src(%dma_wait3A_1215 : memref<2x128xi32, #tpu.memory_space<hbm>>) dst(%dma_wait3A_1211 : memref<2x128xi32, #tpu.memory_space<vmem>>)
    %get3A_1216 = arith.constant 5 : i32
    %get3A_1217 = arith.constant 0 : i32
    %get3A_1218 = arith.index_cast %get3A_1216 : i32 to index
    %get3A_1219 = arith.index_cast %get3A_1217 : i32 to index
    %get3A_1220 = arith.constant 0 : index
    %get3A_1221 = tpu.vector_load %arg5[%get3A_1218, %get3A_1219, %get3A_1220] {strides = array<i32>} : memref<8x2x128xi32, #tpu.memory_space<vmem>>, vector<1x1x16xi32>,
    %get3A_1222 = vector.shape_cast %get3A_1221 : vector<1x1x16xi32> to vector<16xi32>
    %get3A_1223 = arith.constant 5 : i32
    %get3A_1224 = arith.constant 1 : i32
    %get3A_1225 = arith.index_cast %get3A_1223 : i32 to index
    %get3A_1226 = arith.index_cast %get3A_1224 : i32 to index
    %get3A_1227 = arith.constant 0 : index
    %get3A_1228 = tpu.vector_load %arg5[%get3A_1225, %get3A_1226, %get3A_1227] {strides = array<i32>} : memref<8x2x128xi32, #tpu.memory_space<vmem>>, vector<1x1x16xi32>,
    %get3A_1229 = vector.shape_cast %get3A_1228 : vector<1x1x16xi32> to vector<16xi32>
    %mul3A_1230 = arith.constant 1024 : i32
    %mul3A_1231 = vector.broadcast %mul3A_1230 : i32 to vector<16xi32>
    %mul3A_1232 = arith.muli %get3A_1222, %mul3A_1231 : vector<16xi32>
    %add3A_1233 = arith.addi %mul3A_1232, %get3A_1229 : vector<16xi32>
    %swap3A_1234 = arith.constant 640 : index
    %swap3A_1235 = tpu.vector_load %arg6[%swap3A_1234] {strides = array<i32>} : memref<1024xi32, #tpu.memory_space<vmem>>, vector<16xi32>,
    %swap3A_1236 = vector.shape_cast %swap3A_1235 : vector<16xi32> to vector<16xi32>
    %swap3A_1237 = vector.shape_cast %add3A_1233 : vector<16xi32> to vector<16xi32>
    tpu.vector_store %arg6[%swap3A_1234], %swap3A_1237 {strides = array<i32>} : memref<1024xi32, #tpu.memory_space<vmem>>, vector<16xi32>,
    %get3A_1238 = arith.constant 5 : i32
    %get3A_1239 = arith.constant 0 : i32
    %get3A_1240 = arith.index_cast %get3A_1238 : i32 to index
    %get3A_1241 = arith.index_cast %get3A_1239 : i32 to index
    %get3A_1242 = arith.constant 16 : index
    %get3A_1243 = tpu.vector_load %arg5[%get3A_1240, %get3A_1241, %get3A_1242] {strides = array<i32>} : memref<8x2x128xi32, #tpu.memory_space<vmem>>, vector<1x1x16xi32>,
    %get3A_1244 = vector.shape_cast %get3A_1243 : vector<1x1x16xi32> to vector<16xi32>
    %get3A_1245 = arith.constant 5 : i32
    %get3A_1246 = arith.constant 1 : i32
    %get3A_1247 = arith.index_cast %get3A_1245 : i32 to index
    %get3A_1248 = arith.index_cast %get3A_1246 : i32 to index
    %get3A_1249 = arith.constant 16 : index
    %get3A_1250 = tpu.vector_load %arg5[%get3A_1247, %get3A_1248, %get3A_1249] {strides = array<i32>} : memref<8x2x128xi32, #tpu.memory_space<vmem>>, vector<1x1x16xi32>,
    %get3A_1251 = vector.shape_cast %get3A_1250 : vector<1x1x16xi32> to vector<16xi32>
    %mul3A_1252 = arith.constant 1024 : i32
    %mul3A_1253 = vector.broadcast %mul3A_1252 : i32 to vector<16xi32>
    %mul3A_1254 = arith.muli %get3A_1244, %mul3A_1253 : vector<16xi32>
    %add3A_1255 = arith.addi %mul3A_1254, %get3A_1251 : vector<16xi32>
    %swap3A_1256 = arith.constant 656 : index
    %swap3A_1257 = tpu.vector_load %arg6[%swap3A_1256] {strides = array<i32>} : memref<1024xi32, #tpu.memory_space<vmem>>, vector<16xi32>,
    %swap3A_1258 = vector.shape_cast %swap3A_1257 : vector<16xi32> to vector<16xi32>
    %swap3A_1259 = vector.shape_cast %add3A_1255 : vector<16xi32> to vector<16xi32>
    tpu.vector_store %arg6[%swap3A_1256], %swap3A_1259 {strides = array<i32>} : memref<1024xi32, #tpu.memory_space<vmem>>, vector<16xi32>,
    %get3A_1260 = arith.constant 5 : i32
    %get3A_1261 = arith.constant 0 : i32
    %get3A_1262 = arith.index_cast %get3A_1260 : i32 to index
    %get3A_1263 = arith.index_cast %get3A_1261 : i32 to index
    %get3A_1264 = arith.constant 32 : index
    %get3A_1265 = tpu.vector_load %arg5[%get3A_1262, %get3A_1263, %get3A_1264] {strides = array<i32>} : memref<8x2x128xi32, #tpu.memory_space<vmem>>, vector<1x1x16xi32>,
    %get3A_1266 = vector.shape_cast %get3A_1265 : vector<1x1x16xi32> to vector<16xi32>
    %get3A_1267 = arith.constant 5 : i32
    %get3A_1268 = arith.constant 1 : i32
    %get3A_1269 = arith.index_cast %get3A_1267 : i32 to index
    %get3A_1270 = arith.index_cast %get3A_1268 : i32 to index
    %get3A_1271 = arith.constant 32 : index
    %get3A_1272 = tpu.vector_load %arg5[%get3A_1269, %get3A_1270, %get3A_1271] {strides = array<i32>} : memref<8x2x128xi32, #tpu.memory_space<vmem>>, vector<1x1x16xi32>,
    %get3A_1273 = vector.shape_cast %get3A_1272 : vector<1x1x16xi32> to vector<16xi32>
    %mul3A_1274 = arith.constant 1024 : i32
    %mul3A_1275 = vector.broadcast %mul3A_1274 : i32 to vector<16xi32>
    %mul3A_1276 = arith.muli %get3A_1266, %mul3A_1275 : vector<16xi32>
    %add3A_1277 = arith.addi %mul3A_1276, %get3A_1273 : vector<16xi32>
    %swap3A_1278 = arith.constant 672 : index
    %swap3A_1279 = tpu.vector_load %arg6[%swap3A_1278] {strides = array<i32>} : memref<1024xi32, #tpu.memory_space<vmem>>, vector<16xi32>,
    %swap3A_1280 = vector.shape_cast %swap3A_1279 : vector<16xi32> to vector<16xi32>
    %swap3A_1281 = vector.shape_cast %add3A_1277 : vector<16xi32> to vector<16xi32>
    tpu.vector_store %arg6[%swap3A_1278], %swap3A_1281 {strides = array<i32>} : memref<1024xi32, #tpu.memory_space<vmem>>, vector<16xi32>,
    %get3A_1282 = arith.constant 5 : i32
    %get3A_1283 = arith.constant 0 : i32
    %get3A_1284 = arith.index_cast %get3A_1282 : i32 to index
    %get3A_1285 = arith.index_cast %get3A_1283 : i32 to index
    %get3A_1286 = arith.constant 48 : index
    %get3A_1287 = tpu.vector_load %arg5[%get3A_1284, %get3A_1285, %get3A_1286] {strides = array<i32>} : memref<8x2x128xi32, #tpu.memory_space<vmem>>, vector<1x1x16xi32>,
    %get3A_1288 = vector.shape_cast %get3A_1287 : vector<1x1x16xi32> to vector<16xi32>
    %get3A_1289 = arith.constant 5 : i32
    %get3A_1290 = arith.constant 1 : i32
    %get3A_1291 = arith.index_cast %get3A_1289 : i32 to index
    %get3A_1292 = arith.index_cast %get3A_1290 : i32 to index
    %get3A_1293 = arith.constant 48 : index
    %get3A_1294 = tpu.vector_load %arg5[%get3A_1291, %get3A_1292, %get3A_1293] {strides = array<i32>} : memref<8x2x128xi32, #tpu.memory_space<vmem>>, vector<1x1x16xi32>,
    %get3A_1295 = vector.shape_cast %get3A_1294 : vector<1x1x16xi32> to vector<16xi32>
    %mul3A_1296 = arith.constant 1024 : i32
    %mul3A_1297 = vector.broadcast %mul3A_1296 : i32 to vector<16xi32>
    %mul3A_1298 = arith.muli %get3A_1288, %mul3A_1297 : vector<16xi32>
    %add3A_1299 = arith.addi %mul3A_1298, %get3A_1295 : vector<16xi32>
    %swap3A_1300 = arith.constant 688 : index
    %swap3A_1301 = tpu.vector_load %arg6[%swap3A_1300] {strides = array<i32>} : memref<1024xi32, #tpu.memory_space<vmem>>, vector<16xi32>,
    %swap3A_1302 = vector.shape_cast %swap3A_1301 : vector<16xi32> to vector<16xi32>
    %swap3A_1303 = vector.shape_cast %add3A_1299 : vector<16xi32> to vector<16xi32>
    tpu.vector_store %arg6[%swap3A_1300], %swap3A_1303 {strides = array<i32>} : memref<1024xi32, #tpu.memory_space<vmem>>, vector<16xi32>,
    %get3A_1304 = arith.constant 5 : i32
    %get3A_1305 = arith.constant 0 : i32
    %get3A_1306 = arith.index_cast %get3A_1304 : i32 to index
    %get3A_1307 = arith.index_cast %get3A_1305 : i32 to index
    %get3A_1308 = arith.constant 64 : index
    %get3A_1309 = tpu.vector_load %arg5[%get3A_1306, %get3A_1307, %get3A_1308] {strides = array<i32>} : memref<8x2x128xi32, #tpu.memory_space<vmem>>, vector<1x1x16xi32>,
    %get3A_1310 = vector.shape_cast %get3A_1309 : vector<1x1x16xi32> to vector<16xi32>
    %get3A_1311 = arith.constant 5 : i32
    %get3A_1312 = arith.constant 1 : i32
    %get3A_1313 = arith.index_cast %get3A_1311 : i32 to index
    %get3A_1314 = arith.index_cast %get3A_1312 : i32 to index
    %get3A_1315 = arith.constant 64 : index
    %get3A_1316 = tpu.vector_load %arg5[%get3A_1313, %get3A_1314, %get3A_1315] {strides = array<i32>} : memref<8x2x128xi32, #tpu.memory_space<vmem>>, vector<1x1x16xi32>,
    %get3A_1317 = vector.shape_cast %get3A_1316 : vector<1x1x16xi32> to vector<16xi32>
    %mul3A_1318 = arith.constant 1024 : i32
    %mul3A_1319 = vector.broadcast %mul3A_1318 : i32 to vector<16xi32>
    %mul3A_1320 = arith.muli %get3A_1310, %mul3A_1319 : vector<16xi32>
    %add3A_1321 = arith.addi %mul3A_1320, %get3A_1317 : vector<16xi32>
    %swap3A_1322 = arith.constant 704 : index
    %swap3A_1323 = tpu.vector_load %arg6[%swap3A_1322] {strides = array<i32>} : memref<1024xi32, #tpu.memory_space<vmem>>, vector<16xi32>,
    %swap3A_1324 = vector.shape_cast %swap3A_1323 : vector<16xi32> to vector<16xi32>
    %swap3A_1325 = vector.shape_cast %add3A_1321 : vector<16xi32> to vector<16xi32>
    tpu.vector_store %arg6[%swap3A_1322], %swap3A_1325 {strides = array<i32>} : memref<1024xi32, #tpu.memory_space<vmem>>, vector<16xi32>,
    %get3A_1326 = arith.constant 5 : i32
    %get3A_1327 = arith.constant 0 : i32
    %get3A_1328 = arith.index_cast %get3A_1326 : i32 to index
    %get3A_1329 = arith.index_cast %get3A_1327 : i32 to index
    %get3A_1330 = arith.constant 80 : index
    %get3A_1331 = tpu.vector_load %arg5[%get3A_1328, %get3A_1329, %get3A_1330] {strides = array<i32>} : memref<8x2x128xi32, #tpu.memory_space<vmem>>, vector<1x1x16xi32>,
    %get3A_1332 = vector.shape_cast %get3A_1331 : vector<1x1x16xi32> to vector<16xi32>
    %get3A_1333 = arith.constant 5 : i32
    %get3A_1334 = arith.constant 1 : i32
    %get3A_1335 = arith.index_cast %get3A_1333 : i32 to index
    %get3A_1336 = arith.index_cast %get3A_1334 : i32 to index
    %get3A_1337 = arith.constant 80 : index
    %get3A_1338 = tpu.vector_load %arg5[%get3A_1335, %get3A_1336, %get3A_1337] {strides = array<i32>} : memref<8x2x128xi32, #tpu.memory_space<vmem>>, vector<1x1x16xi32>,
    %get3A_1339 = vector.shape_cast %get3A_1338 : vector<1x1x16xi32> to vector<16xi32>
    %mul3A_1340 = arith.constant 1024 : i32
    %mul3A_1341 = vector.broadcast %mul3A_1340 : i32 to vector<16xi32>
    %mul3A_1342 = arith.muli %get3A_1332, %mul3A_1341 : vector<16xi32>
    %add3A_1343 = arith.addi %mul3A_1342, %get3A_1339 : vector<16xi32>
    %swap3A_1344 = arith.constant 720 : index
    %swap3A_1345 = tpu.vector_load %arg6[%swap3A_1344] {strides = array<i32>} : memref<1024xi32, #tpu.memory_space<vmem>>, vector<16xi32>,
    %swap3A_1346 = vector.shape_cast %swap3A_1345 : vector<16xi32> to vector<16xi32>
    %swap3A_1347 = vector.shape_cast %add3A_1343 : vector<16xi32> to vector<16xi32>
    tpu.vector_store %arg6[%swap3A_1344], %swap3A_1347 {strides = array<i32>} : memref<1024xi32, #tpu.memory_space<vmem>>, vector<16xi32>,
    %get3A_1348 = arith.constant 5 : i32
    %get3A_1349 = arith.constant 0 : i32
    %get3A_1350 = arith.index_cast %get3A_1348 : i32 to index
    %get3A_1351 = arith.index_cast %get3A_1349 : i32 to index
    %get3A_1352 = arith.constant 96 : index
    %get3A_1353 = tpu.vector_load %arg5[%get3A_1350, %get3A_1351, %get3A_1352] {strides = array<i32>} : memref<8x2x128xi32, #tpu.memory_space<vmem>>, vector<1x1x16xi32>,
    %get3A_1354 = vector.shape_cast %get3A_1353 : vector<1x1x16xi32> to vector<16xi32>
    %get3A_1355 = arith.constant 5 : i32
    %get3A_1356 = arith.constant 1 : i32
    %get3A_1357 = arith.index_cast %get3A_1355 : i32 to index
    %get3A_1358 = arith.index_cast %get3A_1356 : i32 to index
    %get3A_1359 = arith.constant 96 : index
    %get3A_1360 = tpu.vector_load %arg5[%get3A_1357, %get3A_1358, %get3A_1359] {strides = array<i32>} : memref<8x2x128xi32, #tpu.memory_space<vmem>>, vector<1x1x16xi32>,
    %get3A_1361 = vector.shape_cast %get3A_1360 : vector<1x1x16xi32> to vector<16xi32>
    %mul3A_1362 = arith.constant 1024 : i32
    %mul3A_1363 = vector.broadcast %mul3A_1362 : i32 to vector<16xi32>
    %mul3A_1364 = arith.muli %get3A_1354, %mul3A_1363 : vector<16xi32>
    %add3A_1365 = arith.addi %mul3A_1364, %get3A_1361 : vector<16xi32>
    %swap3A_1366 = arith.constant 736 : index
    %swap3A_1367 = tpu.vector_load %arg6[%swap3A_1366] {strides = array<i32>} : memref<1024xi32, #tpu.memory_space<vmem>>, vector<16xi32>,
    %swap3A_1368 = vector.shape_cast %swap3A_1367 : vector<16xi32> to vector<16xi32>
    %swap3A_1369 = vector.shape_cast %add3A_1365 : vector<16xi32> to vector<16xi32>
    tpu.vector_store %arg6[%swap3A_1366], %swap3A_1369 {strides = array<i32>} : memref<1024xi32, #tpu.memory_space<vmem>>, vector<16xi32>,
    %get3A_1370 = arith.constant 5 : i32
    %get3A_1371 = arith.constant 0 : i32
    %get3A_1372 = arith.index_cast %get3A_1370 : i32 to index
    %get3A_1373 = arith.index_cast %get3A_1371 : i32 to index
    %get3A_1374 = arith.constant 112 : index
    %get3A_1375 = tpu.vector_load %arg5[%get3A_1372, %get3A_1373, %get3A_1374] {strides = array<i32>} : memref<8x2x128xi32, #tpu.memory_space<vmem>>, vector<1x1x16xi32>,
    %get3A_1376 = vector.shape_cast %get3A_1375 : vector<1x1x16xi32> to vector<16xi32>
    %get3A_1377 = arith.constant 5 : i32
    %get3A_1378 = arith.constant 1 : i32
    %get3A_1379 = arith.index_cast %get3A_1377 : i32 to index
    %get3A_1380 = arith.index_cast %get3A_1378 : i32 to index
    %get3A_1381 = arith.constant 112 : index
    %get3A_1382 = tpu.vector_load %arg5[%get3A_1379, %get3A_1380, %get3A_1381] {strides = array<i32>} : memref<8x2x128xi32, #tpu.memory_space<vmem>>, vector<1x1x16xi32>,
    %get3A_1383 = vector.shape_cast %get3A_1382 : vector<1x1x16xi32> to vector<16xi32>
    %mul3A_1384 = arith.constant 1024 : i32
    %mul3A_1385 = vector.broadcast %mul3A_1384 : i32 to vector<16xi32>
    %mul3A_1386 = arith.muli %get3A_1376, %mul3A_1385 : vector<16xi32>
    %add3A_1387 = arith.addi %mul3A_1386, %get3A_1383 : vector<16xi32>
    %swap3A_1388 = arith.constant 752 : index
    %swap3A_1389 = tpu.vector_load %arg6[%swap3A_1388] {strides = array<i32>} : memref<1024xi32, #tpu.memory_space<vmem>>, vector<16xi32>,
    %swap3A_1390 = vector.shape_cast %swap3A_1389 : vector<16xi32> to vector<16xi32>
    %swap3A_1391 = vector.shape_cast %add3A_1387 : vector<16xi32> to vector<16xi32>
    tpu.vector_store %arg6[%swap3A_1388], %swap3A_1391 {strides = array<i32>} : memref<1024xi32, #tpu.memory_space<vmem>>, vector<16xi32>,
    %dma_start3A_1392 = arith.constant 5 : i32
    %dma_start3A_1393 = arith.constant 640 : i32
    %dma_start3A_1394 = tpu.memref_slice %arg7[%dma_start3A_1393] : memref<1024xf32, #tpu.memory_space<vmem>> -> memref<128xf32, #tpu.memory_space<vmem>>
    %dma_start3A_1395 = arith.constant 640 : i32
    %dma_start3A_1396 = tpu.memref_slice %arg6[%dma_start3A_1395] : memref<1024xi32, #tpu.memory_space<vmem>> -> memref<128xi32, #tpu.memory_space<vmem>>
    %dma_start3A_1397 = arith.constant 0 : i32
    %dma_start3A_1398 = tpu.memref_slice %arg3[%dma_start3A_1397] : memref<1024000xf32, #tpu.memory_space<hbm>> -> memref<1024000xf32, #tpu.memory_space<hbm>>
    %dma_start3A_1399 = tpu.memref_slice %arg9[%dma_start3A_1392] : memref<8x!tpu.dma_semaphore, #tpu.memory_space<semaphore_mem>> -> memref<1x!tpu.dma_semaphore, #tpu.memory_space<semaphore_mem>>
    %dma_start3A_1400 = tpu.memref_squeeze %dma_start3A_1399 : memref<1x!tpu.dma_semaphore, #tpu.memory_space<semaphore_mem>> -> memref<!tpu.dma_semaphore, #tpu.memory_space<semaphore_mem>>
    tpu.enqueue_indirect_dma source(%dma_start3A_1398 : memref<1024000xf32, #tpu.memory_space<hbm>>) target(%dma_start3A_1394 : memref<128xf32, #tpu.memory_space<vmem>>) offsets(%dma_start3A_1396 : memref<128xi32, #tpu.memory_space<vmem>>) semaphore(%dma_start3A_1400 : memref<!tpu.dma_semaphore, #tpu.memory_space<semaphore_mem>>)
    %dma_wait3A_1401 = arith.constant 6 : i32
    %dma_wait3A_1402 = arith.constant 6 : i32
    %dma_wait3A_1403 = arith.constant 6 : i32
    %dma_wait3A_1404 = arith.constant 0 : i32
    %dma_wait3A_1405 = arith.constant 0 : i32
    %dma_wait3A_1406 = tpu.memref_slice %arg5[%dma_wait3A_1402, %dma_wait3A_1404, %dma_wait3A_1405] : memref<8x2x128xi32, #tpu.memory_space<vmem>> -> memref<1x2x128xi32, #tpu.memory_space<vmem>>
    %dma_wait3A_1407 = tpu.memref_squeeze %dma_wait3A_1406 : memref<1x2x128xi32, #tpu.memory_space<vmem>> -> memref<2x128xi32, #tpu.memory_space<vmem>>
    %dma_wait3A_1408 = arith.constant 0 : i32
    %dma_wait3A_1409 = arith.constant 0 : i32
    %dma_wait3A_1410 = tpu.memref_slice %arg2[%add3A, %dma_wait3A_1401, %dma_wait3A_1408, %dma_wait3A_1409] : memref<16x8x2x128xi32, #tpu.memory_space<hbm>> -> memref<1x1x2x128xi32, #tpu.memory_space<hbm>>
    %dma_wait3A_1411 = tpu.memref_squeeze %dma_wait3A_1410 : memref<1x1x2x128xi32, #tpu.memory_space<hbm>> -> memref<2x128xi32, #tpu.memory_space<hbm>>
    %dma_wait3A_1412 = tpu.memref_slice %arg8[%dma_wait3A_1403] : memref<8x!tpu.dma_semaphore, #tpu.memory_space<semaphore_mem>> -> memref<1x!tpu.dma_semaphore, #tpu.memory_space<semaphore_mem>>
    %dma_wait3A_1413 = tpu.memref_squeeze %dma_wait3A_1412 : memref<1x!tpu.dma_semaphore, #tpu.memory_space<semaphore_mem>> -> memref<!tpu.dma_semaphore, #tpu.memory_space<semaphore_mem>>
    %dma_wait3A_1414 = arith.constant 0 : i32
    %dma_wait3A_1415 = arith.constant 0 : i32
    %dma_wait3A_1416 = tpu.memref_slice %arg5[%dma_wait3A_1402, %dma_wait3A_1414, %dma_wait3A_1415] : memref<8x2x128xi32, #tpu.memory_space<vmem>> -> memref<1x2x128xi32, #tpu.memory_space<vmem>>
    %dma_wait3A_1417 = tpu.memref_squeeze %dma_wait3A_1416 : memref<1x2x128xi32, #tpu.memory_space<vmem>> -> memref<2x128xi32, #tpu.memory_space<vmem>>
    %dma_wait3A_1418 = arith.constant 0 : i32
    %dma_wait3A_1419 = arith.constant 0 : i32
    %dma_wait3A_1420 = tpu.memref_slice %arg2[%add3A, %dma_wait3A_1401, %dma_wait3A_1418, %dma_wait3A_1419] : memref<16x8x2x128xi32, #tpu.memory_space<hbm>> -> memref<1x1x2x128xi32, #tpu.memory_space<hbm>>
    %dma_wait3A_1421 = tpu.memref_squeeze %dma_wait3A_1420 : memref<1x1x2x128xi32, #tpu.memory_space<hbm>> -> memref<2x128xi32, #tpu.memory_space<hbm>>
    tpu.wait_dma2 semaphore(%dma_wait3A_1413 : memref<!tpu.dma_semaphore, #tpu.memory_space<semaphore_mem>>) src(%dma_wait3A_1421 : memref<2x128xi32, #tpu.memory_space<hbm>>) dst(%dma_wait3A_1417 : memref<2x128xi32, #tpu.memory_space<vmem>>)
    %get3A_1422 = arith.constant 6 : i32
    %get3A_1423 = arith.constant 0 : i32
    %get3A_1424 = arith.index_cast %get3A_1422 : i32 to index
    %get3A_1425 = arith.index_cast %get3A_1423 : i32 to index
    %get3A_1426 = arith.constant 0 : index
    %get3A_1427 = tpu.vector_load %arg5[%get3A_1424, %get3A_1425, %get3A_1426] {strides = array<i32>} : memref<8x2x128xi32, #tpu.memory_space<vmem>>, vector<1x1x16xi32>,
    %get3A_1428 = vector.shape_cast %get3A_1427 : vector<1x1x16xi32> to vector<16xi32>
    %get3A_1429 = arith.constant 6 : i32
    %get3A_1430 = arith.constant 1 : i32
    %get3A_1431 = arith.index_cast %get3A_1429 : i32 to index
    %get3A_1432 = arith.index_cast %get3A_1430 : i32 to index
    %get3A_1433 = arith.constant 0 : index
    %get3A_1434 = tpu.vector_load %arg5[%get3A_1431, %get3A_1432, %get3A_1433] {strides = array<i32>} : memref<8x2x128xi32, #tpu.memory_space<vmem>>, vector<1x1x16xi32>,
    %get3A_1435 = vector.shape_cast %get3A_1434 : vector<1x1x16xi32> to vector<16xi32>
    %mul3A_1436 = arith.constant 1024 : i32
    %mul3A_1437 = vector.broadcast %mul3A_1436 : i32 to vector<16xi32>
    %mul3A_1438 = arith.muli %get3A_1428, %mul3A_1437 : vector<16xi32>
    %add3A_1439 = arith.addi %mul3A_1438, %get3A_1435 : vector<16xi32>
    %swap3A_1440 = arith.constant 768 : index
    %swap3A_1441 = tpu.vector_load %arg6[%swap3A_1440] {strides = array<i32>} : memref<1024xi32, #tpu.memory_space<vmem>>, vector<16xi32>,
    %swap3A_1442 = vector.shape_cast %swap3A_1441 : vector<16xi32> to vector<16xi32>
    %swap3A_1443 = vector.shape_cast %add3A_1439 : vector<16xi32> to vector<16xi32>
    tpu.vector_store %arg6[%swap3A_1440], %swap3A_1443 {strides = array<i32>} : memref<1024xi32, #tpu.memory_space<vmem>>, vector<16xi32>,
    %get3A_1444 = arith.constant 6 : i32
    %get3A_1445 = arith.constant 0 : i32
    %get3A_1446 = arith.index_cast %get3A_1444 : i32 to index
    %get3A_1447 = arith.index_cast %get3A_1445 : i32 to index
    %get3A_1448 = arith.constant 16 : index
    %get3A_1449 = tpu.vector_load %arg5[%get3A_1446, %get3A_1447, %get3A_1448] {strides = array<i32>} : memref<8x2x128xi32, #tpu.memory_space<vmem>>, vector<1x1x16xi32>,
    %get3A_1450 = vector.shape_cast %get3A_1449 : vector<1x1x16xi32> to vector<16xi32>
    %get3A_1451 = arith.constant 6 : i32
    %get3A_1452 = arith.constant 1 : i32
    %get3A_1453 = arith.index_cast %get3A_1451 : i32 to index
    %get3A_1454 = arith.index_cast %get3A_1452 : i32 to index
    %get3A_1455 = arith.constant 16 : index
    %get3A_1456 = tpu.vector_load %arg5[%get3A_1453, %get3A_1454, %get3A_1455] {strides = array<i32>} : memref<8x2x128xi32, #tpu.memory_space<vmem>>, vector<1x1x16xi32>,
    %get3A_1457 = vector.shape_cast %get3A_1456 : vector<1x1x16xi32> to vector<16xi32>
    %mul3A_1458 = arith.constant 1024 : i32
    %mul3A_1459 = vector.broadcast %mul3A_1458 : i32 to vector<16xi32>
    %mul3A_1460 = arith.muli %get3A_1450, %mul3A_1459 : vector<16xi32>
    %add3A_1461 = arith.addi %mul3A_1460, %get3A_1457 : vector<16xi32>
    %swap3A_1462 = arith.constant 784 : index
    %swap3A_1463 = tpu.vector_load %arg6[%swap3A_1462] {strides = array<i32>} : memref<1024xi32, #tpu.memory_space<vmem>>, vector<16xi32>,
    %swap3A_1464 = vector.shape_cast %swap3A_1463 : vector<16xi32> to vector<16xi32>
    %swap3A_1465 = vector.shape_cast %add3A_1461 : vector<16xi32> to vector<16xi32>
    tpu.vector_store %arg6[%swap3A_1462], %swap3A_1465 {strides = array<i32>} : memref<1024xi32, #tpu.memory_space<vmem>>, vector<16xi32>,
    %get3A_1466 = arith.constant 6 : i32
    %get3A_1467 = arith.constant 0 : i32
    %get3A_1468 = arith.index_cast %get3A_1466 : i32 to index
    %get3A_1469 = arith.index_cast %get3A_1467 : i32 to index
    %get3A_1470 = arith.constant 32 : index
    %get3A_1471 = tpu.vector_load %arg5[%get3A_1468, %get3A_1469, %get3A_1470] {strides = array<i32>} : memref<8x2x128xi32, #tpu.memory_space<vmem>>, vector<1x1x16xi32>,
    %get3A_1472 = vector.shape_cast %get3A_1471 : vector<1x1x16xi32> to vector<16xi32>
    %get3A_1473 = arith.constant 6 : i32
    %get3A_1474 = arith.constant 1 : i32
    %get3A_1475 = arith.index_cast %get3A_1473 : i32 to index
    %get3A_1476 = arith.index_cast %get3A_1474 : i32 to index
    %get3A_1477 = arith.constant 32 : index
    %get3A_1478 = tpu.vector_load %arg5[%get3A_1475, %get3A_1476, %get3A_1477] {strides = array<i32>} : memref<8x2x128xi32, #tpu.memory_space<vmem>>, vector<1x1x16xi32>,
    %get3A_1479 = vector.shape_cast %get3A_1478 : vector<1x1x16xi32> to vector<16xi32>
    %mul3A_1480 = arith.constant 1024 : i32
    %mul3A_1481 = vector.broadcast %mul3A_1480 : i32 to vector<16xi32>
    %mul3A_1482 = arith.muli %get3A_1472, %mul3A_1481 : vector<16xi32>
    %add3A_1483 = arith.addi %mul3A_1482, %get3A_1479 : vector<16xi32>
    %swap3A_1484 = arith.constant 800 : index
    %swap3A_1485 = tpu.vector_load %arg6[%swap3A_1484] {strides = array<i32>} : memref<1024xi32, #tpu.memory_space<vmem>>, vector<16xi32>,
    %swap3A_1486 = vector.shape_cast %swap3A_1485 : vector<16xi32> to vector<16xi32>
    %swap3A_1487 = vector.shape_cast %add3A_1483 : vector<16xi32> to vector<16xi32>
    tpu.vector_store %arg6[%swap3A_1484], %swap3A_1487 {strides = array<i32>} : memref<1024xi32, #tpu.memory_space<vmem>>, vector<16xi32>,
    %get3A_1488 = arith.constant 6 : i32
    %get3A_1489 = arith.constant 0 : i32
    %get3A_1490 = arith.index_cast %get3A_1488 : i32 to index
    %get3A_1491 = arith.index_cast %get3A_1489 : i32 to index
    %get3A_1492 = arith.constant 48 : index
    %get3A_1493 = tpu.vector_load %arg5[%get3A_1490, %get3A_1491, %get3A_1492] {strides = array<i32>} : memref<8x2x128xi32, #tpu.memory_space<vmem>>, vector<1x1x16xi32>,
    %get3A_1494 = vector.shape_cast %get3A_1493 : vector<1x1x16xi32> to vector<16xi32>
    %get3A_1495 = arith.constant 6 : i32
    %get3A_1496 = arith.constant 1 : i32
    %get3A_1497 = arith.index_cast %get3A_1495 : i32 to index
    %get3A_1498 = arith.index_cast %get3A_1496 : i32 to index
    %get3A_1499 = arith.constant 48 : index
    %get3A_1500 = tpu.vector_load %arg5[%get3A_1497, %get3A_1498, %get3A_1499] {strides = array<i32>} : memref<8x2x128xi32, #tpu.memory_space<vmem>>, vector<1x1x16xi32>,
    %get3A_1501 = vector.shape_cast %get3A_1500 : vector<1x1x16xi32> to vector<16xi32>
    %mul3A_1502 = arith.constant 1024 : i32
    %mul3A_1503 = vector.broadcast %mul3A_1502 : i32 to vector<16xi32>
    %mul3A_1504 = arith.muli %get3A_1494, %mul3A_1503 : vector<16xi32>
    %add3A_1505 = arith.addi %mul3A_1504, %get3A_1501 : vector<16xi32>
    %swap3A_1506 = arith.constant 816 : index
    %swap3A_1507 = tpu.vector_load %arg6[%swap3A_1506] {strides = array<i32>} : memref<1024xi32, #tpu.memory_space<vmem>>, vector<16xi32>,
    %swap3A_1508 = vector.shape_cast %swap3A_1507 : vector<16xi32> to vector<16xi32>
    %swap3A_1509 = vector.shape_cast %add3A_1505 : vector<16xi32> to vector<16xi32>
    tpu.vector_store %arg6[%swap3A_1506], %swap3A_1509 {strides = array<i32>} : memref<1024xi32, #tpu.memory_space<vmem>>, vector<16xi32>,
    %get3A_1510 = arith.constant 6 : i32
    %get3A_1511 = arith.constant 0 : i32
    %get3A_1512 = arith.index_cast %get3A_1510 : i32 to index
    %get3A_1513 = arith.index_cast %get3A_1511 : i32 to index
    %get3A_1514 = arith.constant 64 : index
    %get3A_1515 = tpu.vector_load %arg5[%get3A_1512, %get3A_1513, %get3A_1514] {strides = array<i32>} : memref<8x2x128xi32, #tpu.memory_space<vmem>>, vector<1x1x16xi32>,
    %get3A_1516 = vector.shape_cast %get3A_1515 : vector<1x1x16xi32> to vector<16xi32>
    %get3A_1517 = arith.constant 6 : i32
    %get3A_1518 = arith.constant 1 : i32
    %get3A_1519 = arith.index_cast %get3A_1517 : i32 to index
    %get3A_1520 = arith.index_cast %get3A_1518 : i32 to index
    %get3A_1521 = arith.constant 64 : index
    %get3A_1522 = tpu.vector_load %arg5[%get3A_1519, %get3A_1520, %get3A_1521] {strides = array<i32>} : memref<8x2x128xi32, #tpu.memory_space<vmem>>, vector<1x1x16xi32>,
    %get3A_1523 = vector.shape_cast %get3A_1522 : vector<1x1x16xi32> to vector<16xi32>
    %mul3A_1524 = arith.constant 1024 : i32
    %mul3A_1525 = vector.broadcast %mul3A_1524 : i32 to vector<16xi32>
    %mul3A_1526 = arith.muli %get3A_1516, %mul3A_1525 : vector<16xi32>
    %add3A_1527 = arith.addi %mul3A_1526, %get3A_1523 : vector<16xi32>
    %swap3A_1528 = arith.constant 832 : index
    %swap3A_1529 = tpu.vector_load %arg6[%swap3A_1528] {strides = array<i32>} : memref<1024xi32, #tpu.memory_space<vmem>>, vector<16xi32>,
    %swap3A_1530 = vector.shape_cast %swap3A_1529 : vector<16xi32> to vector<16xi32>
    %swap3A_1531 = vector.shape_cast %add3A_1527 : vector<16xi32> to vector<16xi32>
    tpu.vector_store %arg6[%swap3A_1528], %swap3A_1531 {strides = array<i32>} : memref<1024xi32, #tpu.memory_space<vmem>>, vector<16xi32>,
    %get3A_1532 = arith.constant 6 : i32
    %get3A_1533 = arith.constant 0 : i32
    %get3A_1534 = arith.index_cast %get3A_1532 : i32 to index
    %get3A_1535 = arith.index_cast %get3A_1533 : i32 to index
    %get3A_1536 = arith.constant 80 : index
    %get3A_1537 = tpu.vector_load %arg5[%get3A_1534, %get3A_1535, %get3A_1536] {strides = array<i32>} : memref<8x2x128xi32, #tpu.memory_space<vmem>>, vector<1x1x16xi32>,
    %get3A_1538 = vector.shape_cast %get3A_1537 : vector<1x1x16xi32> to vector<16xi32>
    %get3A_1539 = arith.constant 6 : i32
    %get3A_1540 = arith.constant 1 : i32
    %get3A_1541 = arith.index_cast %get3A_1539 : i32 to index
    %get3A_1542 = arith.index_cast %get3A_1540 : i32 to index
    %get3A_1543 = arith.constant 80 : index
    %get3A_1544 = tpu.vector_load %arg5[%get3A_1541, %get3A_1542, %get3A_1543] {strides = array<i32>} : memref<8x2x128xi32, #tpu.memory_space<vmem>>, vector<1x1x16xi32>,
    %get3A_1545 = vector.shape_cast %get3A_1544 : vector<1x1x16xi32> to vector<16xi32>
    %mul3A_1546 = arith.constant 1024 : i32
    %mul3A_1547 = vector.broadcast %mul3A_1546 : i32 to vector<16xi32>
    %mul3A_1548 = arith.muli %get3A_1538, %mul3A_1547 : vector<16xi32>
    %add3A_1549 = arith.addi %mul3A_1548, %get3A_1545 : vector<16xi32>
    %swap3A_1550 = arith.constant 848 : index
    %swap3A_1551 = tpu.vector_load %arg6[%swap3A_1550] {strides = array<i32>} : memref<1024xi32, #tpu.memory_space<vmem>>, vector<16xi32>,
    %swap3A_1552 = vector.shape_cast %swap3A_1551 : vector<16xi32> to vector<16xi32>
    %swap3A_1553 = vector.shape_cast %add3A_1549 : vector<16xi32> to vector<16xi32>
    tpu.vector_store %arg6[%swap3A_1550], %swap3A_1553 {strides = array<i32>} : memref<1024xi32, #tpu.memory_space<vmem>>, vector<16xi32>,
    %get3A_1554 = arith.constant 6 : i32
    %get3A_1555 = arith.constant 0 : i32
    %get3A_1556 = arith.index_cast %get3A_1554 : i32 to index
    %get3A_1557 = arith.index_cast %get3A_1555 : i32 to index
    %get3A_1558 = arith.constant 96 : index
    %get3A_1559 = tpu.vector_load %arg5[%get3A_1556, %get3A_1557, %get3A_1558] {strides = array<i32>} : memref<8x2x128xi32, #tpu.memory_space<vmem>>, vector<1x1x16xi32>,
    %get3A_1560 = vector.shape_cast %get3A_1559 : vector<1x1x16xi32> to vector<16xi32>
    %get3A_1561 = arith.constant 6 : i32
    %get3A_1562 = arith.constant 1 : i32
    %get3A_1563 = arith.index_cast %get3A_1561 : i32 to index
    %get3A_1564 = arith.index_cast %get3A_1562 : i32 to index
    %get3A_1565 = arith.constant 96 : index
    %get3A_1566 = tpu.vector_load %arg5[%get3A_1563, %get3A_1564, %get3A_1565] {strides = array<i32>} : memref<8x2x128xi32, #tpu.memory_space<vmem>>, vector<1x1x16xi32>,
    %get3A_1567 = vector.shape_cast %get3A_1566 : vector<1x1x16xi32> to vector<16xi32>
    %mul3A_1568 = arith.constant 1024 : i32
    %mul3A_1569 = vector.broadcast %mul3A_1568 : i32 to vector<16xi32>
    %mul3A_1570 = arith.muli %get3A_1560, %mul3A_1569 : vector<16xi32>
    %add3A_1571 = arith.addi %mul3A_1570, %get3A_1567 : vector<16xi32>
    %swap3A_1572 = arith.constant 864 : index
    %swap3A_1573 = tpu.vector_load %arg6[%swap3A_1572] {strides = array<i32>} : memref<1024xi32, #tpu.memory_space<vmem>>, vector<16xi32>,
    %swap3A_1574 = vector.shape_cast %swap3A_1573 : vector<16xi32> to vector<16xi32>
    %swap3A_1575 = vector.shape_cast %add3A_1571 : vector<16xi32> to vector<16xi32>
    tpu.vector_store %arg6[%swap3A_1572], %swap3A_1575 {strides = array<i32>} : memref<1024xi32, #tpu.memory_space<vmem>>, vector<16xi32>,
    %get3A_1576 = arith.constant 6 : i32
    %get3A_1577 = arith.constant 0 : i32
    %get3A_1578 = arith.index_cast %get3A_1576 : i32 to index
    %get3A_1579 = arith.index_cast %get3A_1577 : i32 to index
    %get3A_1580 = arith.constant 112 : index
    %get3A_1581 = tpu.vector_load %arg5[%get3A_1578, %get3A_1579, %get3A_1580] {strides = array<i32>} : memref<8x2x128xi32, #tpu.memory_space<vmem>>, vector<1x1x16xi32>,
    %get3A_1582 = vector.shape_cast %get3A_1581 : vector<1x1x16xi32> to vector<16xi32>
    %get3A_1583 = arith.constant 6 : i32
    %get3A_1584 = arith.constant 1 : i32
    %get3A_1585 = arith.index_cast %get3A_1583 : i32 to index
    %get3A_1586 = arith.index_cast %get3A_1584 : i32 to index
    %get3A_1587 = arith.constant 112 : index
    %get3A_1588 = tpu.vector_load %arg5[%get3A_1585, %get3A_1586, %get3A_1587] {strides = array<i32>} : memref<8x2x128xi32, #tpu.memory_space<vmem>>, vector<1x1x16xi32>,
    %get3A_1589 = vector.shape_cast %get3A_1588 : vector<1x1x16xi32> to vector<16xi32>
    %mul3A_1590 = arith.constant 1024 : i32
    %mul3A_1591 = vector.broadcast %mul3A_1590 : i32 to vector<16xi32>
    %mul3A_1592 = arith.muli %get3A_1582, %mul3A_1591 : vector<16xi32>
    %add3A_1593 = arith.addi %mul3A_1592, %get3A_1589 : vector<16xi32>
    %swap3A_1594 = arith.constant 880 : index
    %swap3A_1595 = tpu.vector_load %arg6[%swap3A_1594] {strides = array<i32>} : memref<1024xi32, #tpu.memory_space<vmem>>, vector<16xi32>,
    %swap3A_1596 = vector.shape_cast %swap3A_1595 : vector<16xi32> to vector<16xi32>
    %swap3A_1597 = vector.shape_cast %add3A_1593 : vector<16xi32> to vector<16xi32>
    tpu.vector_store %arg6[%swap3A_1594], %swap3A_1597 {strides = array<i32>} : memref<1024xi32, #tpu.memory_space<vmem>>, vector<16xi32>,
    %dma_start3A_1598 = arith.constant 6 : i32
    %dma_start3A_1599 = arith.constant 768 : i32
    %dma_start3A_1600 = tpu.memref_slice %arg7[%dma_start3A_1599] : memref<1024xf32, #tpu.memory_space<vmem>> -> memref<128xf32, #tpu.memory_space<vmem>>
    %dma_start3A_1601 = arith.constant 768 : i32
    %dma_start3A_1602 = tpu.memref_slice %arg6[%dma_start3A_1601] : memref<1024xi32, #tpu.memory_space<vmem>> -> memref<128xi32, #tpu.memory_space<vmem>>
    %dma_start3A_1603 = arith.constant 0 : i32
    %dma_start3A_1604 = tpu.memref_slice %arg3[%dma_start3A_1603] : memref<1024000xf32, #tpu.memory_space<hbm>> -> memref<1024000xf32, #tpu.memory_space<hbm>>
    %dma_start3A_1605 = tpu.memref_slice %arg9[%dma_start3A_1598] : memref<8x!tpu.dma_semaphore, #tpu.memory_space<semaphore_mem>> -> memref<1x!tpu.dma_semaphore, #tpu.memory_space<semaphore_mem>>
    %dma_start3A_1606 = tpu.memref_squeeze %dma_start3A_1605 : memref<1x!tpu.dma_semaphore, #tpu.memory_space<semaphore_mem>> -> memref<!tpu.dma_semaphore, #tpu.memory_space<semaphore_mem>>
    tpu.enqueue_indirect_dma source(%dma_start3A_1604 : memref<1024000xf32, #tpu.memory_space<hbm>>) target(%dma_start3A_1600 : memref<128xf32, #tpu.memory_space<vmem>>) offsets(%dma_start3A_1602 : memref<128xi32, #tpu.memory_space<vmem>>) semaphore(%dma_start3A_1606 : memref<!tpu.dma_semaphore, #tpu.memory_space<semaphore_mem>>)
    %dma_wait3A_1607 = arith.constant 7 : i32
    %dma_wait3A_1608 = arith.constant 7 : i32
    %dma_wait3A_1609 = arith.constant 7 : i32
    %dma_wait3A_1610 = arith.constant 0 : i32
    %dma_wait3A_1611 = arith.constant 0 : i32
    %dma_wait3A_1612 = tpu.memref_slice %arg5[%dma_wait3A_1608, %dma_wait3A_1610, %dma_wait3A_1611] : memref<8x2x128xi32, #tpu.memory_space<vmem>> -> memref<1x2x128xi32, #tpu.memory_space<vmem>>
    %dma_wait3A_1613 = tpu.memref_squeeze %dma_wait3A_1612 : memref<1x2x128xi32, #tpu.memory_space<vmem>> -> memref<2x128xi32, #tpu.memory_space<vmem>>
    %dma_wait3A_1614 = arith.constant 0 : i32
    %dma_wait3A_1615 = arith.constant 0 : i32
    %dma_wait3A_1616 = tpu.memref_slice %arg2[%add3A, %dma_wait3A_1607, %dma_wait3A_1614, %dma_wait3A_1615] : memref<16x8x2x128xi32, #tpu.memory_space<hbm>> -> memref<1x1x2x128xi32, #tpu.memory_space<hbm>>
    %dma_wait3A_1617 = tpu.memref_squeeze %dma_wait3A_1616 : memref<1x1x2x128xi32, #tpu.memory_space<hbm>> -> memref<2x128xi32, #tpu.memory_space<hbm>>
    %dma_wait3A_1618 = tpu.memref_slice %arg8[%dma_wait3A_1609] : memref<8x!tpu.dma_semaphore, #tpu.memory_space<semaphore_mem>> -> memref<1x!tpu.dma_semaphore, #tpu.memory_space<semaphore_mem>>
    %dma_wait3A_1619 = tpu.memref_squeeze %dma_wait3A_1618 : memref<1x!tpu.dma_semaphore, #tpu.memory_space<semaphore_mem>> -> memref<!tpu.dma_semaphore, #tpu.memory_space<semaphore_mem>>
    %dma_wait3A_1620 = arith.constant 0 : i32
    %dma_wait3A_1621 = arith.constant 0 : i32
    %dma_wait3A_1622 = tpu.memref_slice %arg5[%dma_wait3A_1608, %dma_wait3A_1620, %dma_wait3A_1621] : memref<8x2x128xi32, #tpu.memory_space<vmem>> -> memref<1x2x128xi32, #tpu.memory_space<vmem>>
    %dma_wait3A_1623 = tpu.memref_squeeze %dma_wait3A_1622 : memref<1x2x128xi32, #tpu.memory_space<vmem>> -> memref<2x128xi32, #tpu.memory_space<vmem>>
    %dma_wait3A_1624 = arith.constant 0 : i32
    %dma_wait3A_1625 = arith.constant 0 : i32
    %dma_wait3A_1626 = tpu.memref_slice %arg2[%add3A, %dma_wait3A_1607, %dma_wait3A_1624, %dma_wait3A_1625] : memref<16x8x2x128xi32, #tpu.memory_space<hbm>> -> memref<1x1x2x128xi32, #tpu.memory_space<hbm>>
    %dma_wait3A_1627 = tpu.memref_squeeze %dma_wait3A_1626 : memref<1x1x2x128xi32, #tpu.memory_space<hbm>> -> memref<2x128xi32, #tpu.memory_space<hbm>>
    tpu.wait_dma2 semaphore(%dma_wait3A_1619 : memref<!tpu.dma_semaphore, #tpu.memory_space<semaphore_mem>>) src(%dma_wait3A_1627 : memref<2x128xi32, #tpu.memory_space<hbm>>) dst(%dma_wait3A_1623 : memref<2x128xi32, #tpu.memory_space<vmem>>)
    %get3A_1628 = arith.constant 7 : i32
    %get3A_1629 = arith.constant 0 : i32
    %get3A_1630 = arith.index_cast %get3A_1628 : i32 to index
    %get3A_1631 = arith.index_cast %get3A_1629 : i32 to index
    %get3A_1632 = arith.constant 0 : index
    %get3A_1633 = tpu.vector_load %arg5[%get3A_1630, %get3A_1631, %get3A_1632] {strides = array<i32>} : memref<8x2x128xi32, #tpu.memory_space<vmem>>, vector<1x1x16xi32>,
    %get3A_1634 = vector.shape_cast %get3A_1633 : vector<1x1x16xi32> to vector<16xi32>
    %get3A_1635 = arith.constant 7 : i32
    %get3A_1636 = arith.constant 1 : i32
    %get3A_1637 = arith.index_cast %get3A_1635 : i32 to index
    %get3A_1638 = arith.index_cast %get3A_1636 : i32 to index
    %get3A_1639 = arith.constant 0 : index
    %get3A_1640 = tpu.vector_load %arg5[%get3A_1637, %get3A_1638, %get3A_1639] {strides = array<i32>} : memref<8x2x128xi32, #tpu.memory_space<vmem>>, vector<1x1x16xi32>,
    %get3A_1641 = vector.shape_cast %get3A_1640 : vector<1x1x16xi32> to vector<16xi32>
    %mul3A_1642 = arith.constant 1024 : i32
    %mul3A_1643 = vector.broadcast %mul3A_1642 : i32 to vector<16xi32>
    %mul3A_1644 = arith.muli %get3A_1634, %mul3A_1643 : vector<16xi32>
    %add3A_1645 = arith.addi %mul3A_1644, %get3A_1641 : vector<16xi32>
    %swap3A_1646 = arith.constant 896 : index
    %swap3A_1647 = tpu.vector_load %arg6[%swap3A_1646] {strides = array<i32>} : memref<1024xi32, #tpu.memory_space<vmem>>, vector<16xi32>,
    %swap3A_1648 = vector.shape_cast %swap3A_1647 : vector<16xi32> to vector<16xi32>
    %swap3A_1649 = vector.shape_cast %add3A_1645 : vector<16xi32> to vector<16xi32>
    tpu.vector_store %arg6[%swap3A_1646], %swap3A_1649 {strides = array<i32>} : memref<1024xi32, #tpu.memory_space<vmem>>, vector<16xi32>,
    %get3A_1650 = arith.constant 7 : i32
    %get3A_1651 = arith.constant 0 : i32
    %get3A_1652 = arith.index_cast %get3A_1650 : i32 to index
    %get3A_1653 = arith.index_cast %get3A_1651 : i32 to index
    %get3A_1654 = arith.constant 16 : index
    %get3A_1655 = tpu.vector_load %arg5[%get3A_1652, %get3A_1653, %get3A_1654] {strides = array<i32>} : memref<8x2x128xi32, #tpu.memory_space<vmem>>, vector<1x1x16xi32>,
    %get3A_1656 = vector.shape_cast %get3A_1655 : vector<1x1x16xi32> to vector<16xi32>
    %get3A_1657 = arith.constant 7 : i32
    %get3A_1658 = arith.constant 1 : i32
    %get3A_1659 = arith.index_cast %get3A_1657 : i32 to index
    %get3A_1660 = arith.index_cast %get3A_1658 : i32 to index
    %get3A_1661 = arith.constant 16 : index
    %get3A_1662 = tpu.vector_load %arg5[%get3A_1659, %get3A_1660, %get3A_1661] {strides = array<i32>} : memref<8x2x128xi32, #tpu.memory_space<vmem>>, vector<1x1x16xi32>,
    %get3A_1663 = vector.shape_cast %get3A_1662 : vector<1x1x16xi32> to vector<16xi32>
    %mul3A_1664 = arith.constant 1024 : i32
    %mul3A_1665 = vector.broadcast %mul3A_1664 : i32 to vector<16xi32>
    %mul3A_1666 = arith.muli %get3A_1656, %mul3A_1665 : vector<16xi32>
    %add3A_1667 = arith.addi %mul3A_1666, %get3A_1663 : vector<16xi32>
    %swap3A_1668 = arith.constant 912 : index
    %swap3A_1669 = tpu.vector_load %arg6[%swap3A_1668] {strides = array<i32>} : memref<1024xi32, #tpu.memory_space<vmem>>, vector<16xi32>,
    %swap3A_1670 = vector.shape_cast %swap3A_1669 : vector<16xi32> to vector<16xi32>
    %swap3A_1671 = vector.shape_cast %add3A_1667 : vector<16xi32> to vector<16xi32>
    tpu.vector_store %arg6[%swap3A_1668], %swap3A_1671 {strides = array<i32>} : memref<1024xi32, #tpu.memory_space<vmem>>, vector<16xi32>,
    %get3A_1672 = arith.constant 7 : i32
    %get3A_1673 = arith.constant 0 : i32
    %get3A_1674 = arith.index_cast %get3A_1672 : i32 to index
    %get3A_1675 = arith.index_cast %get3A_1673 : i32 to index
    %get3A_1676 = arith.constant 32 : index
    %get3A_1677 = tpu.vector_load %arg5[%get3A_1674, %get3A_1675, %get3A_1676] {strides = array<i32>} : memref<8x2x128xi32, #tpu.memory_space<vmem>>, vector<1x1x16xi32>,
    %get3A_1678 = vector.shape_cast %get3A_1677 : vector<1x1x16xi32> to vector<16xi32>
    %get3A_1679 = arith.constant 7 : i32
    %get3A_1680 = arith.constant 1 : i32
    %get3A_1681 = arith.index_cast %get3A_1679 : i32 to index
    %get3A_1682 = arith.index_cast %get3A_1680 : i32 to index
    %get3A_1683 = arith.constant 32 : index
    %get3A_1684 = tpu.vector_load %arg5[%get3A_1681, %get3A_1682, %get3A_1683] {strides = array<i32>} : memref<8x2x128xi32, #tpu.memory_space<vmem>>, vector<1x1x16xi32>,
    %get3A_1685 = vector.shape_cast %get3A_1684 : vector<1x1x16xi32> to vector<16xi32>
    %mul3A_1686 = arith.constant 1024 : i32
    %mul3A_1687 = vector.broadcast %mul3A_1686 : i32 to vector<16xi32>
    %mul3A_1688 = arith.muli %get3A_1678, %mul3A_1687 : vector<16xi32>
    %add3A_1689 = arith.addi %mul3A_1688, %get3A_1685 : vector<16xi32>
    %swap3A_1690 = arith.constant 928 : index
    %swap3A_1691 = tpu.vector_load %arg6[%swap3A_1690] {strides = array<i32>} : memref<1024xi32, #tpu.memory_space<vmem>>, vector<16xi32>,
    %swap3A_1692 = vector.shape_cast %swap3A_1691 : vector<16xi32> to vector<16xi32>
    %swap3A_1693 = vector.shape_cast %add3A_1689 : vector<16xi32> to vector<16xi32>
    tpu.vector_store %arg6[%swap3A_1690], %swap3A_1693 {strides = array<i32>} : memref<1024xi32, #tpu.memory_space<vmem>>, vector<16xi32>,
    %get3A_1694 = arith.constant 7 : i32
    %get3A_1695 = arith.constant 0 : i32
    %get3A_1696 = arith.index_cast %get3A_1694 : i32 to index
    %get3A_1697 = arith.index_cast %get3A_1695 : i32 to index
    %get3A_1698 = arith.constant 48 : index
    %get3A_1699 = tpu.vector_load %arg5[%get3A_1696, %get3A_1697, %get3A_1698] {strides = array<i32>} : memref<8x2x128xi32, #tpu.memory_space<vmem>>, vector<1x1x16xi32>,
    %get3A_1700 = vector.shape_cast %get3A_1699 : vector<1x1x16xi32> to vector<16xi32>
    %get3A_1701 = arith.constant 7 : i32
    %get3A_1702 = arith.constant 1 : i32
    %get3A_1703 = arith.index_cast %get3A_1701 : i32 to index
    %get3A_1704 = arith.index_cast %get3A_1702 : i32 to index
    %get3A_1705 = arith.constant 48 : index
    %get3A_1706 = tpu.vector_load %arg5[%get3A_1703, %get3A_1704, %get3A_1705] {strides = array<i32>} : memref<8x2x128xi32, #tpu.memory_space<vmem>>, vector<1x1x16xi32>,
    %get3A_1707 = vector.shape_cast %get3A_1706 : vector<1x1x16xi32> to vector<16xi32>
    %mul3A_1708 = arith.constant 1024 : i32
    %mul3A_1709 = vector.broadcast %mul3A_1708 : i32 to vector<16xi32>
    %mul3A_1710 = arith.muli %get3A_1700, %mul3A_1709 : vector<16xi32>
    %add3A_1711 = arith.addi %mul3A_1710, %get3A_1707 : vector<16xi32>
    %swap3A_1712 = arith.constant 944 : index
    %swap3A_1713 = tpu.vector_load %arg6[%swap3A_1712] {strides = array<i32>} : memref<1024xi32, #tpu.memory_space<vmem>>, vector<16xi32>,
    %swap3A_1714 = vector.shape_cast %swap3A_1713 : vector<16xi32> to vector<16xi32>
    %swap3A_1715 = vector.shape_cast %add3A_1711 : vector<16xi32> to vector<16xi32>
    tpu.vector_store %arg6[%swap3A_1712], %swap3A_1715 {strides = array<i32>} : memref<1024xi32, #tpu.memory_space<vmem>>, vector<16xi32>,
    %get3A_1716 = arith.constant 7 : i32
    %get3A_1717 = arith.constant 0 : i32
    %get3A_1718 = arith.index_cast %get3A_1716 : i32 to index
    %get3A_1719 = arith.index_cast %get3A_1717 : i32 to index
    %get3A_1720 = arith.constant 64 : index
    %get3A_1721 = tpu.vector_load %arg5[%get3A_1718, %get3A_1719, %get3A_1720] {strides = array<i32>} : memref<8x2x128xi32, #tpu.memory_space<vmem>>, vector<1x1x16xi32>,
    %get3A_1722 = vector.shape_cast %get3A_1721 : vector<1x1x16xi32> to vector<16xi32>
    %get3A_1723 = arith.constant 7 : i32
    %get3A_1724 = arith.constant 1 : i32
    %get3A_1725 = arith.index_cast %get3A_1723 : i32 to index
    %get3A_1726 = arith.index_cast %get3A_1724 : i32 to index
    %get3A_1727 = arith.constant 64 : index
    %get3A_1728 = tpu.vector_load %arg5[%get3A_1725, %get3A_1726, %get3A_1727] {strides = array<i32>} : memref<8x2x128xi32, #tpu.memory_space<vmem>>, vector<1x1x16xi32>,
    %get3A_1729 = vector.shape_cast %get3A_1728 : vector<1x1x16xi32> to vector<16xi32>
    %mul3A_1730 = arith.constant 1024 : i32
    %mul3A_1731 = vector.broadcast %mul3A_1730 : i32 to vector<16xi32>
    %mul3A_1732 = arith.muli %get3A_1722, %mul3A_1731 : vector<16xi32>
    %add3A_1733 = arith.addi %mul3A_1732, %get3A_1729 : vector<16xi32>
    %swap3A_1734 = arith.constant 960 : index
    %swap3A_1735 = tpu.vector_load %arg6[%swap3A_1734] {strides = array<i32>} : memref<1024xi32, #tpu.memory_space<vmem>>, vector<16xi32>,
    %swap3A_1736 = vector.shape_cast %swap3A_1735 : vector<16xi32> to vector<16xi32>
    %swap3A_1737 = vector.shape_cast %add3A_1733 : vector<16xi32> to vector<16xi32>
    tpu.vector_store %arg6[%swap3A_1734], %swap3A_1737 {strides = array<i32>} : memref<1024xi32, #tpu.memory_space<vmem>>, vector<16xi32>,
    %get3A_1738 = arith.constant 7 : i32
    %get3A_1739 = arith.constant 0 : i32
    %get3A_1740 = arith.index_cast %get3A_1738 : i32 to index
    %get3A_1741 = arith.index_cast %get3A_1739 : i32 to index
    %get3A_1742 = arith.constant 80 : index
    %get3A_1743 = tpu.vector_load %arg5[%get3A_1740, %get3A_1741, %get3A_1742] {strides = array<i32>} : memref<8x2x128xi32, #tpu.memory_space<vmem>>, vector<1x1x16xi32>,
    %get3A_1744 = vector.shape_cast %get3A_1743 : vector<1x1x16xi32> to vector<16xi32>
    %get3A_1745 = arith.constant 7 : i32
    %get3A_1746 = arith.constant 1 : i32
    %get3A_1747 = arith.index_cast %get3A_1745 : i32 to index
    %get3A_1748 = arith.index_cast %get3A_1746 : i32 to index
    %get3A_1749 = arith.constant 80 : index
    %get3A_1750 = tpu.vector_load %arg5[%get3A_1747, %get3A_1748, %get3A_1749] {strides = array<i32>} : memref<8x2x128xi32, #tpu.memory_space<vmem>>, vector<1x1x16xi32>,
    %get3A_1751 = vector.shape_cast %get3A_1750 : vector<1x1x16xi32> to vector<16xi32>
    %mul3A_1752 = arith.constant 1024 : i32
    %mul3A_1753 = vector.broadcast %mul3A_1752 : i32 to vector<16xi32>
    %mul3A_1754 = arith.muli %get3A_1744, %mul3A_1753 : vector<16xi32>
    %add3A_1755 = arith.addi %mul3A_1754, %get3A_1751 : vector<16xi32>
    %swap3A_1756 = arith.constant 976 : index
    %swap3A_1757 = tpu.vector_load %arg6[%swap3A_1756] {strides = array<i32>} : memref<1024xi32, #tpu.memory_space<vmem>>, vector<16xi32>,
    %swap3A_1758 = vector.shape_cast %swap3A_1757 : vector<16xi32> to vector<16xi32>
    %swap3A_1759 = vector.shape_cast %add3A_1755 : vector<16xi32> to vector<16xi32>
    tpu.vector_store %arg6[%swap3A_1756], %swap3A_1759 {strides = array<i32>} : memref<1024xi32, #tpu.memory_space<vmem>>, vector<16xi32>,
    %get3A_1760 = arith.constant 7 : i32
    %get3A_1761 = arith.constant 0 : i32
    %get3A_1762 = arith.index_cast %get3A_1760 : i32 to index
    %get3A_1763 = arith.index_cast %get3A_1761 : i32 to index
    %get3A_1764 = arith.constant 96 : index
    %get3A_1765 = tpu.vector_load %arg5[%get3A_1762, %get3A_1763, %get3A_1764] {strides = array<i32>} : memref<8x2x128xi32, #tpu.memory_space<vmem>>, vector<1x1x16xi32>,
    %get3A_1766 = vector.shape_cast %get3A_1765 : vector<1x1x16xi32> to vector<16xi32>
    %get3A_1767 = arith.constant 7 : i32
    %get3A_1768 = arith.constant 1 : i32
    %get3A_1769 = arith.index_cast %get3A_1767 : i32 to index
    %get3A_1770 = arith.index_cast %get3A_1768 : i32 to index
    %get3A_1771 = arith.constant 96 : index
    %get3A_1772 = tpu.vector_load %arg5[%get3A_1769, %get3A_1770, %get3A_1771] {strides = array<i32>} : memref<8x2x128xi32, #tpu.memory_space<vmem>>, vector<1x1x16xi32>,
    %get3A_1773 = vector.shape_cast %get3A_1772 : vector<1x1x16xi32> to vector<16xi32>
    %mul3A_1774 = arith.constant 1024 : i32
    %mul3A_1775 = vector.broadcast %mul3A_1774 : i32 to vector<16xi32>
    %mul3A_1776 = arith.muli %get3A_1766, %mul3A_1775 : vector<16xi32>
    %add3A_1777 = arith.addi %mul3A_1776, %get3A_1773 : vector<16xi32>
    %swap3A_1778 = arith.constant 992 : index
    %swap3A_1779 = tpu.vector_load %arg6[%swap3A_1778] {strides = array<i32>} : memref<1024xi32, #tpu.memory_space<vmem>>, vector<16xi32>,
    %swap3A_1780 = vector.shape_cast %swap3A_1779 : vector<16xi32> to vector<16xi32>
    %swap3A_1781 = vector.shape_cast %add3A_1777 : vector<16xi32> to vector<16xi32>
    tpu.vector_store %arg6[%swap3A_1778], %swap3A_1781 {strides = array<i32>} : memref<1024xi32, #tpu.memory_space<vmem>>, vector<16xi32>,
    %get3A_1782 = arith.constant 7 : i32
    %get3A_1783 = arith.constant 0 : i32
    %get3A_1784 = arith.index_cast %get3A_1782 : i32 to index
    %get3A_1785 = arith.index_cast %get3A_1783 : i32 to index
    %get3A_1786 = arith.constant 112 : index
    %get3A_1787 = tpu.vector_load %arg5[%get3A_1784, %get3A_1785, %get3A_1786] {strides = array<i32>} : memref<8x2x128xi32, #tpu.memory_space<vmem>>, vector<1x1x16xi32>,
    %get3A_1788 = vector.shape_cast %get3A_1787 : vector<1x1x16xi32> to vector<16xi32>
    %get3A_1789 = arith.constant 7 : i32
    %get3A_1790 = arith.constant 1 : i32
    %get3A_1791 = arith.index_cast %get3A_1789 : i32 to index
    %get3A_1792 = arith.index_cast %get3A_1790 : i32 to index
    %get3A_1793 = arith.constant 112 : index
    %get3A_1794 = tpu.vector_load %arg5[%get3A_1791, %get3A_1792, %get3A_1793] {strides = array<i32>} : memref<8x2x128xi32, #tpu.memory_space<vmem>>, vector<1x1x16xi32>,
    %get3A_1795 = vector.shape_cast %get3A_1794 : vector<1x1x16xi32> to vector<16xi32>
    %mul3A_1796 = arith.constant 1024 : i32
    %mul3A_1797 = vector.broadcast %mul3A_1796 : i32 to vector<16xi32>
    %mul3A_1798 = arith.muli %get3A_1788, %mul3A_1797 : vector<16xi32>
    %add3A_1799 = arith.addi %mul3A_1798, %get3A_1795 : vector<16xi32>
    %swap3A_1800 = arith.constant 1008 : index
    %swap3A_1801 = tpu.vector_load %arg6[%swap3A_1800] {strides = array<i32>} : memref<1024xi32, #tpu.memory_space<vmem>>, vector<16xi32>,
    %swap3A_1802 = vector.shape_cast %swap3A_1801 : vector<16xi32> to vector<16xi32>
    %swap3A_1803 = vector.shape_cast %add3A_1799 : vector<16xi32> to vector<16xi32>
    tpu.vector_store %arg6[%swap3A_1800], %swap3A_1803 {strides = array<i32>} : memref<1024xi32, #tpu.memory_space<vmem>>, vector<16xi32>,
    %dma_start3A_1804 = arith.constant 7 : i32
    %dma_start3A_1805 = arith.constant 896 : i32
    %dma_start3A_1806 = tpu.memref_slice %arg7[%dma_start3A_1805] : memref<1024xf32, #tpu.memory_space<vmem>> -> memref<128xf32, #tpu.memory_space<vmem>>
    %dma_start3A_1807 = arith.constant 896 : i32
    %dma_start3A_1808 = tpu.memref_slice %arg6[%dma_start3A_1807] : memref<1024xi32, #tpu.memory_space<vmem>> -> memref<128xi32, #tpu.memory_space<vmem>>
    %dma_start3A_1809 = arith.constant 0 : i32
    %dma_start3A_1810 = tpu.memref_slice %arg3[%dma_start3A_1809] : memref<1024000xf32, #tpu.memory_space<hbm>> -> memref<1024000xf32, #tpu.memory_space<hbm>>
    %dma_start3A_1811 = tpu.memref_slice %arg9[%dma_start3A_1804] : memref<8x!tpu.dma_semaphore, #tpu.memory_space<semaphore_mem>> -> memref<1x!tpu.dma_semaphore, #tpu.memory_space<semaphore_mem>>
    %dma_start3A_1812 = tpu.memref_squeeze %dma_start3A_1811 : memref<1x!tpu.dma_semaphore, #tpu.memory_space<semaphore_mem>> -> memref<!tpu.dma_semaphore, #tpu.memory_space<semaphore_mem>>
    tpu.enqueue_indirect_dma source(%dma_start3A_1810 : memref<1024000xf32, #tpu.memory_space<hbm>>) target(%dma_start3A_1806 : memref<128xf32, #tpu.memory_space<vmem>>) offsets(%dma_start3A_1808 : memref<128xi32, #tpu.memory_space<vmem>>) semaphore(%dma_start3A_1812 : memref<!tpu.dma_semaphore, #tpu.memory_space<semaphore_mem>>)
    %dma_wait3A_1813 = arith.constant 0 : i32
    %dma_wait3A_1814 = arith.constant 0 : i32
    %dma_wait3A_1815 = tpu.memref_slice %arg7[%dma_wait3A_1814] : memref<1024xf32, #tpu.memory_space<vmem>> -> memref<128xf32, #tpu.memory_space<vmem>>
    %dma_wait3A_1816 = arith.constant 0 : i32
    %dma_wait3A_1817 = tpu.memref_slice %arg6[%dma_wait3A_1816] : memref<1024xi32, #tpu.memory_space<vmem>> -> memref<128xi32, #tpu.memory_space<vmem>>
    %dma_wait3A_1818 = arith.constant 0 : i32
    %dma_wait3A_1819 = tpu.memref_slice %arg3[%dma_wait3A_1818] : memref<1024000xf32, #tpu.memory_space<hbm>> -> memref<1024000xf32, #tpu.memory_space<hbm>>
    %dma_wait3A_1820 = tpu.memref_slice %arg9[%dma_wait3A_1813] : memref<8x!tpu.dma_semaphore, #tpu.memory_space<semaphore_mem>> -> memref<1x!tpu.dma_semaphore, #tpu.memory_space<semaphore_mem>>
    %dma_wait3A_1821 = tpu.memref_squeeze %dma_wait3A_1820 : memref<1x!tpu.dma_semaphore, #tpu.memory_space<semaphore_mem>> -> memref<!tpu.dma_semaphore, #tpu.memory_space<semaphore_mem>>
    tpu.wait_indirect_dma semaphore(%dma_wait3A_1821 : memref<!tpu.dma_semaphore, #tpu.memory_space<semaphore_mem>>) src(%dma_wait3A_1819 : memref<1024000xf32, #tpu.memory_space<hbm>>) dst(%dma_wait3A_1815 : memref<128xf32, #tpu.memory_space<vmem>>)
    %mul3A_1822 = arith.constant 1024 : i32
    %mul3A_1823 = arith.muli %add3A, %mul3A_1822 : i32
    %add3A_1824 = arith.constant 0 : i32
    %add3A_1825 = arith.addi %mul3A_1823, %add3A_1824 : i32
    %dma_start3A_1826 = arith.constant 0 : i32
    %dma_start3A_1827 = arith.constant 0 : i32
    %dma_start3A_1828 = tpu.memref_slice %arg7[%dma_start3A_1827] : memref<1024xf32, #tpu.memory_space<vmem>> -> memref<128xf32, #tpu.memory_space<vmem>>
    %dma_start3A_1829 = tpu.memref_slice %arg4[%add3A_1825] : memref<16384xf32, #tpu.memory_space<hbm>> -> memref<128xf32, #tpu.memory_space<hbm>>
    %dma_start3A_1830 = tpu.memref_slice %arg10[%dma_start3A_1826] : memref<8x!tpu.dma_semaphore, #tpu.memory_space<semaphore_mem>> -> memref<1x!tpu.dma_semaphore, #tpu.memory_space<semaphore_mem>>
    %dma_start3A_1831 = tpu.memref_squeeze %dma_start3A_1830 : memref<1x!tpu.dma_semaphore, #tpu.memory_space<semaphore_mem>> -> memref<!tpu.dma_semaphore, #tpu.memory_space<semaphore_mem>>
    %dma_start3A_1832 = tpu.memref_slice %arg4[%add3A_1825] : memref<16384xf32, #tpu.memory_space<hbm>> -> memref<128xf32, #tpu.memory_space<hbm>>
    %dma_start3A_1833 = arith.constant 0 : i32
    %dma_start3A_1834 = tpu.memref_slice %arg7[%dma_start3A_1833] : memref<1024xf32, #tpu.memory_space<vmem>> -> memref<128xf32, #tpu.memory_space<vmem>>
    tpu.enqueue_dma source(%dma_start3A_1834 : memref<128xf32, #tpu.memory_space<vmem>>) target(%dma_start3A_1832 : memref<128xf32, #tpu.memory_space<hbm>>) target_semaphore(%dma_start3A_1831 : memref<!tpu.dma_semaphore, #tpu.memory_space<semaphore_mem>>)
    %dma_wait3A_1835 = arith.constant 1 : i32
    %dma_wait3A_1836 = arith.constant 128 : i32
    %dma_wait3A_1837 = tpu.memref_slice %arg7[%dma_wait3A_1836] : memref<1024xf32, #tpu.memory_space<vmem>> -> memref<128xf32, #tpu.memory_space<vmem>>
    %dma_wait3A_1838 = arith.constant 128 : i32
    %dma_wait3A_1839 = tpu.memref_slice %arg6[%dma_wait3A_1838] : memref<1024xi32, #tpu.memory_space<vmem>> -> memref<128xi32, #tpu.memory_space<vmem>>
    %dma_wait3A_1840 = arith.constant 0 : i32
    %dma_wait3A_1841 = tpu.memref_slice %arg3[%dma_wait3A_1840] : memref<1024000xf32, #tpu.memory_space<hbm>> -> memref<1024000xf32, #tpu.memory_space<hbm>>
    %dma_wait3A_1842 = tpu.memref_slice %arg9[%dma_wait3A_1835] : memref<8x!tpu.dma_semaphore, #tpu.memory_space<semaphore_mem>> -> memref<1x!tpu.dma_semaphore, #tpu.memory_space<semaphore_mem>>
    %dma_wait3A_1843 = tpu.memref_squeeze %dma_wait3A_1842 : memref<1x!tpu.dma_semaphore, #tpu.memory_space<semaphore_mem>> -> memref<!tpu.dma_semaphore, #tpu.memory_space<semaphore_mem>>
    tpu.wait_indirect_dma semaphore(%dma_wait3A_1843 : memref<!tpu.dma_semaphore, #tpu.memory_space<semaphore_mem>>) src(%dma_wait3A_1841 : memref<1024000xf32, #tpu.memory_space<hbm>>) dst(%dma_wait3A_1837 : memref<128xf32, #tpu.memory_space<vmem>>)
    %mul3A_1844 = arith.constant 1024 : i32
    %mul3A_1845 = arith.muli %add3A, %mul3A_1844 : i32
    %add3A_1846 = arith.constant 128 : i32
    %add3A_1847 = arith.addi %mul3A_1845, %add3A_1846 : i32
    %dma_start3A_1848 = arith.constant 1 : i32
    %dma_start3A_1849 = arith.constant 128 : i32
    %dma_start3A_1850 = tpu.memref_slice %arg7[%dma_start3A_1849] : memref<1024xf32, #tpu.memory_space<vmem>> -> memref<128xf32, #tpu.memory_space<vmem>>
    %dma_start3A_1851 = tpu.memref_slice %arg4[%add3A_1847] : memref<16384xf32, #tpu.memory_space<hbm>> -> memref<128xf32, #tpu.memory_space<hbm>>
    %dma_start3A_1852 = tpu.memref_slice %arg10[%dma_start3A_1848] : memref<8x!tpu.dma_semaphore, #tpu.memory_space<semaphore_mem>> -> memref<1x!tpu.dma_semaphore, #tpu.memory_space<semaphore_mem>>
    %dma_start3A_1853 = tpu.memref_squeeze %dma_start3A_1852 : memref<1x!tpu.dma_semaphore, #tpu.memory_space<semaphore_mem>> -> memref<!tpu.dma_semaphore, #tpu.memory_space<semaphore_mem>>
    %dma_start3A_1854 = tpu.memref_slice %arg4[%add3A_1847] : memref<16384xf32, #tpu.memory_space<hbm>> -> memref<128xf32, #tpu.memory_space<hbm>>
    %dma_start3A_1855 = arith.constant 128 : i32
    %dma_start3A_1856 = tpu.memref_slice %arg7[%dma_start3A_1855] : memref<1024xf32, #tpu.memory_space<vmem>> -> memref<128xf32, #tpu.memory_space<vmem>>
    tpu.enqueue_dma source(%dma_start3A_1856 : memref<128xf32, #tpu.memory_space<vmem>>) target(%dma_start3A_1854 : memref<128xf32, #tpu.memory_space<hbm>>) target_semaphore(%dma_start3A_1853 : memref<!tpu.dma_semaphore, #tpu.memory_space<semaphore_mem>>)
    %dma_wait3A_1857 = arith.constant 2 : i32
    %dma_wait3A_1858 = arith.constant 256 : i32
    %dma_wait3A_1859 = tpu.memref_slice %arg7[%dma_wait3A_1858] : memref<1024xf32, #tpu.memory_space<vmem>> -> memref<128xf32, #tpu.memory_space<vmem>>
    %dma_wait3A_1860 = arith.constant 256 : i32
    %dma_wait3A_1861 = tpu.memref_slice %arg6[%dma_wait3A_1860] : memref<1024xi32, #tpu.memory_space<vmem>> -> memref<128xi32, #tpu.memory_space<vmem>>
    %dma_wait3A_1862 = arith.constant 0 : i32
    %dma_wait3A_1863 = tpu.memref_slice %arg3[%dma_wait3A_1862] : memref<1024000xf32, #tpu.memory_space<hbm>> -> memref<1024000xf32, #tpu.memory_space<hbm>>
    %dma_wait3A_1864 = tpu.memref_slice %arg9[%dma_wait3A_1857] : memref<8x!tpu.dma_semaphore, #tpu.memory_space<semaphore_mem>> -> memref<1x!tpu.dma_semaphore, #tpu.memory_space<semaphore_mem>>
    %dma_wait3A_1865 = tpu.memref_squeeze %dma_wait3A_1864 : memref<1x!tpu.dma_semaphore, #tpu.memory_space<semaphore_mem>> -> memref<!tpu.dma_semaphore, #tpu.memory_space<semaphore_mem>>
    tpu.wait_indirect_dma semaphore(%dma_wait3A_1865 : memref<!tpu.dma_semaphore, #tpu.memory_space<semaphore_mem>>) src(%dma_wait3A_1863 : memref<1024000xf32, #tpu.memory_space<hbm>>) dst(%dma_wait3A_1859 : memref<128xf32, #tpu.memory_space<vmem>>)
    %mul3A_1866 = arith.constant 1024 : i32
    %mul3A_1867 = arith.muli %add3A, %mul3A_1866 : i32
    %add3A_1868 = arith.constant 256 : i32
    %add3A_1869 = arith.addi %mul3A_1867, %add3A_1868 : i32
    %dma_start3A_1870 = arith.constant 2 : i32
    %dma_start3A_1871 = arith.constant 256 : i32
    %dma_start3A_1872 = tpu.memref_slice %arg7[%dma_start3A_1871] : memref<1024xf32, #tpu.memory_space<vmem>> -> memref<128xf32, #tpu.memory_space<vmem>>
    %dma_start3A_1873 = tpu.memref_slice %arg4[%add3A_1869] : memref<16384xf32, #tpu.memory_space<hbm>> -> memref<128xf32, #tpu.memory_space<hbm>>
    %dma_start3A_1874 = tpu.memref_slice %arg10[%dma_start3A_1870] : memref<8x!tpu.dma_semaphore, #tpu.memory_space<semaphore_mem>> -> memref<1x!tpu.dma_semaphore, #tpu.memory_space<semaphore_mem>>
    %dma_start3A_1875 = tpu.memref_squeeze %dma_start3A_1874 : memref<1x!tpu.dma_semaphore, #tpu.memory_space<semaphore_mem>> -> memref<!tpu.dma_semaphore, #tpu.memory_space<semaphore_mem>>
    %dma_start3A_1876 = tpu.memref_slice %arg4[%add3A_1869] : memref<16384xf32, #tpu.memory_space<hbm>> -> memref<128xf32, #tpu.memory_space<hbm>>
    %dma_start3A_1877 = arith.constant 256 : i32
    %dma_start3A_1878 = tpu.memref_slice %arg7[%dma_start3A_1877] : memref<1024xf32, #tpu.memory_space<vmem>> -> memref<128xf32, #tpu.memory_space<vmem>>
    tpu.enqueue_dma source(%dma_start3A_1878 : memref<128xf32, #tpu.memory_space<vmem>>) target(%dma_start3A_1876 : memref<128xf32, #tpu.memory_space<hbm>>) target_semaphore(%dma_start3A_1875 : memref<!tpu.dma_semaphore, #tpu.memory_space<semaphore_mem>>)
    %dma_wait3A_1879 = arith.constant 3 : i32
    %dma_wait3A_1880 = arith.constant 384 : i32
    %dma_wait3A_1881 = tpu.memref_slice %arg7[%dma_wait3A_1880] : memref<1024xf32, #tpu.memory_space<vmem>> -> memref<128xf32, #tpu.memory_space<vmem>>
    %dma_wait3A_1882 = arith.constant 384 : i32
    %dma_wait3A_1883 = tpu.memref_slice %arg6[%dma_wait3A_1882] : memref<1024xi32, #tpu.memory_space<vmem>> -> memref<128xi32, #tpu.memory_space<vmem>>
    %dma_wait3A_1884 = arith.constant 0 : i32
    %dma_wait3A_1885 = tpu.memref_slice %arg3[%dma_wait3A_1884] : memref<1024000xf32, #tpu.memory_space<hbm>> -> memref<1024000xf32, #tpu.memory_space<hbm>>
    %dma_wait3A_1886 = tpu.memref_slice %arg9[%dma_wait3A_1879] : memref<8x!tpu.dma_semaphore, #tpu.memory_space<semaphore_mem>> -> memref<1x!tpu.dma_semaphore, #tpu.memory_space<semaphore_mem>>
    %dma_wait3A_1887 = tpu.memref_squeeze %dma_wait3A_1886 : memref<1x!tpu.dma_semaphore, #tpu.memory_space<semaphore_mem>> -> memref<!tpu.dma_semaphore, #tpu.memory_space<semaphore_mem>>
    tpu.wait_indirect_dma semaphore(%dma_wait3A_1887 : memref<!tpu.dma_semaphore, #tpu.memory_space<semaphore_mem>>) src(%dma_wait3A_1885 : memref<1024000xf32, #tpu.memory_space<hbm>>) dst(%dma_wait3A_1881 : memref<128xf32, #tpu.memory_space<vmem>>)
    %mul3A_1888 = arith.constant 1024 : i32
    %mul3A_1889 = arith.muli %add3A, %mul3A_1888 : i32
    %add3A_1890 = arith.constant 384 : i32
    %add3A_1891 = arith.addi %mul3A_1889, %add3A_1890 : i32
    %dma_start3A_1892 = arith.constant 3 : i32
    %dma_start3A_1893 = arith.constant 384 : i32
    %dma_start3A_1894 = tpu.memref_slice %arg7[%dma_start3A_1893] : memref<1024xf32, #tpu.memory_space<vmem>> -> memref<128xf32, #tpu.memory_space<vmem>>
    %dma_start3A_1895 = tpu.memref_slice %arg4[%add3A_1891] : memref<16384xf32, #tpu.memory_space<hbm>> -> memref<128xf32, #tpu.memory_space<hbm>>
    %dma_start3A_1896 = tpu.memref_slice %arg10[%dma_start3A_1892] : memref<8x!tpu.dma_semaphore, #tpu.memory_space<semaphore_mem>> -> memref<1x!tpu.dma_semaphore, #tpu.memory_space<semaphore_mem>>
    %dma_start3A_1897 = tpu.memref_squeeze %dma_start3A_1896 : memref<1x!tpu.dma_semaphore, #tpu.memory_space<semaphore_mem>> -> memref<!tpu.dma_semaphore, #tpu.memory_space<semaphore_mem>>
    %dma_start3A_1898 = tpu.memref_slice %arg4[%add3A_1891] : memref<16384xf32, #tpu.memory_space<hbm>> -> memref<128xf32, #tpu.memory_space<hbm>>
    %dma_start3A_1899 = arith.constant 384 : i32
    %dma_start3A_1900 = tpu.memref_slice %arg7[%dma_start3A_1899] : memref<1024xf32, #tpu.memory_space<vmem>> -> memref<128xf32, #tpu.memory_space<vmem>>
    tpu.enqueue_dma source(%dma_start3A_1900 : memref<128xf32, #tpu.memory_space<vmem>>) target(%dma_start3A_1898 : memref<128xf32, #tpu.memory_space<hbm>>) target_semaphore(%dma_start3A_1897 : memref<!tpu.dma_semaphore, #tpu.memory_space<semaphore_mem>>)
    %dma_wait3A_1901 = arith.constant 4 : i32
    %dma_wait3A_1902 = arith.constant 512 : i32
    %dma_wait3A_1903 = tpu.memref_slice %arg7[%dma_wait3A_1902] : memref<1024xf32, #tpu.memory_space<vmem>> -> memref<128xf32, #tpu.memory_space<vmem>>
    %dma_wait3A_1904 = arith.constant 512 : i32
    %dma_wait3A_1905 = tpu.memref_slice %arg6[%dma_wait3A_1904] : memref<1024xi32, #tpu.memory_space<vmem>> -> memref<128xi32, #tpu.memory_space<vmem>>
    %dma_wait3A_1906 = arith.constant 0 : i32
    %dma_wait3A_1907 = tpu.memref_slice %arg3[%dma_wait3A_1906] : memref<1024000xf32, #tpu.memory_space<hbm>> -> memref<1024000xf32, #tpu.memory_space<hbm>>
    %dma_wait3A_1908 = tpu.memref_slice %arg9[%dma_wait3A_1901] : memref<8x!tpu.dma_semaphore, #tpu.memory_space<semaphore_mem>> -> memref<1x!tpu.dma_semaphore, #tpu.memory_space<semaphore_mem>>
    %dma_wait3A_1909 = tpu.memref_squeeze %dma_wait3A_1908 : memref<1x!tpu.dma_semaphore, #tpu.memory_space<semaphore_mem>> -> memref<!tpu.dma_semaphore, #tpu.memory_space<semaphore_mem>>
    tpu.wait_indirect_dma semaphore(%dma_wait3A_1909 : memref<!tpu.dma_semaphore, #tpu.memory_space<semaphore_mem>>) src(%dma_wait3A_1907 : memref<1024000xf32, #tpu.memory_space<hbm>>) dst(%dma_wait3A_1903 : memref<128xf32, #tpu.memory_space<vmem>>)
    %mul3A_1910 = arith.constant 1024 : i32
    %mul3A_1911 = arith.muli %add3A, %mul3A_1910 : i32
    %add3A_1912 = arith.constant 512 : i32
    %add3A_1913 = arith.addi %mul3A_1911, %add3A_1912 : i32
    %dma_start3A_1914 = arith.constant 4 : i32
    %dma_start3A_1915 = arith.constant 512 : i32
    %dma_start3A_1916 = tpu.memref_slice %arg7[%dma_start3A_1915] : memref<1024xf32, #tpu.memory_space<vmem>> -> memref<128xf32, #tpu.memory_space<vmem>>
    %dma_start3A_1917 = tpu.memref_slice %arg4[%add3A_1913] : memref<16384xf32, #tpu.memory_space<hbm>> -> memref<128xf32, #tpu.memory_space<hbm>>
    %dma_start3A_1918 = tpu.memref_slice %arg10[%dma_start3A_1914] : memref<8x!tpu.dma_semaphore, #tpu.memory_space<semaphore_mem>> -> memref<1x!tpu.dma_semaphore, #tpu.memory_space<semaphore_mem>>
    %dma_start3A_1919 = tpu.memref_squeeze %dma_start3A_1918 : memref<1x!tpu.dma_semaphore, #tpu.memory_space<semaphore_mem>> -> memref<!tpu.dma_semaphore, #tpu.memory_space<semaphore_mem>>
    %dma_start3A_1920 = tpu.memref_slice %arg4[%add3A_1913] : memref<16384xf32, #tpu.memory_space<hbm>> -> memref<128xf32, #tpu.memory_space<hbm>>
    %dma_start3A_1921 = arith.constant 512 : i32
    %dma_start3A_1922 = tpu.memref_slice %arg7[%dma_start3A_1921] : memref<1024xf32, #tpu.memory_space<vmem>> -> memref<128xf32, #tpu.memory_space<vmem>>
    tpu.enqueue_dma source(%dma_start3A_1922 : memref<128xf32, #tpu.memory_space<vmem>>) target(%dma_start3A_1920 : memref<128xf32, #tpu.memory_space<hbm>>) target_semaphore(%dma_start3A_1919 : memref<!tpu.dma_semaphore, #tpu.memory_space<semaphore_mem>>)
    %dma_wait3A_1923 = arith.constant 5 : i32
    %dma_wait3A_1924 = arith.constant 640 : i32
    %dma_wait3A_1925 = tpu.memref_slice %arg7[%dma_wait3A_1924] : memref<1024xf32, #tpu.memory_space<vmem>> -> memref<128xf32, #tpu.memory_space<vmem>>
    %dma_wait3A_1926 = arith.constant 640 : i32
    %dma_wait3A_1927 = tpu.memref_slice %arg6[%dma_wait3A_1926] : memref<1024xi32, #tpu.memory_space<vmem>> -> memref<128xi32, #tpu.memory_space<vmem>>
    %dma_wait3A_1928 = arith.constant 0 : i32
    %dma_wait3A_1929 = tpu.memref_slice %arg3[%dma_wait3A_1928] : memref<1024000xf32, #tpu.memory_space<hbm>> -> memref<1024000xf32, #tpu.memory_space<hbm>>
    %dma_wait3A_1930 = tpu.memref_slice %arg9[%dma_wait3A_1923] : memref<8x!tpu.dma_semaphore, #tpu.memory_space<semaphore_mem>> -> memref<1x!tpu.dma_semaphore, #tpu.memory_space<semaphore_mem>>
    %dma_wait3A_1931 = tpu.memref_squeeze %dma_wait3A_1930 : memref<1x!tpu.dma_semaphore, #tpu.memory_space<semaphore_mem>> -> memref<!tpu.dma_semaphore, #tpu.memory_space<semaphore_mem>>
    tpu.wait_indirect_dma semaphore(%dma_wait3A_1931 : memref<!tpu.dma_semaphore, #tpu.memory_space<semaphore_mem>>) src(%dma_wait3A_1929 : memref<1024000xf32, #tpu.memory_space<hbm>>) dst(%dma_wait3A_1925 : memref<128xf32, #tpu.memory_space<vmem>>)
    %mul3A_1932 = arith.constant 1024 : i32
    %mul3A_1933 = arith.muli %add3A, %mul3A_1932 : i32
    %add3A_1934 = arith.constant 640 : i32
    %add3A_1935 = arith.addi %mul3A_1933, %add3A_1934 : i32
    %dma_start3A_1936 = arith.constant 5 : i32
    %dma_start3A_1937 = arith.constant 640 : i32
    %dma_start3A_1938 = tpu.memref_slice %arg7[%dma_start3A_1937] : memref<1024xf32, #tpu.memory_space<vmem>> -> memref<128xf32, #tpu.memory_space<vmem>>
    %dma_start3A_1939 = tpu.memref_slice %arg4[%add3A_1935] : memref<16384xf32, #tpu.memory_space<hbm>> -> memref<128xf32, #tpu.memory_space<hbm>>
    %dma_start3A_1940 = tpu.memref_slice %arg10[%dma_start3A_1936] : memref<8x!tpu.dma_semaphore, #tpu.memory_space<semaphore_mem>> -> memref<1x!tpu.dma_semaphore, #tpu.memory_space<semaphore_mem>>
    %dma_start3A_1941 = tpu.memref_squeeze %dma_start3A_1940 : memref<1x!tpu.dma_semaphore, #tpu.memory_space<semaphore_mem>> -> memref<!tpu.dma_semaphore, #tpu.memory_space<semaphore_mem>>
    %dma_start3A_1942 = tpu.memref_slice %arg4[%add3A_1935] : memref<16384xf32, #tpu.memory_space<hbm>> -> memref<128xf32, #tpu.memory_space<hbm>>
    %dma_start3A_1943 = arith.constant 640 : i32
    %dma_start3A_1944 = tpu.memref_slice %arg7[%dma_start3A_1943] : memref<1024xf32, #tpu.memory_space<vmem>> -> memref<128xf32, #tpu.memory_space<vmem>>
    tpu.enqueue_dma source(%dma_start3A_1944 : memref<128xf32, #tpu.memory_space<vmem>>) target(%dma_start3A_1942 : memref<128xf32, #tpu.memory_space<hbm>>) target_semaphore(%dma_start3A_1941 : memref<!tpu.dma_semaphore, #tpu.memory_space<semaphore_mem>>)
    %dma_wait3A_1945 = arith.constant 6 : i32
    %dma_wait3A_1946 = arith.constant 768 : i32
    %dma_wait3A_1947 = tpu.memref_slice %arg7[%dma_wait3A_1946] : memref<1024xf32, #tpu.memory_space<vmem>> -> memref<128xf32, #tpu.memory_space<vmem>>
    %dma_wait3A_1948 = arith.constant 768 : i32
    %dma_wait3A_1949 = tpu.memref_slice %arg6[%dma_wait3A_1948] : memref<1024xi32, #tpu.memory_space<vmem>> -> memref<128xi32, #tpu.memory_space<vmem>>
    %dma_wait3A_1950 = arith.constant 0 : i32
    %dma_wait3A_1951 = tpu.memref_slice %arg3[%dma_wait3A_1950] : memref<1024000xf32, #tpu.memory_space<hbm>> -> memref<1024000xf32, #tpu.memory_space<hbm>>
    %dma_wait3A_1952 = tpu.memref_slice %arg9[%dma_wait3A_1945] : memref<8x!tpu.dma_semaphore, #tpu.memory_space<semaphore_mem>> -> memref<1x!tpu.dma_semaphore, #tpu.memory_space<semaphore_mem>>
    %dma_wait3A_1953 = tpu.memref_squeeze %dma_wait3A_1952 : memref<1x!tpu.dma_semaphore, #tpu.memory_space<semaphore_mem>> -> memref<!tpu.dma_semaphore, #tpu.memory_space<semaphore_mem>>
    tpu.wait_indirect_dma semaphore(%dma_wait3A_1953 : memref<!tpu.dma_semaphore, #tpu.memory_space<semaphore_mem>>) src(%dma_wait3A_1951 : memref<1024000xf32, #tpu.memory_space<hbm>>) dst(%dma_wait3A_1947 : memref<128xf32, #tpu.memory_space<vmem>>)
    %mul3A_1954 = arith.constant 1024 : i32
    %mul3A_1955 = arith.muli %add3A, %mul3A_1954 : i32
    %add3A_1956 = arith.constant 768 : i32
    %add3A_1957 = arith.addi %mul3A_1955, %add3A_1956 : i32
    %dma_start3A_1958 = arith.constant 6 : i32
    %dma_start3A_1959 = arith.constant 768 : i32
    %dma_start3A_1960 = tpu.memref_slice %arg7[%dma_start3A_1959] : memref<1024xf32, #tpu.memory_space<vmem>> -> memref<128xf32, #tpu.memory_space<vmem>>
    %dma_start3A_1961 = tpu.memref_slice %arg4[%add3A_1957] : memref<16384xf32, #tpu.memory_space<hbm>> -> memref<128xf32, #tpu.memory_space<hbm>>
    %dma_start3A_1962 = tpu.memref_slice %arg10[%dma_start3A_1958] : memref<8x!tpu.dma_semaphore, #tpu.memory_space<semaphore_mem>> -> memref<1x!tpu.dma_semaphore, #tpu.memory_space<semaphore_mem>>
    %dma_start3A_1963 = tpu.memref_squeeze %dma_start3A_1962 : memref<1x!tpu.dma_semaphore, #tpu.memory_space<semaphore_mem>> -> memref<!tpu.dma_semaphore, #tpu.memory_space<semaphore_mem>>
    %dma_start3A_1964 = tpu.memref_slice %arg4[%add3A_1957] : memref<16384xf32, #tpu.memory_space<hbm>> -> memref<128xf32, #tpu.memory_space<hbm>>
    %dma_start3A_1965 = arith.constant 768 : i32
    %dma_start3A_1966 = tpu.memref_slice %arg7[%dma_start3A_1965] : memref<1024xf32, #tpu.memory_space<vmem>> -> memref<128xf32, #tpu.memory_space<vmem>>
    tpu.enqueue_dma source(%dma_start3A_1966 : memref<128xf32, #tpu.memory_space<vmem>>) target(%dma_start3A_1964 : memref<128xf32, #tpu.memory_space<hbm>>) target_semaphore(%dma_start3A_1963 : memref<!tpu.dma_semaphore, #tpu.memory_space<semaphore_mem>>)
    %dma_wait3A_1967 = arith.constant 7 : i32
    %dma_wait3A_1968 = arith.constant 896 : i32
    %dma_wait3A_1969 = tpu.memref_slice %arg7[%dma_wait3A_1968] : memref<1024xf32, #tpu.memory_space<vmem>> -> memref<128xf32, #tpu.memory_space<vmem>>
    %dma_wait3A_1970 = arith.constant 896 : i32
    %dma_wait3A_1971 = tpu.memref_slice %arg6[%dma_wait3A_1970] : memref<1024xi32, #tpu.memory_space<vmem>> -> memref<128xi32, #tpu.memory_space<vmem>>
    %dma_wait3A_1972 = arith.constant 0 : i32
    %dma_wait3A_1973 = tpu.memref_slice %arg3[%dma_wait3A_1972] : memref<1024000xf32, #tpu.memory_space<hbm>> -> memref<1024000xf32, #tpu.memory_space<hbm>>
    %dma_wait3A_1974 = tpu.memref_slice %arg9[%dma_wait3A_1967] : memref<8x!tpu.dma_semaphore, #tpu.memory_space<semaphore_mem>> -> memref<1x!tpu.dma_semaphore, #tpu.memory_space<semaphore_mem>>
    %dma_wait3A_1975 = tpu.memref_squeeze %dma_wait3A_1974 : memref<1x!tpu.dma_semaphore, #tpu.memory_space<semaphore_mem>> -> memref<!tpu.dma_semaphore, #tpu.memory_space<semaphore_mem>>
    tpu.wait_indirect_dma semaphore(%dma_wait3A_1975 : memref<!tpu.dma_semaphore, #tpu.memory_space<semaphore_mem>>) src(%dma_wait3A_1973 : memref<1024000xf32, #tpu.memory_space<hbm>>) dst(%dma_wait3A_1969 : memref<128xf32, #tpu.memory_space<vmem>>)
    %mul3A_1976 = arith.constant 1024 : i32
    %mul3A_1977 = arith.muli %add3A, %mul3A_1976 : i32
    %add3A_1978 = arith.constant 896 : i32
    %add3A_1979 = arith.addi %mul3A_1977, %add3A_1978 : i32
    %dma_start3A_1980 = arith.constant 7 : i32
    %dma_start3A_1981 = arith.constant 896 : i32
    %dma_start3A_1982 = tpu.memref_slice %arg7[%dma_start3A_1981] : memref<1024xf32, #tpu.memory_space<vmem>> -> memref<128xf32, #tpu.memory_space<vmem>>
    %dma_start3A_1983 = tpu.memref_slice %arg4[%add3A_1979] : memref<16384xf32, #tpu.memory_space<hbm>> -> memref<128xf32, #tpu.memory_space<hbm>>
    %dma_start3A_1984 = tpu.memref_slice %arg10[%dma_start3A_1980] : memref<8x!tpu.dma_semaphore, #tpu.memory_space<semaphore_mem>> -> memref<1x!tpu.dma_semaphore, #tpu.memory_space<semaphore_mem>>
    %dma_start3A_1985 = tpu.memref_squeeze %dma_start3A_1984 : memref<1x!tpu.dma_semaphore, #tpu.memory_space<semaphore_mem>> -> memref<!tpu.dma_semaphore, #tpu.memory_space<semaphore_mem>>
    %dma_start3A_1986 = tpu.memref_slice %arg4[%add3A_1979] : memref<16384xf32, #tpu.memory_space<hbm>> -> memref<128xf32, #tpu.memory_space<hbm>>
    %dma_start3A_1987 = arith.constant 896 : i32
    %dma_start3A_1988 = tpu.memref_slice %arg7[%dma_start3A_1987] : memref<1024xf32, #tpu.memory_space<vmem>> -> memref<128xf32, #tpu.memory_space<vmem>>
    tpu.enqueue_dma source(%dma_start3A_1988 : memref<128xf32, #tpu.memory_space<vmem>>) target(%dma_start3A_1986 : memref<128xf32, #tpu.memory_space<hbm>>) target_semaphore(%dma_start3A_1985 : memref<!tpu.dma_semaphore, #tpu.memory_space<semaphore_mem>>)
    %dma_wait3A_1989 = arith.constant 0 : i32
    %dma_wait3A_1990 = arith.constant 0 : i32
    %dma_wait3A_1991 = tpu.memref_slice %arg7[%dma_wait3A_1990] : memref<1024xf32, #tpu.memory_space<vmem>> -> memref<128xf32, #tpu.memory_space<vmem>>
    %dma_wait3A_1992 = tpu.memref_slice %arg4[%add3A_1825] : memref<16384xf32, #tpu.memory_space<hbm>> -> memref<128xf32, #tpu.memory_space<hbm>>
    %dma_wait3A_1993 = tpu.memref_slice %arg10[%dma_wait3A_1989] : memref<8x!tpu.dma_semaphore, #tpu.memory_space<semaphore_mem>> -> memref<1x!tpu.dma_semaphore, #tpu.memory_space<semaphore_mem>>
    %dma_wait3A_1994 = tpu.memref_squeeze %dma_wait3A_1993 : memref<1x!tpu.dma_semaphore, #tpu.memory_space<semaphore_mem>> -> memref<!tpu.dma_semaphore, #tpu.memory_space<semaphore_mem>>
    %dma_wait3A_1995 = tpu.memref_slice %arg4[%add3A_1825] : memref<16384xf32, #tpu.memory_space<hbm>> -> memref<128xf32, #tpu.memory_space<hbm>>
    %dma_wait3A_1996 = arith.constant 0 : i32
    %dma_wait3A_1997 = tpu.memref_slice %arg7[%dma_wait3A_1996] : memref<1024xf32, #tpu.memory_space<vmem>> -> memref<128xf32, #tpu.memory_space<vmem>>
    tpu.wait_dma2 semaphore(%dma_wait3A_1994 : memref<!tpu.dma_semaphore, #tpu.memory_space<semaphore_mem>>) src(%dma_wait3A_1997 : memref<128xf32, #tpu.memory_space<vmem>>) dst(%dma_wait3A_1995 : memref<128xf32, #tpu.memory_space<hbm>>)
    %dma_wait3A_1998 = arith.constant 1 : i32
    %dma_wait3A_1999 = arith.constant 128 : i32
    %dma_wait3A_2000 = tpu.memref_slice %arg7[%dma_wait3A_1999] : memref<1024xf32, #tpu.memory_space<vmem>> -> memref<128xf32, #tpu.memory_space<vmem>>
    %dma_wait3A_2001 = tpu.memref_slice %arg4[%add3A_1847] : memref<16384xf32, #tpu.memory_space<hbm>> -> memref<128xf32, #tpu.memory_space<hbm>>
    %dma_wait3A_2002 = tpu.memref_slice %arg10[%dma_wait3A_1998] : memref<8x!tpu.dma_semaphore, #tpu.memory_space<semaphore_mem>> -> memref<1x!tpu.dma_semaphore, #tpu.memory_space<semaphore_mem>>
    %dma_wait3A_2003 = tpu.memref_squeeze %dma_wait3A_2002 : memref<1x!tpu.dma_semaphore, #tpu.memory_space<semaphore_mem>> -> memref<!tpu.dma_semaphore, #tpu.memory_space<semaphore_mem>>
    %dma_wait3A_2004 = tpu.memref_slice %arg4[%add3A_1847] : memref<16384xf32, #tpu.memory_space<hbm>> -> memref<128xf32, #tpu.memory_space<hbm>>
    %dma_wait3A_2005 = arith.constant 128 : i32
    %dma_wait3A_2006 = tpu.memref_slice %arg7[%dma_wait3A_2005] : memref<1024xf32, #tpu.memory_space<vmem>> -> memref<128xf32, #tpu.memory_space<vmem>>
    tpu.wait_dma2 semaphore(%dma_wait3A_2003 : memref<!tpu.dma_semaphore, #tpu.memory_space<semaphore_mem>>) src(%dma_wait3A_2006 : memref<128xf32, #tpu.memory_space<vmem>>) dst(%dma_wait3A_2004 : memref<128xf32, #tpu.memory_space<hbm>>)
    %dma_wait3A_2007 = arith.constant 2 : i32
    %dma_wait3A_2008 = arith.constant 256 : i32
    %dma_wait3A_2009 = tpu.memref_slice %arg7[%dma_wait3A_2008] : memref<1024xf32, #tpu.memory_space<vmem>> -> memref<128xf32, #tpu.memory_space<vmem>>
    %dma_wait3A_2010 = tpu.memref_slice %arg4[%add3A_1869] : memref<16384xf32, #tpu.memory_space<hbm>> -> memref<128xf32, #tpu.memory_space<hbm>>
    %dma_wait3A_2011 = tpu.memref_slice %arg10[%dma_wait3A_2007] : memref<8x!tpu.dma_semaphore, #tpu.memory_space<semaphore_mem>> -> memref<1x!tpu.dma_semaphore, #tpu.memory_space<semaphore_mem>>
    %dma_wait3A_2012 = tpu.memref_squeeze %dma_wait3A_2011 : memref<1x!tpu.dma_semaphore, #tpu.memory_space<semaphore_mem>> -> memref<!tpu.dma_semaphore, #tpu.memory_space<semaphore_mem>>
    %dma_wait3A_2013 = tpu.memref_slice %arg4[%add3A_1869] : memref<16384xf32, #tpu.memory_space<hbm>> -> memref<128xf32, #tpu.memory_space<hbm>>
    %dma_wait3A_2014 = arith.constant 256 : i32
    %dma_wait3A_2015 = tpu.memref_slice %arg7[%dma_wait3A_2014] : memref<1024xf32, #tpu.memory_space<vmem>> -> memref<128xf32, #tpu.memory_space<vmem>>
    tpu.wait_dma2 semaphore(%dma_wait3A_2012 : memref<!tpu.dma_semaphore, #tpu.memory_space<semaphore_mem>>) src(%dma_wait3A_2015 : memref<128xf32, #tpu.memory_space<vmem>>) dst(%dma_wait3A_2013 : memref<128xf32, #tpu.memory_space<hbm>>)
    %dma_wait3A_2016 = arith.constant 3 : i32
    %dma_wait3A_2017 = arith.constant 384 : i32
    %dma_wait3A_2018 = tpu.memref_slice %arg7[%dma_wait3A_2017] : memref<1024xf32, #tpu.memory_space<vmem>> -> memref<128xf32, #tpu.memory_space<vmem>>
    %dma_wait3A_2019 = tpu.memref_slice %arg4[%add3A_1891] : memref<16384xf32, #tpu.memory_space<hbm>> -> memref<128xf32, #tpu.memory_space<hbm>>
    %dma_wait3A_2020 = tpu.memref_slice %arg10[%dma_wait3A_2016] : memref<8x!tpu.dma_semaphore, #tpu.memory_space<semaphore_mem>> -> memref<1x!tpu.dma_semaphore, #tpu.memory_space<semaphore_mem>>
    %dma_wait3A_2021 = tpu.memref_squeeze %dma_wait3A_2020 : memref<1x!tpu.dma_semaphore, #tpu.memory_space<semaphore_mem>> -> memref<!tpu.dma_semaphore, #tpu.memory_space<semaphore_mem>>
    %dma_wait3A_2022 = tpu.memref_slice %arg4[%add3A_1891] : memref<16384xf32, #tpu.memory_space<hbm>> -> memref<128xf32, #tpu.memory_space<hbm>>
    %dma_wait3A_2023 = arith.constant 384 : i32
    %dma_wait3A_2024 = tpu.memref_slice %arg7[%dma_wait3A_2023] : memref<1024xf32, #tpu.memory_space<vmem>> -> memref<128xf32, #tpu.memory_space<vmem>>
    tpu.wait_dma2 semaphore(%dma_wait3A_2021 : memref<!tpu.dma_semaphore, #tpu.memory_space<semaphore_mem>>) src(%dma_wait3A_2024 : memref<128xf32, #tpu.memory_space<vmem>>) dst(%dma_wait3A_2022 : memref<128xf32, #tpu.memory_space<hbm>>)
    %dma_wait3A_2025 = arith.constant 4 : i32
    %dma_wait3A_2026 = arith.constant 512 : i32
    %dma_wait3A_2027 = tpu.memref_slice %arg7[%dma_wait3A_2026] : memref<1024xf32, #tpu.memory_space<vmem>> -> memref<128xf32, #tpu.memory_space<vmem>>
    %dma_wait3A_2028 = tpu.memref_slice %arg4[%add3A_1913] : memref<16384xf32, #tpu.memory_space<hbm>> -> memref<128xf32, #tpu.memory_space<hbm>>
    %dma_wait3A_2029 = tpu.memref_slice %arg10[%dma_wait3A_2025] : memref<8x!tpu.dma_semaphore, #tpu.memory_space<semaphore_mem>> -> memref<1x!tpu.dma_semaphore, #tpu.memory_space<semaphore_mem>>
    %dma_wait3A_2030 = tpu.memref_squeeze %dma_wait3A_2029 : memref<1x!tpu.dma_semaphore, #tpu.memory_space<semaphore_mem>> -> memref<!tpu.dma_semaphore, #tpu.memory_space<semaphore_mem>>
    %dma_wait3A_2031 = tpu.memref_slice %arg4[%add3A_1913] : memref<16384xf32, #tpu.memory_space<hbm>> -> memref<128xf32, #tpu.memory_space<hbm>>
    %dma_wait3A_2032 = arith.constant 512 : i32
    %dma_wait3A_2033 = tpu.memref_slice %arg7[%dma_wait3A_2032] : memref<1024xf32, #tpu.memory_space<vmem>> -> memref<128xf32, #tpu.memory_space<vmem>>
    tpu.wait_dma2 semaphore(%dma_wait3A_2030 : memref<!tpu.dma_semaphore, #tpu.memory_space<semaphore_mem>>) src(%dma_wait3A_2033 : memref<128xf32, #tpu.memory_space<vmem>>) dst(%dma_wait3A_2031 : memref<128xf32, #tpu.memory_space<hbm>>)
    %dma_wait3A_2034 = arith.constant 5 : i32
    %dma_wait3A_2035 = arith.constant 640 : i32
    %dma_wait3A_2036 = tpu.memref_slice %arg7[%dma_wait3A_2035] : memref<1024xf32, #tpu.memory_space<vmem>> -> memref<128xf32, #tpu.memory_space<vmem>>
    %dma_wait3A_2037 = tpu.memref_slice %arg4[%add3A_1935] : memref<16384xf32, #tpu.memory_space<hbm>> -> memref<128xf32, #tpu.memory_space<hbm>>
    %dma_wait3A_2038 = tpu.memref_slice %arg10[%dma_wait3A_2034] : memref<8x!tpu.dma_semaphore, #tpu.memory_space<semaphore_mem>> -> memref<1x!tpu.dma_semaphore, #tpu.memory_space<semaphore_mem>>
    %dma_wait3A_2039 = tpu.memref_squeeze %dma_wait3A_2038 : memref<1x!tpu.dma_semaphore, #tpu.memory_space<semaphore_mem>> -> memref<!tpu.dma_semaphore, #tpu.memory_space<semaphore_mem>>
    %dma_wait3A_2040 = tpu.memref_slice %arg4[%add3A_1935] : memref<16384xf32, #tpu.memory_space<hbm>> -> memref<128xf32, #tpu.memory_space<hbm>>
    %dma_wait3A_2041 = arith.constant 640 : i32
    %dma_wait3A_2042 = tpu.memref_slice %arg7[%dma_wait3A_2041] : memref<1024xf32, #tpu.memory_space<vmem>> -> memref<128xf32, #tpu.memory_space<vmem>>
    tpu.wait_dma2 semaphore(%dma_wait3A_2039 : memref<!tpu.dma_semaphore, #tpu.memory_space<semaphore_mem>>) src(%dma_wait3A_2042 : memref<128xf32, #tpu.memory_space<vmem>>) dst(%dma_wait3A_2040 : memref<128xf32, #tpu.memory_space<hbm>>)
    %dma_wait3A_2043 = arith.constant 6 : i32
    %dma_wait3A_2044 = arith.constant 768 : i32
    %dma_wait3A_2045 = tpu.memref_slice %arg7[%dma_wait3A_2044] : memref<1024xf32, #tpu.memory_space<vmem>> -> memref<128xf32, #tpu.memory_space<vmem>>
    %dma_wait3A_2046 = tpu.memref_slice %arg4[%add3A_1957] : memref<16384xf32, #tpu.memory_space<hbm>> -> memref<128xf32, #tpu.memory_space<hbm>>
    %dma_wait3A_2047 = tpu.memref_slice %arg10[%dma_wait3A_2043] : memref<8x!tpu.dma_semaphore, #tpu.memory_space<semaphore_mem>> -> memref<1x!tpu.dma_semaphore, #tpu.memory_space<semaphore_mem>>
    %dma_wait3A_2048 = tpu.memref_squeeze %dma_wait3A_2047 : memref<1x!tpu.dma_semaphore, #tpu.memory_space<semaphore_mem>> -> memref<!tpu.dma_semaphore, #tpu.memory_space<semaphore_mem>>
    %dma_wait3A_2049 = tpu.memref_slice %arg4[%add3A_1957] : memref<16384xf32, #tpu.memory_space<hbm>> -> memref<128xf32, #tpu.memory_space<hbm>>
    %dma_wait3A_2050 = arith.constant 768 : i32
    %dma_wait3A_2051 = tpu.memref_slice %arg7[%dma_wait3A_2050] : memref<1024xf32, #tpu.memory_space<vmem>> -> memref<128xf32, #tpu.memory_space<vmem>>
    tpu.wait_dma2 semaphore(%dma_wait3A_2048 : memref<!tpu.dma_semaphore, #tpu.memory_space<semaphore_mem>>) src(%dma_wait3A_2051 : memref<128xf32, #tpu.memory_space<vmem>>) dst(%dma_wait3A_2049 : memref<128xf32, #tpu.memory_space<hbm>>)
    %dma_wait3A_2052 = arith.constant 7 : i32
    %dma_wait3A_2053 = arith.constant 896 : i32
    %dma_wait3A_2054 = tpu.memref_slice %arg7[%dma_wait3A_2053] : memref<1024xf32, #tpu.memory_space<vmem>> -> memref<128xf32, #tpu.memory_space<vmem>>
    %dma_wait3A_2055 = tpu.memref_slice %arg4[%add3A_1979] : memref<16384xf32, #tpu.memory_space<hbm>> -> memref<128xf32, #tpu.memory_space<hbm>>
    %dma_wait3A_2056 = tpu.memref_slice %arg10[%dma_wait3A_2052] : memref<8x!tpu.dma_semaphore, #tpu.memory_space<semaphore_mem>> -> memref<1x!tpu.dma_semaphore, #tpu.memory_space<semaphore_mem>>
    %dma_wait3A_2057 = tpu.memref_squeeze %dma_wait3A_2056 : memref<1x!tpu.dma_semaphore, #tpu.memory_space<semaphore_mem>> -> memref<!tpu.dma_semaphore, #tpu.memory_space<semaphore_mem>>
    %dma_wait3A_2058 = tpu.memref_slice %arg4[%add3A_1979] : memref<16384xf32, #tpu.memory_space<hbm>> -> memref<128xf32, #tpu.memory_space<hbm>>
    %dma_wait3A_2059 = arith.constant 896 : i32
    %dma_wait3A_2060 = tpu.memref_slice %arg7[%dma_wait3A_2059] : memref<1024xf32, #tpu.memory_space<vmem>> -> memref<128xf32, #tpu.memory_space<vmem>>
    tpu.wait_dma2 semaphore(%dma_wait3A_2057 : memref<!tpu.dma_semaphore, #tpu.memory_space<semaphore_mem>>) src(%dma_wait3A_2060 : memref<128xf32, #tpu.memory_space<vmem>>) dst(%dma_wait3A_2058 : memref<128xf32, #tpu.memory_space<hbm>>)
    return
  }
}

module attributes {stable_mosaic.version = 14 : i64} {
  func.func @_tc_lse_body(%arg0: memref<1000x1000xf32, #tpu.memory_space<vmem>>, %arg1: memref<1000x1xf32, #tpu.memory_space<vmem>>, %arg2: memref<1000x8x128xf32, #tpu.memory_space<vmem>>) attributes {dimension_semantics = [], scalar_prefetch = 0 : i64, scratch_operands = 0 : i64, tpu.core_type = #tpu.core_type<tc>} {
    %get3A = arith.constant 0 : index
    %get3A_0 = arith.constant 0 : index
    %get3A_1 = vector.load %arg0[%get3A, %get3A_0] : memref<1000x1000xf32, #tpu.memory_space<vmem>>, vector<1000x1000xf32>
    %reduce_max3A = arith.constant dense<0xFF800000> : vector<1000xf32>
    %reduce_max3A_2 = vector.multi_reduction <maximumf>, %get3A_1, %reduce_max3A [1] : vector<1000x1000xf32> to vector<1000xf32>
    %broadcast_in_dim3A = vector.shape_cast %reduce_max3A_2 : vector<1000xf32> to vector<1000x1xf32>
    %sub3A = vector.broadcast %broadcast_in_dim3A : vector<1000x1xf32> to vector<1000x1000xf32>
    %sub3A_3 = arith.subf %get3A_1, %sub3A : vector<1000x1000xf32>
    %exp3A = math.exp %sub3A_3 : vector<1000x1000xf32>
    %reduce_sum3A = arith.constant dense<0.000000e+00> : vector<1000xf32>
    %reduce_sum3A_4 = vector.multi_reduction <add>, %exp3A, %reduce_sum3A [1] : vector<1000x1000xf32> to vector<1000xf32>
    %broadcast_in_dim3A_5 = vector.shape_cast %reduce_sum3A_4 : vector<1000xf32> to vector<1000x1xf32>
    %log3A = math.log %broadcast_in_dim3A_5 : vector<1000x1xf32>
    %add3A = arith.addf %broadcast_in_dim3A, %log3A : vector<1000x1xf32>
    %get3A_6 = arith.constant 0 : index
    %get3A_7 = arith.constant 0 : index
    %get3A_8 = vector.load %arg1[%get3A_6, %get3A_7] : memref<1000x1xf32, #tpu.memory_space<vmem>>, vector<1000x1xf32>
    %reduce_max3A_9 = vector.shape_cast %get3A_8 : vector<1000x1xf32> to vector<1x1000x1xf32>
    %reduce_max3A_10 = arith.constant dense<0xFF800000> : vector<1xf32>
    %reduce_max3A_11 = vector.multi_reduction <maximumf>, %reduce_max3A_9, %reduce_max3A_10 [1, 2] : vector<1x1000x1xf32> to vector<1xf32>
    %reduce_max3A_12 = vector.shape_cast %reduce_max3A_11 : vector<1xf32> to vector<1x1x1xf32>
    %reduce_max3A_13 = vector.extract %reduce_max3A_12[0, 0, 0] : f32 from vector<1x1x1xf32>
    %sub3A_14 = vector.broadcast %reduce_max3A_13 : f32 to vector<1000x1xf32>
    %sub3A_15 = arith.subf %get3A_8, %sub3A_14 : vector<1000x1xf32>
    %exp3A_16 = math.exp %sub3A_15 : vector<1000x1xf32>
    %reduce_sum3A_17 = vector.shape_cast %exp3A_16 : vector<1000x1xf32> to vector<1x1000x1xf32>
    %reduce_sum3A_18 = arith.constant dense<0.000000e+00> : vector<1xf32>
    %reduce_sum3A_19 = vector.multi_reduction <add>, %reduce_sum3A_17, %reduce_sum3A_18 [1, 2] : vector<1x1000x1xf32> to vector<1xf32>
    %reduce_sum3A_20 = vector.shape_cast %reduce_sum3A_19 : vector<1xf32> to vector<1x1x1xf32>
    %reduce_sum3A_21 = vector.extract %reduce_sum3A_20[0, 0, 0] : f32 from vector<1x1x1xf32>
    %log3A_22 = math.log %reduce_sum3A_21 : f32
    %add3A_23 = arith.addf %reduce_max3A_13, %log3A_22 : f32
    %sub3A_24 = vector.broadcast %add3A_23 : f32 to vector<1000x1xf32>
    %sub3A_25 = arith.subf %get3A_8, %sub3A_24 : vector<1000x1xf32>
    %sub3A_26 = arith.subf %sub3A_25, %add3A : vector<1000x1xf32>
    %add3A_27 = vector.broadcast %sub3A_26 : vector<1000x1xf32> to vector<1000x1000xf32>
    %add3A_28 = arith.addf %get3A_1, %add3A_27 : vector<1000x1000xf32>
    %jit3A = arith.constant 0 : i32
    %convert_element_type3A = arith.sitofp %jit3A : i32 to f32
    %pad3A = vector.broadcast %convert_element_type3A : f32 to vector<1000x24xf32>
    %pad3A_29 = tpu.concatenate %add3A_28, %pad3A in 1 : vector<1000x1000xf32>, vector<1000x24xf32> -> vector<1000x1024xf32>
    %reshape3A = vector.shape_cast %pad3A_29 : vector<1000x1024xf32> to vector<1000x8x128xf32>
    %swap3A = arith.constant 0 : index
    %swap3A_30 = arith.constant 0 : index
    %swap3A_31 = arith.constant 0 : index
    %swap3A_32 = vector.load %arg2[%swap3A, %swap3A_30, %swap3A_31] : memref<1000x8x128xf32, #tpu.memory_space<vmem>>, vector<1000x8x128xf32>
    tpu.vector_store %arg2[%swap3A, %swap3A_30, %swap3A_31], %reshape3A {strides = array<i32>} : memref<1000x8x128xf32, #tpu.memory_space<vmem>>, vector<1000x8x128xf32>,
    return
  }
}

</mosaic_0001>

<sc_bundles>
// kernel: kernel.4.cloned.1.call-start
scs
__scs_entry_jumppad:
0x0: {  	(pc) =	sbr.rel $0x88, $3  }
0x1: {  	(tag) =	ssettag $0x0;
	lr =	simm.s32 $0x1  }
0x2: {  	[smem:$0x3F9E] =	sst lr;
	_ =	strace $0xD0000000  }
0x3: {  	_ = 	snop  }
0x4: {  	_ = 	snop  }
0x5: {  	_ = 	snop  }
0x6: {  	_ = 	snop  }
0x7: {  	_ = 	snop  }
__scs_overlays_trampoline_lowered:
0x8: {  	[smem:$0x3FAD] =	sst s0  }
0x9: {  	[smem:$0x3FAE] =	sst s1  }
0xa: {  	[smem:$0x3FAF] =	sst s2  }
0xb: {  	[smem:$0x3FB0] =	sst s3  }
0xc: {  	[smem:$0x3FB1] =	sst s4  }
0xd: {  	[smem:$0x3FB2] =	sst s5  }
0xe: {  	[smem:$0x3FB3] =	sst s6  }
0xf: {  	[smem:$0x3FB4] =	sst s7  }
0x10: {  	[smem:$0x3FB5] =	sst s8  }
0x11: {  	[smem:$0x3FB6] =	sst s9;
	s0 =	simm.s32 @!p0 $0x0  }
0x12: {  	s1 =	sld [smem:$0x3F9C];
	s0 =	simm.s32 @p0 $0x1  }
0x13: {  	[smem:$0x3FB7] =	sst s0;
	s0 =	simm.s32 @!p1 $0x0  }
0x14: {  	s2 =	sld [smem:$0x3F9B];
	s0 =	simm.s32 @p1 $0x1  }
0x15: {  	[smem:$0x3FB8] =	sst s0;
	s0 =	simm.s32 @!p2 $0x0  }
0x16: {  	s3 =	sld [smem:$0x3FDB];
	s0 =	simm.s32 @p2 $0x1  }
0x17: {  	s4 =	simm.s32 $0x1BF5;
	[smem:$0x3FBA] =	sst s0  }
0x18: {  	s0 =	sld [smem:$0x3F9D];
	_ =	swait.ge [sflag:s4], $0x0  }
0x19: {  	s7 =	sld [smem:$0x3F9E]  }
0x1a: {  	s8 =	sadd.s32 $0xFFFFE003, lr  }
0x1b: {  	s9 =	sadd.s32 $0xFFFFFEF7, lr;
	s5 =	simm.s32 $0xFFFFFFFF;
	p2 =	slt.u32 s8, $0xFFFFF086  }
0x1c: {  	p1 =	slt.u32 s9, $0xF7A;
	s5 =	simm.s32 @!p2 $0x0  }
0x1d: {  	s5 =	simm.s32 @p1 $0x1;
	p0 =	seq.s32 s7, s2  }
0x1e: {  	s7 =	smul.u32 @!p0 $0xF7A, s2;
	p2 =	seq.s32 @!p0 s5, $0x0  }
0x1f: {  	s9 =	smul.u32 $0xF7A, s1;
	s8 =	simm.s32 @!p0 $0x1BF5;
	p2 =	por !p2, p0  }
0x20: {  	[sflag:s8] =	ssyncset.s32 @!p0 $0xFFFFF086;
	s6 =	sadd.s32 @!p0 s3, s7;
	s7 =	simm.s32 @!p0 $0x108  }
0x21: {  	s3 =	sadd.s32 s3, s9;
	s6 =	sadd.s32 @!p0 $0x88, s6;
	s7 =	simm.s32 @p2 $0x1082  }
0x22: {  	[simem:s7], [sflag:s8] =	dma.local @!p0 [hbm:s6], $0xF7A  }
0x23: {  	s9 =	sor.u32 $0xD0000000, s2;
	s6 =	simm.s32 $0x108;
	_ =	swait.ge @!p0 [sflag:s8], $0x0  }
0x24: {  	s3 =	sadd.s32 $0x88, s3;
	s6 =	simm.s32 @!p1 $0x1082;
	[sflag:s4] =	ssyncset.s32 $0xFFFFF086  }
0x25: {  	[simem:s6], [sflag:s4] =	dma.local [hbm:s3], $0xF7A  }
0x26: {  	[smem:$0x3F9E] =	sst s1;
	(tag) =	ssettag s2;
	_ =	strace s9  }
0x27: {  	s1 =	sld [smem:$0x3FAE]  }
0x28: {  	s2 =	sld [smem:$0x3FAF]  }
0x29: {  	s4 =	sld [smem:$0x3FB1]  }
0x2a: {  	p0 =	seq.s32 s5, $0x0;
	s5 =	sld [smem:$0x3FB2]  }
0x2b: {  	s6 =	sld [smem:$0x3FB3]  }
0x2c: {  	s7 =	sld [smem:$0x3FB4]  }
0x2d: {  	s3 =	simm.s32 $0x108;
	s8 =	sld [smem:$0x3FB5]  }
0x2e: {  	s3 =	simm.s32 @!p0 $0x1082;
	s9 =	sld [smem:$0x3FB6]  }
0x2f: {  	lr =	sadd.s32 s0, s3;
	s0 =	sld [smem:$0x3FAD]  }
0x30: {  	s3 =	sld [smem:$0x3FB0]  }
0x31: {  	[smem:$0x3FB9] =	sst s10  }
0x32: {  	s10 =	sld [smem:$0x3FB7];
	_ =	sdelay $0x3  }
0x33: {  	p0 =	seq.s32 s10, $0x1;
	s10 =	sld [smem:$0x3FB9];
	_ =	sdelay $0x3  }
0x34: {  	[smem:$0x3FB9] =	sst s10  }
0x35: {  	s10 =	sld [smem:$0x3FB8];
	_ =	sdelay $0x3  }
0x36: {  	p1 =	seq.s32 s10, $0x1;
	s10 =	sld [smem:$0x3FB9];
	_ =	sdelay $0x3  }
0x37: {  	[smem:$0x3FB9] =	sst s10  }
0x38: {  	s10 =	sld [smem:$0x3FBA]  }
0x39: {  	_ = 	snop;
	(pc) =	sbr.ind lr, $3  }
0x3a: {  	_ = 	snop  }
0x3b: {  	_ = 	snop  }
0x3c: {  	p2 =	seq.s32 s10, $0x1;
	s10 =	sld [smem:$0x3FB9]  }
0x3d: {  	_ =	shalt  }
0x3e: {  	_ =	shalt  }
0x3f: {  	_ =	shalt  }
0x40: {  	_ =	shalt  }
0x41: {  	_ =	shalt  }
0x42: {  	_ =	shalt  }
0x43: {  	_ =	shalt  }
0x44: {  	_ =	shalt  }
0x45: {  	_ =	shalt  }
0x46: {  	_ =	shalt  }
0x47: {  	_ =	shalt  }
0x48: {  	_ =	shalt  }
0x49: {  	_ =	shalt  }
0x4a: {  	_ =	shalt  }
0x4b: {  	_ =	shalt  }
0x4c: {  	_ =	shalt  }
0x4d: {  	_ =	shalt  }
0x4e: {  	_ =	shalt  }
0x4f: {  	_ =	shalt  }
0x50: {  	_ =	shalt  }
0x51: {  	_ =	shalt  }
0x52: {  	_ =	shalt  }
0x53: {  	_ =	shalt  }
0x54: {  	_ =	shalt  }
0x55: {  	_ =	shalt  }
0x56: {  	_ =	shalt  }
0x57: {  	_ =	shalt  }
0x58: {  	_ =	shalt  }
0x59: {  	_ =	shalt  }
0x5a: {  	_ =	shalt  }
0x5b: {  	_ =	shalt  }
0x5c: {  	_ =	shalt  }
0x5d: {  	_ =	shalt  }
0x5e: {  	_ =	shalt  }
0x5f: {  	_ =	shalt  }
0x60: {  	_ =	shalt  }
0x61: {  	_ =	shalt  }
0x62: {  	_ =	shalt  }
0x63: {  	_ =	shalt  }
0x64: {  	_ =	shalt  }
0x65: {  	_ =	shalt  }
0x66: {  	_ =	shalt  }
0x67: {  	_ =	shalt  }
0x68: {  	_ =	shalt  }
0x69: {  	_ =	shalt  }
0x6a: {  	_ =	shalt  }
0x6b: {  	_ =	shalt  }
0x6c: {  	_ =	shalt  }
0x6d: {  	_ =	shalt  }
0x6e: {  	_ =	shalt  }
0x6f: {  	_ =	shalt  }
0x70: {  	_ =	shalt  }
0x71: {  	_ =	shalt  }
0x72: {  	_ =	shalt  }
0x73: {  	_ =	shalt  }
0x74: {  	_ =	shalt  }
0x75: {  	_ =	shalt  }
0x76: {  	_ =	shalt  }
0x77: {  	_ =	shalt  }
0x78: {  	_ =	shalt  }
0x79: {  	_ =	shalt  }
0x7a: {  	_ =	shalt  }
0x7b: {  	_ =	shalt  }
0x7c: {  	_ =	shalt  }
0x7d: {  	_ =	shalt  }
0x7e: {  	_ =	shalt  }
0x7f: {  	_ =	shalt  }
0x80: {  	_ =	shalt  }
0x81: {  	_ =	shalt  }
0x82: {  	_ =	shalt  }
0x83: {  	_ =	shalt  }
0x84: {  	_ =	shalt  }
0x85: {  	_ =	shalt  }
0x86: {  	_ =	shalt  }
0x87: {  	_ =	shalt  }
.Lfunc_end0:
.L_simem_size_0:
called_computation_lowered:
.L_overlay_start_0:
0x88: {  	s0 =	sld [smem:$0x3FD9]  }
0x89: {  	s1 =	sld [smem:$0x3FFE];
	_ =	sdelay $0x3  }
0x8a: {  	s0 =	sadd.s32 s1, s0  }
0x8b: {  	[smem:$0x3FC5] =	sst s0  }
0x8c: {  	_ = 	snop  }
0x8d: {  	s0 =	sld [smem:$0x3FD0];
	(tm) =	ssettm $0x1  }
0x8e: {  	s16 =	sld [smem:$0x3FFB];
	_ =	sdelay $0x3  }
0x8f: {  	_ =	strace s16  }
0x90: {  	s1 =	sld [smem:$0x3FFC];
	_ =	sdelay $0x3  }
0x91: {  	_ =	strace s1  }
0x92: {  	s1 =	sld [smem:$0x3FFD];
	_ =	sdelay $0x3  }
0x93: {  	_ =	strace s1  }
0x94: {  	_ =	strace $0x8FFFFFFF  }
0x95: {  	s17 =	sld [smem:$0x3FDB];
	_ =	sdelay $0x1  }
0x96: {  	s2 =	simm.s32 $_scs_section_size  }
0x97: {  	s3 =	simm.s32 $_size__tile_overlayer_lowered;
	s4 =	simm.s32 $_tile_overlayer_lowered  }
0x98: {  	s20 =	simm.s32 $0x1BFF;
	s19 =	sshll.u32 s4, $0x1;
	s1 =	sadd.s32 s2, s17  }
0x99: {  	s5 =	simm.s32 $0x0;
	s18 =	sshll.u32 s3, $0x1;
	s3 =	sadd.s32 s19, s1  }
0x9a: {  	[timem:s5], [sflag:s20] =	dma.local [hbm:s3], s18  }
0x9b: {  	_ =	swait.ge [sflag:s20], s18  }
0x9c: {  	s2 =	ssub.s32 $0x0, s18;
	[sflag:s20] =	ssyncset.done $0x0  }
0x9d: {  	[sflag:s20] =	ssyncadd.s32 s2;
	_ =	sdelay $0x1  }
0x9e: {  	s21 =	simm.s32 $0x1B8B  }
0x9f: {  	_ =	swait.ge [sflag:s21], $0x1  }
0xa0: {  	[sflag:s21] =	ssyncset.done $0x0  }
0xa1: {  	s23 =	simm.s32 $0x1B8E;
	s22 =	sld [smem:$0x3FFE];
	[sflag:s21] =	ssyncadd.s32 $0xFFFFFFFF  }
0xa2: {  	s24 =	simm.s32 $execute0_lowered;
	[smem:$0x3FD2] =	sst s23  }
0xa3: {  	s3 =	sshll.u32 s24, $0x1;
	_ =	strace $0x80000046;
	[dreg:$0x1] =	wrdreg $0xFFFFFFFF  }
0xa4: {  	s25 =	simm.s32 $_size_execute0_lowered;
	s1 =	sadd.s32 s1, s3;
	[dreg:$0x0] =	wrdreg $0x0  }
0xa5: {  	s3 =	sshll.u32 s25, $0x1;
	[dreg:$0x2] =	wrdreg s1  }
0xa6: {  	[dreg:$0x3] =	wrdreg s3  }
0xa7: {  	[dreg:$0x4] =	wrdreg $0xC0  }
0xa8: {  	_ =	task [dreg:s5], $0x5FFFF  }
0xa9: {  	[dreg:$0x1] =	wrdreg $0xFFFFFFFF  }
0xaa: {  	[dreg:$0x0] =	wrdreg $0x60  }
0xab: {  	[dreg:$0x2] =	wrdreg s22  }
0xac: {  	[dreg:$0x3] =	wrdreg s0  }
0xad: {  	[dreg:$0x4] =	wrdreg $0x9  }
0xae: {  	_ =	task.clear_ibuf [dreg:s5], $0x5FFFF;
	_ =	strace $0x90000046  }
0xaf: {  	s26 =	simm.s32 $0x9;
	_ =	strace $0x80000048  }
0xb0: {  	_ =	swait.ge [sflag:s26], $0x1  }
0xb1: {  	[sflag:s26] =	ssyncadd.s32 $0xFFFFFFFF  }
0xb2: {  	_ =	strace $0x90000048  }
0xb3: {  	_ =	sfence  }
0xb4: {  	s28 =	sld [smem:$0x0];
	_ =	sdelay $0x1  }
0xb5: {  	s29 =	srdreg.scid  }
0xb6: {  	s30 =	sshll.u32 s29, $0xD;
	s31 =	sshrl.u32 s29, $0x2  }
0xb7: {  	s2 =	sand.u32 $0x4000, s30;
	s1 =	sand.u32 $0x1, s29;
	s0 =	sadd.s32 s31, s28  }
0xb8: {  	s1 =	sor.u32 s2, s1;
	s0 =	sshll.u32 s0, $0x11  }
0xb9: {  	s0 =	sor.u32 s0, s1  }
0xba: {  	s0 =	sadd.s32 $0x8F2B, s0  }
0xbb: {  	[sflag:s0] =	ssyncadd.remote.s32 $0x1  }
0xbc: {  	_ =	sfence.sel $0xFFFF  }
0xbd: {  	[dreg:$0x0] =	wrdreg $0xFFFFFFFF;
	(pc) =	sbr.abs _section_cstart, $3  }
0xbe: {  	[dreg:$0x1] =	wrdreg $0xFFFFFFFF  }
0xbf: {  	_ =	task.clear_ibuf [dreg:s5], $0x2FFFF;
	_ =	strace $0x9FFFFFFF  }
0xc0: {  	(tm) =	ssettm $0x7FFFFFFF  }
0xc1: {  	_ =	shalt  }
tec
execute0_lowered:
.L_overlay_start_1:
0x0: {  	(tag) =	ssettag $0x1  }
0x1: {  	s4 =	rddreg [dreg:$0x0];
	s1 =	stileid.u32  }
0x2: {  	s3 =	rddreg [dreg:$0x1];
	s2 =	simm.s32 $0x0;
	s5 =	sshll.u32 s1, $0x8  }
0x3: {  	[smem:$0x7FF] =	sst s2;
	s5 =	sadd.s32 s5, s4  }
0x4: {  	s0 =	rddreg [dreg:$0x2];
	_ =	strace $0x80000047;
	s6 =	sadd.s32 $0xA00, s5  }
0x5: {  	[tilespmem:s2], [sflag:$0x1] =	stream.linear.gather [hbm4b:s6+s2], $0x100, $0x38;
	[tilespmem:$0x1000] =	vst v63  }
0x6: {  	s7 =	simm.s32 $0x100;
	s14 =	sadd.s32 $0xA20, s5  }
0x7: {  	[tilespmem:s7], [sflag:$0x2] =	stream.linear.gather [hbm4b:s14+s2], $0x100, $0x38;
	[tilespmem:$0x1000] =	vst v63  }
0x8: {  	s16 =	simm.s32 $0x200;
	s15 =	sadd.s32 $0xA40, s5  }
0x9: {  	[tilespmem:s16], [sflag:$0x3] =	stream.linear.gather [hbm4b:s15+s2], $0x100, $0x38;
	[tilespmem:$0x1000] =	vst v63  }
0xa: {  	s18 =	simm.s32 $0x300;
	s17 =	sadd.s32 $0xA60, s5  }
0xb: {  	[tilespmem:s18], [sflag:$0x4] =	stream.linear.gather [hbm4b:s17+s2], $0x100, $0x38;
	[tilespmem:$0x1000] =	vst v63  }
0xc: {  	s20 =	simm.s32 $0x400;
	s19 =	sadd.s32 $0xA80, s5  }
0xd: {  	[tilespmem:s20], [sflag:$0x5] =	stream.linear.gather [hbm4b:s19+s2], $0x100, $0x38;
	[tilespmem:$0x1000] =	vst v63  }
0xe: {  	s22 =	simm.s32 $0x500;
	s21 =	sadd.s32 $0xAA0, s5  }
0xf: {  	[tilespmem:s22], [sflag:$0x6] =	stream.linear.gather [hbm4b:s21+s2], $0x100, $0x38;
	[tilespmem:$0x1000] =	vst v63  }
0x10: {  	s24 =	simm.s32 $0x600;
	s23 =	sadd.s32 $0xAC0, s5  }
0x11: {  	[tilespmem:s24], [sflag:$0x7] =	stream.linear.gather [hbm4b:s23+s2], $0x100, $0x38;
	[tilespmem:$0x1000] =	vst v63  }
0x12: {  	s25 =	simm.s32 $0x700;
	s26 =	simm.s32 $0x1;
	s5 =	sadd.s32 $0xAE0, s5  }
0x13: {  	[tilespmem:s25], [sflag:$0x8] =	stream.linear.gather [hbm4b:s5+s2], $0x100, $0x38;
	[tilespmem:$0x1000] =	vst v63  }
0x14: {  	_ =	swait.ge [sflag:s26], $0x100  }
0x15: {  	[sflag:s26] =	ssyncset.done $0x0  }
0x16: {  	[sflag:s26] =	ssyncadd.s32 $0xFFFFFF00  }
0x17: {  	v0 =	vld [tilespmem:$0x0]  }
0x18: {  	v1 =	vld [tilespmem:$0x80]  }
0x19: {  	v2 =	vld [tilespmem:$0x10]  }
0x1a: {  	v3 =	vld [tilespmem:$0x90]  }
0x1b: {  	v4 =	vld [tilespmem:$0x20]  }
0x1c: {  	v5 =	vld [tilespmem:$0xA0]  }
0x1d: {  	v6 =	vld [tilespmem:$0x30]  }
0x1e: {  	v7 =	vld [tilespmem:$0xB0]  }
0x1f: {  	v8 =	vld [tilespmem:$0x40]  }
0x20: {  	v9 =	vld [tilespmem:$0xC0]  }
0x21: {  	v10 =	vld [tilespmem:$0x50]  }
0x22: {  	v11 =	vld [tilespmem:$0xD0]  }
0x23: {  	v12 =	vld [tilespmem:$0x60];
	v0 =	vshll.u32 v0, $0xA  }
0x24: {  	v35 =	vld [tilespmem:$0xE0];
	v34 =	vshll.u32 v2, $0xA;
	v0 =	vadd.s32 v1, v0  }
0x25: {  	v38 =	vld [tilespmem:$0x70];
	v37 =	vshll.u32 v4, $0xA;
	v36 =	vadd.s32 v3, v34;
	[tilespmem:$0x800] =	vst v0  }
0x26: {  	v41 =	vld [tilespmem:$0xF0];
	v40 =	vshll.u32 v6, $0xA;
	v39 =	vadd.s32 v5, v37;
	[tilespmem:$0x810] =	vst v36  }
0x27: {  	v43 =	vshll.u32 v8, $0xA;
	v42 =	vadd.s32 v7, v40;
	[tilespmem:$0x820] =	vst v39  }
0x28: {  	v45 =	vshll.u32 v10, $0xA;
	v44 =	vadd.s32 v9, v43;
	[tilespmem:$0x830] =	vst v42  }
0x29: {  	v47 =	vshll.u32 v12, $0xA;
	v46 =	vadd.s32 v11, v45;
	[tilespmem:$0x840] =	vst v44  }
0x2a: {  	v49 =	vshll.u32 v38, $0xA;
	v48 =	vadd.s32 v35, v47;
	[tilespmem:$0x850] =	vst v46  }
0x2b: {  	s29 =	simm.s32 $0x80;
	s30 =	simm.s32 $0x800;
	v50 =	vadd.s32 v41, v49;
	[tilespmem:$0x860] =	vst v48  }
0x2c: {  	s31 =	simm.s32 $0xC00;
	s28 =	sadd.s32 $0x1A00, s4;
	s14 =	simm.s32 $0x2;
	[tilespmem:$0x870] =	vst v50  }
0x2d: {  	[tilespmem:s31], [sflag:$0x9] =	stream.indirect.gather [hbm4b:s28+s29], $0x1, s30, s29, $0xb8;
	[tilespmem:$0x1000] =	vst v63  }
0x2e: {  	_ =	swait.ge [sflag:s14], $0x100  }
0x2f: {  	[sflag:s14] =	ssyncset.done $0x0  }
0x30: {  	[sflag:s14] =	ssyncadd.s32 $0xFFFFFF00  }
0x31: {  	v51 =	vld [tilespmem:$0x100]  }
0x32: {  	v52 =	vld [tilespmem:$0x180]  }
0x33: {  	v53 =	vld [tilespmem:$0x110]  }
0x34: {  	v54 =	vld [tilespmem:$0x190]  }
0x35: {  	v55 =	vld [tilespmem:$0x120]  }
0x36: {  	v56 =	vld [tilespmem:$0x1A0]  }
0x37: {  	v57 =	vld [tilespmem:$0x130]  }
0x38: {  	v58 =	vld [tilespmem:$0x1B0]  }
0x39: {  	v59 =	vld [tilespmem:$0x140]  }
0x3a: {  	v60 =	vld [tilespmem:$0x1C0]  }
0x3b: {  	v61 =	vld [tilespmem:$0x150]  }
0x3c: {  	v62 =	vld [tilespmem:$0x1D0]  }
0x3d: {  	v63 =	vld [tilespmem:$0x160];
	v0 =	vshll.u32 v51, $0xA  }
0x3e: {  	v15 =	vld [tilespmem:$0x1E0];
	v14 =	vshll.u32 v53, $0xA;
	v0 =	vadd.s32 v52, v0  }
0x3f: {  	v18 =	vld [tilespmem:$0x170];
	v17 =	vshll.u32 v55, $0xA;
	v16 =	vadd.s32 v54, v14;
	[tilespmem:$0x880] =	vst v0  }
0x40: {  	v21 =	vld [tilespmem:$0x1F0];
	v20 =	vshll.u32 v57, $0xA;
	v19 =	vadd.s32 v56, v17;
	[tilespmem:$0x890] =	vst v16  }
0x41: {  	v23 =	vshll.u32 v59, $0xA;
	v22 =	vadd.s32 v58, v20;
	[tilespmem:$0x8A0] =	vst v19  }
0x42: {  	v25 =	vshll.u32 v61, $0xA;
	v24 =	vadd.s32 v60, v23;
	[tilespmem:$0x8B0] =	vst v22  }
0x43: {  	v27 =	vshll.u32 v63, $0xA;
	v26 =	vadd.s32 v62, v25;
	[tilespmem:$0x8C0] =	vst v24  }
0x44: {  	v29 =	vshll.u32 v18, $0xA;
	v28 =	vadd.s32 v15, v27;
	[tilespmem:$0x8D0] =	vst v26  }
0x45: {  	v30 =	vadd.s32 v21, v29;
	[tilespmem:$0x8E0] =	vst v28  }
0x46: {  	s8 =	simm.s32 $0x880;
	s7 =	simm.s32 $0xC80;
	s15 =	simm.s32 $0x3;
	[tilespmem:$0x8F0] =	vst v30  }
0x47: {  	[tilespmem:s7], [sflag:$0xA] =	stream.indirect.gather [hbm4b:s28+s29], $0x1, s8, s29, $0xb8;
	[tilespmem:$0x1000] =	vst v63  }
0x48: {  	_ =	swait.ge [sflag:s15], $0x100  }
0x49: {  	[sflag:s15] =	ssyncset.done $0x0  }
0x4a: {  	[sflag:s15] =	ssyncadd.s32 $0xFFFFFF00  }
0x4b: {  	v31 =	vld [tilespmem:$0x200]  }
0x4c: {  	v32 =	vld [tilespmem:$0x280]  }
0x4d: {  	v33 =	vld [tilespmem:$0x210]  }
0x4e: {  	v34 =	vld [tilespmem:$0x290]  }
0x4f: {  	v35 =	vld [tilespmem:$0x220]  }
0x50: {  	v36 =	vld [tilespmem:$0x2A0]  }
0x51: {  	v37 =	vld [tilespmem:$0x230]  }
0x52: {  	v38 =	vld [tilespmem:$0x2B0]  }
0x53: {  	v39 =	vld [tilespmem:$0x240]  }
0x54: {  	v40 =	vld [tilespmem:$0x2C0]  }
0x55: {  	v41 =	vld [tilespmem:$0x250]  }
0x56: {  	v42 =	vld [tilespmem:$0x2D0]  }
0x57: {  	v43 =	vld [tilespmem:$0x260];
	v0 =	vshll.u32 v31, $0xA  }
0x58: {  	v45 =	vld [tilespmem:$0x2E0];
	v44 =	vshll.u32 v33, $0xA;
	v0 =	vadd.s32 v32, v0  }
0x59: {  	v48 =	vld [tilespmem:$0x270];
	v47 =	vshll.u32 v35, $0xA;
	v46 =	vadd.s32 v34, v44;
	[tilespmem:$0x900] =	vst v0  }
0x5a: {  	v51 =	vld [tilespmem:$0x2F0];
	v50 =	vshll.u32 v37, $0xA;
	v49 =	vadd.s32 v36, v47;
	[tilespmem:$0x910] =	vst v46  }
0x5b: {  	v53 =	vshll.u32 v39, $0xA;
	v52 =	vadd.s32 v38, v50;
	[tilespmem:$0x920] =	vst v49  }
0x5c: {  	v55 =	vshll.u32 v41, $0xA;
	v54 =	vadd.s32 v40, v53;
	[tilespmem:$0x930] =	vst v52  }
0x5d: {  	v57 =	vshll.u32 v43, $0xA;
	v56 =	vadd.s32 v42, v55;
	[tilespmem:$0x940] =	vst v54  }
0x5e: {  	v59 =	vshll.u32 v48, $0xA;
	v58 =	vadd.s32 v45, v57;
	[tilespmem:$0x950] =	vst v56  }
0x5f: {  	v60 =	vadd.s32 v51, v59;
	[tilespmem:$0x960] =	vst v58  }
0x60: {  	s9 =	simm.s32 $0x900;
	s16 =	simm.s32 $0xD00;
	s17 =	simm.s32 $0x4;
	[tilespmem:$0x970] =	vst v60  }
0x61: {  	[tilespmem:s16], [sflag:$0xB] =	stream.indirect.gather [hbm4b:s28+s29], $0x1, s9, s29, $0xb8;
	[tilespmem:$0x1000] =	vst v63  }
0x62: {  	_ =	swait.ge [sflag:s17], $0x100  }
0x63: {  	[sflag:s17] =	ssyncset.done $0x0  }
0x64: {  	[sflag:s17] =	ssyncadd.s32 $0xFFFFFF00  }
0x65: {  	v61 =	vld [tilespmem:$0x300]  }
0x66: {  	v62 =	vld [tilespmem:$0x380]  }
0x67: {  	v63 =	vld [tilespmem:$0x310]  }
0x68: {  	v16 =	vld [tilespmem:$0x390]  }
0x69: {  	v17 =	vld [tilespmem:$0x320]  }
0x6a: {  	v18 =	vld [tilespmem:$0x3A0]  }
0x6b: {  	v19 =	vld [tilespmem:$0x330]  }
0x6c: {  	v20 =	vld [tilespmem:$0x3B0]  }
0x6d: {  	v21 =	vld [tilespmem:$0x340]  }
0x6e: {  	v22 =	vld [tilespmem:$0x3C0]  }
0x6f: {  	v23 =	vld [tilespmem:$0x350]  }
0x70: {  	v24 =	vld [tilespmem:$0x3D0]  }
0x71: {  	v25 =	vld [tilespmem:$0x360];
	v0 =	vshll.u32 v61, $0xA  }
0x72: {  	v27 =	vld [tilespmem:$0x3E0];
	v26 =	vshll.u32 v63, $0xA;
	v0 =	vadd.s32 v62, v0  }
0x73: {  	v30 =	vld [tilespmem:$0x370];
	v29 =	vshll.u32 v17, $0xA;
	v28 =	vadd.s32 v16, v26;
	[tilespmem:$0x980] =	vst v0  }
0x74: {  	v33 =	vld [tilespmem:$0x3F0];
	v32 =	vshll.u32 v19, $0xA;
	v31 =	vadd.s32 v18, v29;
	[tilespmem:$0x990] =	vst v28  }
0x75: {  	v35 =	vshll.u32 v21, $0xA;
	v34 =	vadd.s32 v20, v32;
	[tilespmem:$0x9A0] =	vst v31  }
0x76: {  	v37 =	vshll.u32 v23, $0xA;
	v36 =	vadd.s32 v22, v35;
	[tilespmem:$0x9B0] =	vst v34  }
0x77: {  	v39 =	vshll.u32 v25, $0xA;
	v38 =	vadd.s32 v24, v37;
	[tilespmem:$0x9C0] =	vst v36  }
0x78: {  	v41 =	vshll.u32 v30, $0xA;
	v40 =	vadd.s32 v27, v39;
	[tilespmem:$0x9D0] =	vst v38  }
0x79: {  	v42 =	vadd.s32 v33, v41;
	[tilespmem:$0x9E0] =	vst v40  }
0x7a: {  	s10 =	simm.s32 $0x980;
	s18 =	simm.s32 $0xD80;
	s19 =	simm.s32 $0x5;
	[tilespmem:$0x9F0] =	vst v42  }
0x7b: {  	[tilespmem:s18], [sflag:$0xC] =	stream.indirect.gather [hbm4b:s28+s29], $0x1, s10, s29, $0xb8;
	[tilespmem:$0x1000] =	vst v63  }
0x7c: {  	_ =	swait.ge [sflag:s19], $0x100  }
0x7d: {  	[sflag:s19] =	ssyncset.done $0x0  }
0x7e: {  	[sflag:s19] =	ssyncadd.s32 $0xFFFFFF00  }
0x7f: {  	v43 =	vld [tilespmem:$0x400]  }
0x80: {  	v44 =	vld [tilespmem:$0x480]  }
0x81: {  	v45 =	vld [tilespmem:$0x410]  }
0x82: {  	v46 =	vld [tilespmem:$0x490]  }
0x83: {  	v47 =	vld [tilespmem:$0x420]  }
0x84: {  	v48 =	vld [tilespmem:$0x4A0]  }
0x85: {  	v49 =	vld [tilespmem:$0x430]  }
0x86: {  	v50 =	vld [tilespmem:$0x4B0]  }
0x87: {  	v51 =	vld [tilespmem:$0x440]  }
0x88: {  	v52 =	vld [tilespmem:$0x4C0]  }
0x89: {  	v53 =	vld [tilespmem:$0x450]  }
0x8a: {  	v54 =	vld [tilespmem:$0x4D0]  }
0x8b: {  	v55 =	vld [tilespmem:$0x460];
	v0 =	vshll.u32 v43, $0xA  }
0x8c: {  	v57 =	vld [tilespmem:$0x4E0];
	v56 =	vshll.u32 v45, $0xA;
	v0 =	vadd.s32 v44, v0  }
0x8d: {  	v60 =	vld [tilespmem:$0x470];
	v59 =	vshll.u32 v47, $0xA;
	v58 =	vadd.s32 v46, v56;
	[tilespmem:$0xA00] =	vst v0  }
0x8e: {  	v63 =	vld [tilespmem:$0x4F0];
	v62 =	vshll.u32 v49, $0xA;
	v61 =	vadd.s32 v48, v59;
	[tilespmem:$0xA10] =	vst v58  }
0x8f: {  	v14 =	vshll.u32 v51, $0xA;
	v13 =	vadd.s32 v50, v62;
	[tilespmem:$0xA20] =	vst v61  }
0x90: {  	v16 =	vshll.u32 v53, $0xA;
	v15 =	vadd.s32 v52, v14;
	[tilespmem:$0xA30] =	vst v13  }
0x91: {  	v18 =	vshll.u32 v55, $0xA;
	v17 =	vadd.s32 v54, v16;
	[tilespmem:$0xA40] =	vst v15  }
0x92: {  	v20 =	vshll.u32 v60, $0xA;
	v19 =	vadd.s32 v57, v18;
	[tilespmem:$0xA50] =	vst v17  }
0x93: {  	v21 =	vadd.s32 v63, v20;
	[tilespmem:$0xA60] =	vst v19  }
0x94: {  	s11 =	simm.s32 $0xA00;
	s20 =	simm.s32 $0xE00;
	s21 =	simm.s32 $0x6;
	[tilespmem:$0xA70] =	vst v21  }
0x95: {  	[tilespmem:s20], [sflag:$0xD] =	stream.indirect.gather [hbm4b:s28+s29], $0x1, s11, s29, $0xb8;
	[tilespmem:$0x1000] =	vst v63  }
0x96: {  	_ =	swait.ge [sflag:s21], $0x100  }
0x97: {  	[sflag:s21] =	ssyncset.done $0x0  }
0x98: {  	[sflag:s21] =	ssyncadd.s32 $0xFFFFFF00  }
0x99: {  	v22 =	vld [tilespmem:$0x500]  }
0x9a: {  	v23 =	vld [tilespmem:$0x580]  }
0x9b: {  	v24 =	vld [tilespmem:$0x510]  }
0x9c: {  	v25 =	vld [tilespmem:$0x590]  }
0x9d: {  	v26 =	vld [tilespmem:$0x520]  }
0x9e: {  	v27 =	vld [tilespmem:$0x5A0]  }
0x9f: {  	v28 =	vld [tilespmem:$0x530]  }
0xa0: {  	v29 =	vld [tilespmem:$0x5B0]  }
0xa1: {  	v30 =	vld [tilespmem:$0x540]  }
0xa2: {  	v31 =	vld [tilespmem:$0x5C0]  }
0xa3: {  	v32 =	vld [tilespmem:$0x550]  }
0xa4: {  	v33 =	vld [tilespmem:$0x5D0]  }
0xa5: {  	v34 =	vld [tilespmem:$0x560];
	v0 =	vshll.u32 v22, $0xA  }
0xa6: {  	v36 =	vld [tilespmem:$0x5E0];
	v35 =	vshll.u32 v24, $0xA;
	v0 =	vadd.s32 v23, v0  }
0xa7: {  	v39 =	vld [tilespmem:$0x570];
	v38 =	vshll.u32 v26, $0xA;
	v37 =	vadd.s32 v25, v35;
	[tilespmem:$0xA80] =	vst v0  }
0xa8: {  	v42 =	vld [tilespmem:$0x5F0];
	v41 =	vshll.u32 v28, $0xA;
	v40 =	vadd.s32 v27, v38;
	[tilespmem:$0xA90] =	vst v37  }
0xa9: {  	v44 =	vshll.u32 v30, $0xA;
	v43 =	vadd.s32 v29, v41;
	[tilespmem:$0xAA0] =	vst v40  }
0xaa: {  	v46 =	vshll.u32 v32, $0xA;
	v45 =	vadd.s32 v31, v44;
	[tilespmem:$0xAB0] =	vst v43  }
0xab: {  	v48 =	vshll.u32 v34, $0xA;
	v47 =	vadd.s32 v33, v46;
	[tilespmem:$0xAC0] =	vst v45  }
0xac: {  	v50 =	vshll.u32 v39, $0xA;
	v49 =	vadd.s32 v36, v48;
	[tilespmem:$0xAD0] =	vst v47  }
0xad: {  	v51 =	vadd.s32 v42, v50;
	[tilespmem:$0xAE0] =	vst v49  }
0xae: {  	s12 =	simm.s32 $0xA80;
	s22 =	simm.s32 $0xE80;
	s23 =	simm.s32 $0x7;
	[tilespmem:$0xAF0] =	vst v51  }
0xaf: {  	[tilespmem:s22], [sflag:$0xE] =	stream.indirect.gather [hbm4b:s28+s29], $0x1, s12, s29, $0xb8;
	[tilespmem:$0x1000] =	vst v63  }
0xb0: {  	_ =	swait.ge [sflag:s23], $0x100  }
0xb1: {  	[sflag:s23] =	ssyncset.done $0x0  }
0xb2: {  	[sflag:s23] =	ssyncadd.s32 $0xFFFFFF00  }
0xb3: {  	v52 =	vld [tilespmem:$0x600]  }
0xb4: {  	v53 =	vld [tilespmem:$0x680]  }
0xb5: {  	v54 =	vld [tilespmem:$0x610]  }
0xb6: {  	v55 =	vld [tilespmem:$0x690]  }
0xb7: {  	v56 =	vld [tilespmem:$0x620]  }
0xb8: {  	v57 =	vld [tilespmem:$0x6A0]  }
0xb9: {  	v58 =	vld [tilespmem:$0x630]  }
0xba: {  	v59 =	vld [tilespmem:$0x6B0]  }
0xbb: {  	v60 =	vld [tilespmem:$0x640]  }
0xbc: {  	v61 =	vld [tilespmem:$0x6C0]  }
0xbd: {  	v62 =	vld [tilespmem:$0x650]  }
0xbe: {  	v63 =	vld [tilespmem:$0x6D0]  }
0xbf: {  	v16 =	vld [tilespmem:$0x660];
	v0 =	vshll.u32 v52, $0xA  }
0xc0: {  	v18 =	vld [tilespmem:$0x6E0];
	v17 =	vshll.u32 v54, $0xA;
	v0 =	vadd.s32 v53, v0  }
0xc1: {  	v21 =	vld [tilespmem:$0x670];
	v20 =	vshll.u32 v56, $0xA;
	v19 =	vadd.s32 v55, v17;
	[tilespmem:$0xB00] =	vst v0  }
0xc2: {  	v24 =	vld [tilespmem:$0x6F0];
	v23 =	vshll.u32 v58, $0xA;
	v22 =	vadd.s32 v57, v20;
	[tilespmem:$0xB10] =	vst v19  }
0xc3: {  	v26 =	vshll.u32 v60, $0xA;
	v25 =	vadd.s32 v59, v23;
	[tilespmem:$0xB20] =	vst v22  }
0xc4: {  	v28 =	vshll.u32 v62, $0xA;
	v27 =	vadd.s32 v61, v26;
	[tilespmem:$0xB30] =	vst v25  }
0xc5: {  	v30 =	vshll.u32 v16, $0xA;
	v29 =	vadd.s32 v63, v28;
	[tilespmem:$0xB40] =	vst v27  }
0xc6: {  	v32 =	vshll.u32 v21, $0xA;
	v31 =	vadd.s32 v18, v30;
	[tilespmem:$0xB50] =	vst v29  }
0xc7: {  	v33 =	vadd.s32 v24, v32;
	[tilespmem:$0xB60] =	vst v31  }
0xc8: {  	s13 =	simm.s32 $0xB00;
	s24 =	simm.s32 $0xF00;
	s25 =	simm.s32 $0x8;
	[tilespmem:$0xB70] =	vst v33  }
0xc9: {  	[tilespmem:s24], [sflag:$0xF] =	stream.indirect.gather [hbm4b:s28+s29], $0x1, s13, s29, $0xb8;
	[tilespmem:$0x1000] =	vst v63  }
0xca: {  	_ =	swait.ge [sflag:s25], $0x100  }
0xcb: {  	[sflag:s25] =	ssyncset.done $0x0  }
0xcc: {  	[sflag:s25] =	ssyncadd.s32 $0xFFFFFF00  }
0xcd: {  	v34 =	vld [tilespmem:$0x700]  }
0xce: {  	v35 =	vld [tilespmem:$0x780]  }
0xcf: {  	v36 =	vld [tilespmem:$0x710]  }
0xd0: {  	v37 =	vld [tilespmem:$0x790]  }
0xd1: {  	v38 =	vld [tilespmem:$0x720]  }
0xd2: {  	v39 =	vld [tilespmem:$0x7A0]  }
0xd3: {  	v40 =	vld [tilespmem:$0x730]  }
0xd4: {  	v41 =	vld [tilespmem:$0x7B0]  }
0xd5: {  	v42 =	vld [tilespmem:$0x740]  }
0xd6: {  	v43 =	vld [tilespmem:$0x7C0]  }
0xd7: {  	v44 =	vld [tilespmem:$0x750]  }
0xd8: {  	v45 =	vld [tilespmem:$0x7D0]  }
0xd9: {  	v46 =	vld [tilespmem:$0x760];
	v0 =	vshll.u32 v34, $0xA  }
0xda: {  	v48 =	vld [tilespmem:$0x7E0];
	v47 =	vshll.u32 v36, $0xA;
	v0 =	vadd.s32 v35, v0  }
0xdb: {  	v51 =	vld [tilespmem:$0x770];
	v50 =	vshll.u32 v38, $0xA;
	v49 =	vadd.s32 v37, v47;
	[tilespmem:$0xB80] =	vst v0  }
0xdc: {  	v54 =	vld [tilespmem:$0x7F0];
	v53 =	vshll.u32 v40, $0xA;
	v52 =	vadd.s32 v39, v50;
	[tilespmem:$0xB90] =	vst v49  }
0xdd: {  	v56 =	vshll.u32 v42, $0xA;
	v55 =	vadd.s32 v41, v53;
	[tilespmem:$0xBA0] =	vst v52  }
0xde: {  	v58 =	vshll.u32 v44, $0xA;
	v57 =	vadd.s32 v43, v56;
	[tilespmem:$0xBB0] =	vst v55  }
0xdf: {  	v60 =	vshll.u32 v46, $0xA;
	v59 =	vadd.s32 v45, v58;
	[tilespmem:$0xBC0] =	vst v57  }
0xe0: {  	v62 =	vshll.u32 v51, $0xA;
	v61 =	vadd.s32 v48, v60;
	[tilespmem:$0xBD0] =	vst v59  }
0xe1: {  	v63 =	vadd.s32 v54, v62;
	[tilespmem:$0xBE0] =	vst v61  }
0xe2: {  	s26 =	simm.s32 $0xB80;
	s14 =	simm.s32 $0xF80;
	[tilespmem:$0xBF0] =	vst v63  }
0xe3: {  	[tilespmem:s14], [sflag:$0x10] =	stream.indirect.gather [hbm4b:s28+s29], $0x1, s26, s29, $0xb8;
	[tilespmem:$0x1000] =	vst v63  }
0xe4: {  	s28 =	simm.s32 $0x9  }
0xe5: {  	_ =	swait.ge [sflag:s28], $0x80  }
0xe6: {  	s29 =	sshll.u32 s1, $0x7;
	[sflag:s28] =	ssyncset.done $0x0  }
0xe7: {  	s30 =	simm.s32 $0xA;
	s3 =	sadd.s32 s3, s29;
	[sflag:s28] =	ssyncadd.s32 $0xFFFFFF80  }
0xe8: {  	[hbm4b:s3+s2] =	stream.linear.scatter [tilespmem:s31], [sflag:$0x11], $0x80, $0x38;
	[tilespmem:$0x1000] =	vst v63  }
0xe9: {  	_ =	swait.ge [sflag:s30], $0x80  }
0xea: {  	[sflag:s30] =	ssyncset.done $0x0  }
0xeb: {  	s6 =	simm.s32 $0xB;
	s31 =	sadd.s32 $0x10, s3;
	[sflag:s30] =	ssyncadd.s32 $0xFFFFFF80  }
0xec: {  	[hbm4b:s31+s2] =	stream.linear.scatter [tilespmem:s7], [sflag:$0x12], $0x80, $0x38;
	[tilespmem:$0x1000] =	vst v63  }
0xed: {  	_ =	swait.ge [sflag:s6], $0x80  }
0xee: {  	[sflag:s6] =	ssyncset.done $0x0  }
0xef: {  	s13 =	simm.s32 $0xC;
	s7 =	sadd.s32 $0x20, s3;
	[sflag:s6] =	ssyncadd.s32 $0xFFFFFF80  }
0xf0: {  	[hbm4b:s7+s2] =	stream.linear.scatter [tilespmem:s16], [sflag:$0x13], $0x80, $0x38;
	[tilespmem:$0x1000] =	vst v63  }
0xf1: {  	_ =	swait.ge [sflag:s13], $0x80  }
0xf2: {  	[sflag:s13] =	ssyncset.done $0x0  }
0xf3: {  	s15 =	sadd.s32 $0x30, s3;
	s16 =	simm.s32 $0xD;
	[sflag:s13] =	ssyncadd.s32 $0xFFFFFF80  }
0xf4: {  	[hbm4b:s15+s2] =	stream.linear.scatter [tilespmem:s18], [sflag:$0x14], $0x80, $0x38;
	[tilespmem:$0x1000] =	vst v63  }
0xf5: {  	_ =	swait.ge [sflag:s16], $0x80  }
0xf6: {  	[sflag:s16] =	ssyncset.done $0x0  }
0xf7: {  	s17 =	sadd.s32 $0x40, s3;
	s18 =	simm.s32 $0xE;
	[sflag:s16] =	ssyncadd.s32 $0xFFFFFF80  }
0xf8: {  	[hbm4b:s17+s2] =	stream.linear.scatter [tilespmem:s20], [sflag:$0x15], $0x80, $0x38;
	[tilespmem:$0x1000] =	vst v63  }
0xf9: {  	_ =	swait.ge [sflag:s18], $0x80  }
0xfa: {  	[sflag:s18] =	ssyncset.done $0x0  }
0xfb: {  	s19 =	sadd.s32 $0x50, s3;
	s20 =	simm.s32 $0xF;
	[sflag:s18] =	ssyncadd.s32 $0xFFFFFF80  }
0xfc: {  	[hbm4b:s19+s2] =	stream.linear.scatter [tilespmem:s22], [sflag:$0x16], $0x80, $0x38;
	[tilespmem:$0x1000] =	vst v63  }
0xfd: {  	_ =	swait.ge [sflag:s20], $0x80  }
0xfe: {  	[sflag:s20] =	ssyncset.done $0x0  }
0xff: {  	s21 =	sadd.s32 $0x60, s3;
	s22 =	simm.s32 $0x10;
	[sflag:s20] =	ssyncadd.s32 $0xFFFFFF80  }
0x100: {  	[hbm4b:s21+s2] =	stream.linear.scatter [tilespmem:s24], [sflag:$0x17], $0x80, $0x38;
	[tilespmem:$0x1000] =	vst v63  }
0x101: {  	_ =	swait.ge [sflag:s22], $0x80  }
0x102: {  	[sflag:s22] =	ssyncset.done $0x0  }
0x103: {  	s23 =	simm.s32 $0x11;
	s3 =	sadd.s32 $0x70, s3;
	[sflag:s22] =	ssyncadd.s32 $0xFFFFFF80  }
0x104: {  	[hbm4b:s3+s2] =	stream.linear.scatter [tilespmem:s14], [sflag:$0x18], $0x80, $0x38;
	[tilespmem:$0x1000] =	vst v63  }
0x105: {  	_ =	swait.ge [sflag:s23], $0x80  }
0x106: {  	[sflag:s23] =	ssyncset.done $0x0  }
0x107: {  	s24 =	simm.s32 $0x12;
	[sflag:s23] =	ssyncadd.s32 $0xFFFFFF80  }
0x108: {  	_ =	swait.ge [sflag:s24], $0x80  }
0x109: {  	[sflag:s24] =	ssyncset.done $0x0  }
0x10a: {  	s25 =	simm.s32 $0x13;
	[sflag:s24] =	ssyncadd.s32 $0xFFFFFF80  }
0x10b: {  	_ =	swait.ge [sflag:s25], $0x80  }
0x10c: {  	[sflag:s25] =	ssyncset.done $0x0  }
0x10d: {  	s26 =	simm.s32 $0x14;
	[sflag:s25] =	ssyncadd.s32 $0xFFFFFF80  }
0x10e: {  	_ =	swait.ge [sflag:s26], $0x80  }
0x10f: {  	[sflag:s26] =	ssyncset.done $0x0  }
0x110: {  	s28 =	simm.s32 $0x15;
	[sflag:s26] =	ssyncadd.s32 $0xFFFFFF80  }
0x111: {  	_ =	swait.ge [sflag:s28], $0x80  }
0x112: {  	[sflag:s28] =	ssyncset.done $0x0  }
0x113: {  	s29 =	simm.s32 $0x16;
	[sflag:s28] =	ssyncadd.s32 $0xFFFFFF80  }
0x114: {  	_ =	swait.ge [sflag:s29], $0x80  }
0x115: {  	[sflag:s29] =	ssyncset.done $0x0  }
0x116: {  	s30 =	simm.s32 $0x17;
	[sflag:s29] =	ssyncadd.s32 $0xFFFFFF80  }
0x117: {  	_ =	swait.ge [sflag:s30], $0x80  }
0x118: {  	[sflag:s30] =	ssyncset.done $0x0  }
0x119: {  	s31 =	simm.s32 $0x18;
	[sflag:s30] =	ssyncadd.s32 $0xFFFFFF80  }
0x11a: {  	_ =	swait.ge [sflag:s31], $0x80  }
0x11b: {  	[sflag:s31] =	ssyncset.done $0x0  }
0x11c: {  	[sflag:s31] =	ssyncadd.s32 $0xFFFFFF80  }
0x11d: {  	_ =	sfence.sel $0x180000  }
0x11e: {  	[bflag:$0x0] =	sbarrier.arrive $0xFFFF  }
0x11f: {  	p0 =	sne.s32 s1, $0x0;
	_ =	strace $0x90000047  }
0x120: {  	s0 =	sadd.s32 @!p0 $0x100000, s0;
	[bflag:$0x2] =	sbarrier.arrive $0xFFFF  }
0x121: {  	[sflag:s0] =	ssyncadd.tile.s32 @!p0 $0x1;
	_ =	shalt  }
.Lfunc_end2:
_tile_overlayer_lowered:
.L_overlay_start_2:
0x122: {  	(tag) =	ssettag $0x2  }
0x123: {  	s0 =	rddreg [dreg:$0x0];
	s2 =	stileid.u32  }
0x124: {  	s1 =	rddreg [dreg:$0x1];
	p0 =	sne.s32 s2, $0x0  }
0x125: {  	s3 =	rddreg [dreg:$0x2];
	[bflag:$0x3] =	sbarrier.arrive $0xFFFF;
	s2 =	simm.s32 @!p0 $0x1C19  }
0x126: {  	[timem:s3], [sflag:s2] =	dma.local @!p0 [hbm:s0], s1  }
0x127: {  	s0 =	simm.s32 @!p0 $0x19  }
0x128: {  	_ =	swait.ge @!p0 [sflag:s0], s1  }
0x129: {  	s1 =	ssub.s32 @!p0 $0x0, s1;
	[sflag:s0] =	ssyncset.done @!p0 $0x0  }
0x12a: {  	[sflag:s0] =	ssyncadd.s32 @!p0 s1  }
0x12b: {  	[bflag:$0x3] =	sbarrier.arrive $0xFFFF  }
0x12c: {  	_ =	shalt  }

</sc_bundles>
